<compile_context>
chip_gen: v7x
topology: tpu7x:2x2x1
jax: 0.10.2.dev20260603
libtpu: 0.0.44.dev20260713+nightly
codegen_flags: <defaults>
</compile_context>

<pallas_src>
import functools

import jax
import jax.numpy as jnp
from jax import lax
from jax.experimental import pallas as pl
from jax.experimental.pallas import tpu as pltpu
from jax.experimental.pallas import tpu_sc as plsc

_NCHUNK = 4


def _stage1_body(H, TAR, attn_ref, dec_ref, w_ref, b_ref, upd_ref):
  a = attn_ref[0]
  m = a[0:TAR, :]
  for h in range(1, H):
    m = m + a[h * TAR:(h + 1) * TAR, :]
  m = m * (1.0 / H)
  mmax = jnp.max(m, axis=-1, keepdims=True)
  e = jnp.exp(m - mmax)
  dist = e / jnp.sum(e, axis=-1, keepdims=True)
  x = jnp.dot(dec_ref[0], w_ref[...],
              preferred_element_type=jnp.float32) + b_ref[0, 0]
  pg = jax.nn.sigmoid(x)
  upd_ref[0] = (1.0 - pg) * dist


def _stage2_body(VOCAB, fin_ref, dec_ref, w_ref, b_ref, out_ref):
  x = jnp.dot(dec_ref[...], w_ref[...],
              preferred_element_type=jnp.float32) + b_ref[0, 0]
  pg = jax.nn.sigmoid(x)
  row = fin_ref[...]
  mmax = jnp.max(row, axis=-1, keepdims=True)
  e = jnp.exp(row - mmax)
  s = jnp.sum(e, axis=-1, keepdims=True)
  pad = out_ref.shape[-1] - VOCAB
  out_ref[:, pl.ds(0, VOCAB)] = e * (pg / s)
  out_ref[:, pl.ds(VOCAB, pad)] = jnp.ones((out_ref.shape[0], pad),
                                           jnp.float32)


def _stage4_body(VOCAB, probs_ref, prev_ref, out_ref):
  del prev_ref
  out_ref[0] = jnp.log(probs_ref[:, pl.ds(0, VOCAB)])


def kernel(dec_output, final_output, attention_weights, encoder_input,
           W, b, inp_shape, tar_shape, training):
  B, TAR, D = dec_output.shape
  VOCAB = final_output.shape[-1]
  H = attention_weights.shape[1]
  INP = encoder_input.shape[1]
  R = B * TAR
  RC = R // _NCHUNK

  attn_r = attention_weights.reshape(B, H * TAR, INP)
  b2 = b.reshape(1, 1)
  dec2 = dec_output.reshape(R, D)
  fin2 = final_output.reshape(R, VOCAB)

  upd = pl.pallas_call(
      functools.partial(_stage1_body, H, TAR),
      grid=(B,),
      in_specs=[
          pl.BlockSpec((1, H * TAR, INP), lambda i: (i, 0, 0)),
          pl.BlockSpec((1, TAR, D), lambda i: (i, 0, 0)),
          pl.BlockSpec((D, 1), lambda i: (0, 0)),
          pl.BlockSpec((1, 1), lambda i: (0, 0)),
      ],
      out_specs=pl.BlockSpec((1, TAR, INP), lambda i: (i, 0, 0)),
      out_shape=jax.ShapeDtypeStruct((B, TAR, INP), jnp.float32),
  )(attn_r, dec_output, W, b2)
  upd2 = upd.reshape(R, INP)

  NC, NS = 2, 16
  NW = NC * NS
  L = 16
  mesh = plsc.VectorSubcoreMesh(core_axis_name="c", subcore_axis_name="s")
  RB = 16

  CS = [R // 4, R // 4, R // 4, R // 4]
  OFF = [sum(CS[:i]) for i in range(len(CS))]

  VOCABP = ((VOCAB + 127) // 128) * 128
  HV0 = VOCABP // 2
  HV1 = VOCABP - HV0

  def make_sc_chunk(off, rc):
    RPW = rc // NW
    T = 2 * RPW
    @functools.partial(
        pl.kernel,
        out_type=(),
        mesh=mesh,
        compiler_params=pltpu.CompilerParams(needs_layout_passes=False),
        scratch_types=[
            pltpu.VMEM((HV0,), jnp.float32),
            pltpu.VMEM((HV0,), jnp.float32),
            pltpu.VMEM((INP,), jnp.int32),
            pltpu.VMEM((RPW, INP), jnp.float32),
            pltpu.SemaphoreType.DMA,
            pltpu.SemaphoreType.DMA,
            pltpu.SemaphoreType.DMA,
            pltpu.SemaphoreType.DMA,
            pltpu.SemaphoreType.DMA,
        ],
    )
    def sc_scatter_add(enc_hbm, upd_hbm, probs_ref,
                       buf0, buf1, idx_v, val_v,
                       sin0, sin1, sout0, sout1, sup):
      w = lax.axis_index("s") * NC + lax.axis_index("c")
      bufs = (buf0, buf1)
      sins = (sin0, sin1)
      souts = (sout0, sout1)
      pltpu.async_copy(upd_hbm.at[pl.ds(off + w * RPW, RPW)], val_v,
                       sup).wait()
      same_batch = TAR % RPW == 0 and off % RPW == 0
      if same_batch:
        pltpu.sync_copy(enc_hbm.at[(off + w * RPW) // TAR], idx_v)

      def task(k):
        j, h = k // 2, k % 2
        base = h * HV0
        hv = HV0 if h == 0 else HV1
        return j, base, hv

      def start_in(k):
        j, base, hv = task(k)
        bb = bufs[k % 2]
        return pltpu.async_copy(
            probs_ref.at[w * RPW + j, pl.ds(base, hv)],
            bb.at[pl.ds(0, hv)], sins[k % 2])

      hin = {0: start_in(0)}
      hout = {}
      for k in range(T):
        if k + 1 < T:
          if k - 1 >= 0:
            hout[k - 1].wait()
          hin[k + 1] = start_in(k + 1)
        hin[k].wait()
        j, base, hv = task(k)
        bb = bufs[k % 2]
        if not same_batch and k % 2 == 0:
          pltpu.sync_copy(enc_hbm.at[(off + w * RPW + j) // TAR], idx_v)

        @pl.loop(0, INP // L)
        def _(kk, base=base, hv=hv, bb=bb, j=j):
          iv = idx_v[pl.ds(kk * L, L)]
          vv = val_v[j, pl.ds(kk * L, L)]
          m = (iv >= base) & (iv < base + hv)
          li = jnp.where(m, iv - base, 0)
          plsc.addupdate_scatter(bb, [li], vv, mask=m)

        hout[k] = pltpu.async_copy(
            bb.at[pl.ds(0, hv)],
            probs_ref.at[w * RPW + j, pl.ds(base, hv)], souts[k % 2])
      hout[T - 2].wait()
      hout[T - 1].wait()

    return sc_scatter_add

  combined_chunks = []
  for c, (off, rc) in enumerate(zip(OFF, CS)):
    probs_c = pl.pallas_call(
        functools.partial(_stage2_body, VOCAB),
        grid=(rc // RB,),
        in_specs=[
            pl.BlockSpec((RB, VOCAB), lambda j, o=off: (o // RB + j, 0)),
            pl.BlockSpec((RB, D), lambda j, o=off: (o // RB + j, 0)),
            pl.BlockSpec((D, 1), lambda j: (0, 0)),
            pl.BlockSpec((1, 1), lambda j: (0, 0)),
        ],
        out_specs=pl.BlockSpec((RB, VOCABP), lambda j: (j, 0)),
        out_shape=jax.ShapeDtypeStruct((rc, VOCABP), jnp.float32),
    )(fin2, dec2, W, b2)
    ref_c = jax.new_ref(probs_c)
    make_sc_chunk(off, rc)(encoder_input, upd2, ref_c)
    combined_chunks.append(ref_c[...])

  TB = TAR // RB
  out = None
  for c, (off, rc) in enumerate(zip(OFF, CS)):
    if out is None:
      args = (combined_chunks[c], jnp.zeros((1, 1), jnp.float32))
      prev_spec = pl.BlockSpec((1, 1), lambda j: (0, 0))
      aliases = {}
    else:
      args = (combined_chunks[c], out)
      prev_spec = pl.BlockSpec(memory_space=pl.ANY)
      aliases = {1: 0}
    out = pl.pallas_call(
        functools.partial(_stage4_body, VOCAB),
        grid=(rc // RB,),
        in_specs=[pl.BlockSpec((RB, VOCABP), lambda j: (j, 0)), prev_spec],
        out_specs=pl.BlockSpec(
            (1, RB, VOCAB),
            lambda j, o=off: (o // TAR + j // TB, j % TB, 0)),
        out_shape=jax.ShapeDtypeStruct((B, TAR, VOCAB), jnp.float32),
        input_output_aliases=aliases,
    )(*args)
  return out

# --- scband reference (transcript-rebuilt; emitter-appended) ---
"""Pipeline reference for scband-pointer-generator-73023033966843 (READ-ONLY COPY).

The authoritative reference and input builder live on the scoring server;
editing this copy changes nothing except your own understanding.
"""

import jax, jax.numpy as jnp
import numpy as np

B, TAR, INP, VOCAB, D, H = 8, 32, 2048, 100000, 1024, 16


def setup_inputs(seed: int = 0) -> dict:
    key = jax.random.key(seed)
    ks = jax.random.split(key, 6)
    return {
        "dec_output": jax.random.normal(ks[0], (B, TAR, D), dtype=jnp.float32),
        "final_output": jax.random.normal(ks[1], (B, TAR, VOCAB), dtype=jnp.float32),
        "attention_weights": jax.random.normal(ks[2], (B, H, TAR, INP), dtype=jnp.float32),
        "encoder_input": jax.random.randint(ks[3], (B, INP), 0, VOCAB).astype(jnp.int32),
        "W": jax.random.normal(ks[4], (D, 1), dtype=jnp.float32) * 0.02,
        "b": jnp.zeros((1,), dtype=jnp.float32),
        "inp_shape": INP,
        "tar_shape": TAR,
        "training": False,
    }


def reference(dec_output, final_output, attention_weights, encoder_input, W, b, inp_shape, tar_shape, training):
    # p_gen = sigmoid(Dense(1)(dec_output))
    p_gen = jax.nn.sigmoid(jnp.einsum("btd,do->bto", dec_output, W) + b)  # [B, TAR, 1]
    vocab_dist_ = jax.nn.softmax(final_output, axis=-1)
    vocab_dist = p_gen * vocab_dist_
    # mean_attention_heads = True
    attention_weights_ = jnp.mean(attention_weights, axis=1)  # [B, TAR, INP]
    attention_dist = jax.nn.softmax(attention_weights_, axis=-1)
    updates = (1.0 - p_gen) * attention_dist  # [B, TAR, INP]
    # tf.scatter_nd: copy_probs[b, t, encoder_input[b, i]] += updates[b, t, i]
    batch = final_output.shape[0]
    b_idx = jnp.arange(batch)[:, None, None]               # [B, 1, 1]
    t_idx = (jnp.arange(final_output.shape[1]) + (tar_shape - tar_shape))[None, :, None]  # [1, TAR, 1]
    v_idx = encoder_input.astype(jnp.int32)[:, None, :]    # [B, 1, INP]
    copy_probs = jnp.zeros_like(final_output).at[b_idx, t_idx, v_idx].add(updates)
    combined_probs = vocab_dist + copy_probs
    combined_logits = jnp.log(combined_probs)
    return combined_logits

if __name__ == "__main__":
    import jax
    _d = setup_inputs()
    print(jax.jit(kernel)(*tuple(_d.values())))

</pallas_src>

<mosaic_0001>
#map = affine_map<(d0, d1) -> (0, 0)>
module attributes {stable_mosaic.version = 14 : i64} {
  func.func @new_body(%arg0: i32, %arg1: i32, %arg2: memref<8x2048xi32, #tpu.memory_space<hbm>>, %arg3: memref<256x2048xf32, #tpu.memory_space<hbm>>, %arg4: memref<64x100096xf32, #tpu.memory_space<hbm>>, %arg5: memref<64x100096xf32, #tpu.memory_space<hbm>>, %arg6: memref<50048xf32, #tpu.memory_space<vmem>>, %arg7: memref<50048xf32, #tpu.memory_space<vmem>>, %arg8: memref<2048xi32, #tpu.memory_space<vmem>>, %arg9: memref<2x2048xf32, #tpu.memory_space<vmem>>, %arg10: memref<!tpu.dma_semaphore, #tpu.memory_space<semaphore_mem>>, %arg11: memref<!tpu.dma_semaphore, #tpu.memory_space<semaphore_mem>>, %arg12: memref<!tpu.dma_semaphore, #tpu.memory_space<semaphore_mem>>, %arg13: memref<!tpu.dma_semaphore, #tpu.memory_space<semaphore_mem>>, %arg14: memref<!tpu.dma_semaphore, #tpu.memory_space<semaphore_mem>>) attributes {dimension_semantics = [#tpu.dimension_semantics<core_parallel>, #tpu.dimension_semantics<subcore_parallel>], iteration_bounds = array<i64: 2, 16>, scalar_prefetch = 0 : i64, scratch_operands = 9 : i64, tpu.core_type = #tpu.core_type<sc_vector_subcore>, window_params = [{transform_indices = #map}, {transform_indices = #map}, {transform_indices = #map}, {transform_indices = #map}]} {
    %mul3A = arith.constant 2 : i32
    %mul3A_0 = arith.muli %arg1, %mul3A : i32
    %add3A = arith.addi %mul3A_0, %arg0 : i32
    %mul3A_1 = arith.constant 2 : i32
    %mul3A_2 = arith.muli %add3A, %mul3A_1 : i32
    %add3A_3 = arith.constant 64 : i32
    %add3A_4 = arith.addi %add3A_3, %mul3A_2 : i32
    %dma_start3A = arith.constant 0 : i32
    %dma_start3A_5 = tpu.memref_slice %arg3[%add3A_4, %dma_start3A] : memref<256x2048xf32, #tpu.memory_space<hbm>> -> memref<2x2048xf32, #tpu.memory_space<hbm>>
    %dma_start3A_6 = arith.constant 0 : i32
    %dma_start3A_7 = tpu.memref_slice %arg3[%add3A_4, %dma_start3A_6] : memref<256x2048xf32, #tpu.memory_space<hbm>> -> memref<2x2048xf32, #tpu.memory_space<hbm>>
    tpu.enqueue_dma source(%dma_start3A_7 : memref<2x2048xf32, #tpu.memory_space<hbm>>) target(%arg9 : memref<2x2048xf32, #tpu.memory_space<vmem>>) target_semaphore(%arg14 : memref<!tpu.dma_semaphore, #tpu.memory_space<semaphore_mem>>)
    %dma_wait3A = arith.constant 0 : i32
    %dma_wait3A_8 = tpu.memref_slice %arg3[%add3A_4, %dma_wait3A] : memref<256x2048xf32, #tpu.memory_space<hbm>> -> memref<2x2048xf32, #tpu.memory_space<hbm>>
    %dma_wait3A_9 = arith.constant 0 : i32
    %dma_wait3A_10 = tpu.memref_slice %arg3[%add3A_4, %dma_wait3A_9] : memref<256x2048xf32, #tpu.memory_space<hbm>> -> memref<2x2048xf32, #tpu.memory_space<hbm>>
    tpu.wait_dma2 semaphore(%arg14 : memref<!tpu.dma_semaphore, #tpu.memory_space<semaphore_mem>>) src(%dma_wait3A_10 : memref<2x2048xf32, #tpu.memory_space<hbm>>) dst(%arg9 : memref<2x2048xf32, #tpu.memory_space<vmem>>)
    %mul3A_11 = arith.constant 2 : i32
    %mul3A_12 = arith.muli %add3A, %mul3A_11 : i32
    %add3A_13 = arith.constant 64 : i32
    %add3A_14 = arith.addi %add3A_13, %mul3A_12 : i32
    %jit3A = arith.constant 32 : i32
    %div3A = arith.divsi %add3A_14, %jit3A : i32
    %sign3A = arith.constant 0 : i32
    %sign3A_15 = arith.cmpi sgt, %add3A_14, %sign3A : i32
    %sign3A_16 = arith.extui %sign3A_15 : i1 to i32
    %sign3A_17 = arith.constant 0 : i32
    %sign3A_18 = arith.cmpi slt, %add3A_14, %sign3A_17 : i32
    %sign3A_19 = arith.extui %sign3A_18 : i1 to i32
    %sign3A_20 = arith.subi %sign3A_16, %sign3A_19 : i32
    %sign3A_21 = arith.constant 0 : i32
    %sign3A_22 = arith.cmpi sgt, %jit3A, %sign3A_21 : i32
    %sign3A_23 = arith.extui %sign3A_22 : i1 to i32
    %sign3A_24 = arith.constant 0 : i32
    %sign3A_25 = arith.cmpi slt, %jit3A, %sign3A_24 : i32
    %sign3A_26 = arith.extui %sign3A_25 : i1 to i32
    %sign3A_27 = arith.subi %sign3A_23, %sign3A_26 : i32
    %ne3A = arith.cmpi ne, %sign3A_20, %sign3A_27 : i32
    %rem3A = arith.remsi %add3A_14, %jit3A : i32
    %ne3A_28 = arith.constant 0 : i32
    %ne3A_29 = arith.cmpi ne, %rem3A, %ne3A_28 : i32
    %and3A = arith.andi %ne3A, %ne3A_29 : i1
    %sub3A = arith.constant 1 : i32
    %sub3A_30 = arith.subi %div3A, %sub3A : i32
    %select_n3A = arith.select %and3A, %sub3A_30, %div3A : i32
    "tpu.region"() ({
      %run_scoped3A = tpu.sem_alloc : memref<!tpu.dma_semaphore, #tpu.memory_space<semaphore_mem>>
      %dma_start3A_242 = arith.constant 0 : i32
      %dma_start3A_243 = tpu.memref_slice %arg2[%select_n3A, %dma_start3A_242] : memref<8x2048xi32, #tpu.memory_space<hbm>> -> memref<1x2048xi32, #tpu.memory_space<hbm>>
      %dma_start3A_244 = tpu.memref_squeeze %dma_start3A_243 : memref<1x2048xi32, #tpu.memory_space<hbm>> -> memref<2048xi32, #tpu.memory_space<hbm>>
      %dma_start3A_245 = arith.constant 0 : i32
      %dma_start3A_246 = tpu.memref_slice %arg2[%select_n3A, %dma_start3A_245] : memref<8x2048xi32, #tpu.memory_space<hbm>> -> memref<1x2048xi32, #tpu.memory_space<hbm>>
      %dma_start3A_247 = tpu.memref_squeeze %dma_start3A_246 : memref<1x2048xi32, #tpu.memory_space<hbm>> -> memref<2048xi32, #tpu.memory_space<hbm>>
      tpu.enqueue_dma source(%dma_start3A_247 : memref<2048xi32, #tpu.memory_space<hbm>>) target(%arg8 : memref<2048xi32, #tpu.memory_space<vmem>>) target_semaphore(%run_scoped3A : memref<!tpu.dma_semaphore, #tpu.memory_space<semaphore_mem>>)
      %dma_wait3A_248 = arith.constant 0 : i32
      %dma_wait3A_249 = tpu.memref_slice %arg2[%select_n3A, %dma_wait3A_248] : memref<8x2048xi32, #tpu.memory_space<hbm>> -> memref<1x2048xi32, #tpu.memory_space<hbm>>
      %dma_wait3A_250 = tpu.memref_squeeze %dma_wait3A_249 : memref<1x2048xi32, #tpu.memory_space<hbm>> -> memref<2048xi32, #tpu.memory_space<hbm>>
      %dma_wait3A_251 = arith.constant 0 : i32
      %dma_wait3A_252 = tpu.memref_slice %arg2[%select_n3A, %dma_wait3A_251] : memref<8x2048xi32, #tpu.memory_space<hbm>> -> memref<1x2048xi32, #tpu.memory_space<hbm>>
      %dma_wait3A_253 = tpu.memref_squeeze %dma_wait3A_252 : memref<1x2048xi32, #tpu.memory_space<hbm>> -> memref<2048xi32, #tpu.memory_space<hbm>>
      tpu.wait_dma2 semaphore(%run_scoped3A : memref<!tpu.dma_semaphore, #tpu.memory_space<semaphore_mem>>) src(%dma_wait3A_253 : memref<2048xi32, #tpu.memory_space<hbm>>) dst(%arg8 : memref<2048xi32, #tpu.memory_space<vmem>>)
      tpu.yield
    }) : () -> ()
    %mul3A_31 = arith.constant 2 : i32
    %mul3A_32 = arith.muli %add3A, %mul3A_31 : i32
    %add3A_33 = arith.constant 0 : i32
    %add3A_34 = arith.addi %mul3A_32, %add3A_33 : i32
    %dma_start3A_35 = arith.constant 0 : i32
    %dma_start3A_36 = tpu.memref_slice %arg6[%dma_start3A_35] : memref<50048xf32, #tpu.memory_space<vmem>> -> memref<50048xf32, #tpu.memory_space<vmem>>
    %dma_start3A_37 = arith.constant 0 : i32
    %dma_start3A_38 = tpu.memref_slice %arg4[%add3A_34, %dma_start3A_37] : memref<64x100096xf32, #tpu.memory_space<hbm>> -> memref<1x50048xf32, #tpu.memory_space<hbm>>
    %dma_start3A_39 = tpu.memref_squeeze %dma_start3A_38 : memref<1x50048xf32, #tpu.memory_space<hbm>> -> memref<50048xf32, #tpu.memory_space<hbm>>
    %dma_start3A_40 = arith.constant 0 : i32
    %dma_start3A_41 = tpu.memref_slice %arg6[%dma_start3A_40] : memref<50048xf32, #tpu.memory_space<vmem>> -> memref<50048xf32, #tpu.memory_space<vmem>>
    %dma_start3A_42 = arith.constant 0 : i32
    %dma_start3A_43 = tpu.memref_slice %arg4[%add3A_34, %dma_start3A_42] : memref<64x100096xf32, #tpu.memory_space<hbm>> -> memref<1x50048xf32, #tpu.memory_space<hbm>>
    %dma_start3A_44 = tpu.memref_squeeze %dma_start3A_43 : memref<1x50048xf32, #tpu.memory_space<hbm>> -> memref<50048xf32, #tpu.memory_space<hbm>>
    tpu.enqueue_dma source(%dma_start3A_44 : memref<50048xf32, #tpu.memory_space<hbm>>) target(%dma_start3A_41 : memref<50048xf32, #tpu.memory_space<vmem>>) target_semaphore(%arg10 : memref<!tpu.dma_semaphore, #tpu.memory_space<semaphore_mem>>)
    %mul3A_45 = arith.constant 2 : i32
    %mul3A_46 = arith.muli %add3A, %mul3A_45 : i32
    %add3A_47 = arith.constant 0 : i32
    %add3A_48 = arith.addi %mul3A_46, %add3A_47 : i32
    %dma_start3A_49 = arith.constant 0 : i32
    %dma_start3A_50 = tpu.memref_slice %arg7[%dma_start3A_49] : memref<50048xf32, #tpu.memory_space<vmem>> -> memref<50048xf32, #tpu.memory_space<vmem>>
    %dma_start3A_51 = arith.constant 50048 : i32
    %dma_start3A_52 = tpu.memref_slice %arg4[%add3A_48, %dma_start3A_51] : memref<64x100096xf32, #tpu.memory_space<hbm>> -> memref<1x50048xf32, #tpu.memory_space<hbm>>
    %dma_start3A_53 = tpu.memref_squeeze %dma_start3A_52 : memref<1x50048xf32, #tpu.memory_space<hbm>> -> memref<50048xf32, #tpu.memory_space<hbm>>
    %dma_start3A_54 = arith.constant 0 : i32
    %dma_start3A_55 = tpu.memref_slice %arg7[%dma_start3A_54] : memref<50048xf32, #tpu.memory_space<vmem>> -> memref<50048xf32, #tpu.memory_space<vmem>>
    %dma_start3A_56 = arith.constant 50048 : i32
    %dma_start3A_57 = tpu.memref_slice %arg4[%add3A_48, %dma_start3A_56] : memref<64x100096xf32, #tpu.memory_space<hbm>> -> memref<1x50048xf32, #tpu.memory_space<hbm>>
    %dma_start3A_58 = tpu.memref_squeeze %dma_start3A_57 : memref<1x50048xf32, #tpu.memory_space<hbm>> -> memref<50048xf32, #tpu.memory_space<hbm>>
    tpu.enqueue_dma source(%dma_start3A_58 : memref<50048xf32, #tpu.memory_space<hbm>>) target(%dma_start3A_55 : memref<50048xf32, #tpu.memory_space<vmem>>) target_semaphore(%arg11 : memref<!tpu.dma_semaphore, #tpu.memory_space<semaphore_mem>>)
    %dma_wait3A_59 = arith.constant 0 : i32
    %dma_wait3A_60 = tpu.memref_slice %arg6[%dma_wait3A_59] : memref<50048xf32, #tpu.memory_space<vmem>> -> memref<50048xf32, #tpu.memory_space<vmem>>
    %dma_wait3A_61 = arith.constant 0 : i32
    %dma_wait3A_62 = tpu.memref_slice %arg4[%add3A_34, %dma_wait3A_61] : memref<64x100096xf32, #tpu.memory_space<hbm>> -> memref<1x50048xf32, #tpu.memory_space<hbm>>
    %dma_wait3A_63 = tpu.memref_squeeze %dma_wait3A_62 : memref<1x50048xf32, #tpu.memory_space<hbm>> -> memref<50048xf32, #tpu.memory_space<hbm>>
    %dma_wait3A_64 = arith.constant 0 : i32
    %dma_wait3A_65 = tpu.memref_slice %arg6[%dma_wait3A_64] : memref<50048xf32, #tpu.memory_space<vmem>> -> memref<50048xf32, #tpu.memory_space<vmem>>
    %dma_wait3A_66 = arith.constant 0 : i32
    %dma_wait3A_67 = tpu.memref_slice %arg4[%add3A_34, %dma_wait3A_66] : memref<64x100096xf32, #tpu.memory_space<hbm>> -> memref<1x50048xf32, #tpu.memory_space<hbm>>
    %dma_wait3A_68 = tpu.memref_squeeze %dma_wait3A_67 : memref<1x50048xf32, #tpu.memory_space<hbm>> -> memref<50048xf32, #tpu.memory_space<hbm>>
    tpu.wait_dma2 semaphore(%arg10 : memref<!tpu.dma_semaphore, #tpu.memory_space<semaphore_mem>>) src(%dma_wait3A_68 : memref<50048xf32, #tpu.memory_space<hbm>>) dst(%dma_wait3A_65 : memref<50048xf32, #tpu.memory_space<vmem>>)
    %scan3A = arith.constant 0 : i32
    %scan3A_69 = arith.constant 128 : i32
    %scan3A_70 = arith.addi %scan3A, %scan3A_69 : i32
    %scan3A_71 = arith.constant 1 : i32
    scf.for %scan3A_242 = %scan3A to %scan3A_70 step %scan3A_71  : i32 {
      %mul3A_243 = arith.constant 1 : i32
      %mul3A_244 = arith.muli %scan3A_242, %mul3A_243 : i32
      %add3A_245 = arith.constant 0 : i32
      %add3A_246 = arith.addi %add3A_245, %mul3A_244 : i32
      %mul3A_247 = arith.constant 16 : i32
      %mul3A_248 = arith.muli %add3A_246, %mul3A_247 : i32
      %get3A = arith.index_cast %mul3A_248 : i32 to index
      %get3A_249 = tpu.vector_load %arg8[%get3A] {strides = array<i32>} : memref<2048xi32, #tpu.memory_space<vmem>>, vector<16xi32>,
      %mul3A_250 = arith.constant 16 : i32
      %mul3A_251 = arith.muli %add3A_246, %mul3A_250 : i32
      %get3A_252 = arith.constant 0 : i32
      %get3A_253 = arith.index_cast %get3A_252 : i32 to index
      %get3A_254 = arith.index_cast %mul3A_251 : i32 to index
      %get3A_255 = tpu.vector_load %arg9[%get3A_253, %get3A_254] {strides = array<i32>} : memref<2x2048xf32, #tpu.memory_space<vmem>>, vector<16xf32>,
      %ge3A = arith.constant 0 : i32
      %ge3A_256 = vector.broadcast %ge3A : i32 to vector<16xi32>
      %ge3A_257 = arith.cmpi sge, %get3A_249, %ge3A_256 : vector<16xi32>
      %lt3A = arith.constant 50048 : i32
      %lt3A_258 = vector.broadcast %lt3A : i32 to vector<16xi32>
      %lt3A_259 = arith.cmpi slt, %get3A_249, %lt3A_258 : vector<16xi32>
      %and3A_260 = arith.andi %ge3A_257, %lt3A_259 : vector<16xi1>
      %sub3A_261 = arith.constant 0 : i32
      %sub3A_262 = vector.broadcast %sub3A_261 : i32 to vector<16xi32>
      %sub3A_263 = arith.subi %get3A_249, %sub3A_262 : vector<16xi32>
      %jit3A_264 = arith.constant 0 : i32
      %broadcast_in_dim3A = vector.broadcast %jit3A_264 : i32 to vector<16xi32>
      %select_n3A_265 = arith.select %and3A_260, %sub3A_263, %broadcast_in_dim3A : vector<16xi1>, vector<16xi32>
      tpu.vector_store_idx %arg6[%select_n3A_265], %get3A_255 masked %and3A_260 {add = true} : memref<50048xf32, #tpu.memory_space<vmem>>[vector<16xi32>], vector<16xf32>, vector<16xi1>
    }
    %scan3A_72 = arith.constant 128 : i32
    %mul3A_73 = arith.constant 2 : i32
    %mul3A_74 = arith.muli %add3A, %mul3A_73 : i32
    %add3A_75 = arith.constant 0 : i32
    %add3A_76 = arith.addi %mul3A_74, %add3A_75 : i32
    %dma_start3A_77 = arith.constant 0 : i32
    %dma_start3A_78 = tpu.memref_slice %arg6[%dma_start3A_77] : memref<50048xf32, #tpu.memory_space<vmem>> -> memref<50048xf32, #tpu.memory_space<vmem>>
    %dma_start3A_79 = arith.constant 0 : i32
    %dma_start3A_80 = tpu.memref_slice %arg4[%add3A_76, %dma_start3A_79] : memref<64x100096xf32, #tpu.memory_space<hbm>> -> memref<1x50048xf32, #tpu.memory_space<hbm>>
    %dma_start3A_81 = tpu.memref_squeeze %dma_start3A_80 : memref<1x50048xf32, #tpu.memory_space<hbm>> -> memref<50048xf32, #tpu.memory_space<hbm>>
    %dma_start3A_82 = arith.constant 0 : i32
    %dma_start3A_83 = tpu.memref_slice %arg4[%add3A_76, %dma_start3A_82] : memref<64x100096xf32, #tpu.memory_space<hbm>> -> memref<1x50048xf32, #tpu.memory_space<hbm>>
    %dma_start3A_84 = tpu.memref_squeeze %dma_start3A_83 : memref<1x50048xf32, #tpu.memory_space<hbm>> -> memref<50048xf32, #tpu.memory_space<hbm>>
    %dma_start3A_85 = arith.constant 0 : i32
    %dma_start3A_86 = tpu.memref_slice %arg6[%dma_start3A_85] : memref<50048xf32, #tpu.memory_space<vmem>> -> memref<50048xf32, #tpu.memory_space<vmem>>
    tpu.enqueue_dma source(%dma_start3A_86 : memref<50048xf32, #tpu.memory_space<vmem>>) target(%dma_start3A_84 : memref<50048xf32, #tpu.memory_space<hbm>>) target_semaphore(%arg12 : memref<!tpu.dma_semaphore, #tpu.memory_space<semaphore_mem>>)
    %dma_wait3A_87 = arith.constant 0 : i32
    %dma_wait3A_88 = tpu.memref_slice %arg6[%dma_wait3A_87] : memref<50048xf32, #tpu.memory_space<vmem>> -> memref<50048xf32, #tpu.memory_space<vmem>>
    %dma_wait3A_89 = arith.constant 0 : i32
    %dma_wait3A_90 = tpu.memref_slice %arg4[%add3A_76, %dma_wait3A_89] : memref<64x100096xf32, #tpu.memory_space<hbm>> -> memref<1x50048xf32, #tpu.memory_space<hbm>>
    %dma_wait3A_91 = tpu.memref_squeeze %dma_wait3A_90 : memref<1x50048xf32, #tpu.memory_space<hbm>> -> memref<50048xf32, #tpu.memory_space<hbm>>
    %dma_wait3A_92 = arith.constant 0 : i32
    %dma_wait3A_93 = tpu.memref_slice %arg4[%add3A_76, %dma_wait3A_92] : memref<64x100096xf32, #tpu.memory_space<hbm>> -> memref<1x50048xf32, #tpu.memory_space<hbm>>
    %dma_wait3A_94 = tpu.memref_squeeze %dma_wait3A_93 : memref<1x50048xf32, #tpu.memory_space<hbm>> -> memref<50048xf32, #tpu.memory_space<hbm>>
    %dma_wait3A_95 = arith.constant 0 : i32
    %dma_wait3A_96 = tpu.memref_slice %arg6[%dma_wait3A_95] : memref<50048xf32, #tpu.memory_space<vmem>> -> memref<50048xf32, #tpu.memory_space<vmem>>
    tpu.wait_dma2 semaphore(%arg12 : memref<!tpu.dma_semaphore, #tpu.memory_space<semaphore_mem>>) src(%dma_wait3A_96 : memref<50048xf32, #tpu.memory_space<vmem>>) dst(%dma_wait3A_94 : memref<50048xf32, #tpu.memory_space<hbm>>)
    %mul3A_97 = arith.constant 2 : i32
    %mul3A_98 = arith.muli %add3A, %mul3A_97 : i32
    %add3A_99 = arith.constant 1 : i32
    %add3A_100 = arith.addi %mul3A_98, %add3A_99 : i32
    %dma_start3A_101 = arith.constant 0 : i32
    %dma_start3A_102 = tpu.memref_slice %arg6[%dma_start3A_101] : memref<50048xf32, #tpu.memory_space<vmem>> -> memref<50048xf32, #tpu.memory_space<vmem>>
    %dma_start3A_103 = arith.constant 0 : i32
    %dma_start3A_104 = tpu.memref_slice %arg4[%add3A_100, %dma_start3A_103] : memref<64x100096xf32, #tpu.memory_space<hbm>> -> memref<1x50048xf32, #tpu.memory_space<hbm>>
    %dma_start3A_105 = tpu.memref_squeeze %dma_start3A_104 : memref<1x50048xf32, #tpu.memory_space<hbm>> -> memref<50048xf32, #tpu.memory_space<hbm>>
    %dma_start3A_106 = arith.constant 0 : i32
    %dma_start3A_107 = tpu.memref_slice %arg6[%dma_start3A_106] : memref<50048xf32, #tpu.memory_space<vmem>> -> memref<50048xf32, #tpu.memory_space<vmem>>
    %dma_start3A_108 = arith.constant 0 : i32
    %dma_start3A_109 = tpu.memref_slice %arg4[%add3A_100, %dma_start3A_108] : memref<64x100096xf32, #tpu.memory_space<hbm>> -> memref<1x50048xf32, #tpu.memory_space<hbm>>
    %dma_start3A_110 = tpu.memref_squeeze %dma_start3A_109 : memref<1x50048xf32, #tpu.memory_space<hbm>> -> memref<50048xf32, #tpu.memory_space<hbm>>
    tpu.enqueue_dma source(%dma_start3A_110 : memref<50048xf32, #tpu.memory_space<hbm>>) target(%dma_start3A_107 : memref<50048xf32, #tpu.memory_space<vmem>>) target_semaphore(%arg10 : memref<!tpu.dma_semaphore, #tpu.memory_space<semaphore_mem>>)
    %dma_wait3A_111 = arith.constant 0 : i32
    %dma_wait3A_112 = tpu.memref_slice %arg7[%dma_wait3A_111] : memref<50048xf32, #tpu.memory_space<vmem>> -> memref<50048xf32, #tpu.memory_space<vmem>>
    %dma_wait3A_113 = arith.constant 50048 : i32
    %dma_wait3A_114 = tpu.memref_slice %arg4[%add3A_48, %dma_wait3A_113] : memref<64x100096xf32, #tpu.memory_space<hbm>> -> memref<1x50048xf32, #tpu.memory_space<hbm>>
    %dma_wait3A_115 = tpu.memref_squeeze %dma_wait3A_114 : memref<1x50048xf32, #tpu.memory_space<hbm>> -> memref<50048xf32, #tpu.memory_space<hbm>>
    %dma_wait3A_116 = arith.constant 0 : i32
    %dma_wait3A_117 = tpu.memref_slice %arg7[%dma_wait3A_116] : memref<50048xf32, #tpu.memory_space<vmem>> -> memref<50048xf32, #tpu.memory_space<vmem>>
    %dma_wait3A_118 = arith.constant 50048 : i32
    %dma_wait3A_119 = tpu.memref_slice %arg4[%add3A_48, %dma_wait3A_118] : memref<64x100096xf32, #tpu.memory_space<hbm>> -> memref<1x50048xf32, #tpu.memory_space<hbm>>
    %dma_wait3A_120 = tpu.memref_squeeze %dma_wait3A_119 : memref<1x50048xf32, #tpu.memory_space<hbm>> -> memref<50048xf32, #tpu.memory_space<hbm>>
    tpu.wait_dma2 semaphore(%arg11 : memref<!tpu.dma_semaphore, #tpu.memory_space<semaphore_mem>>) src(%dma_wait3A_120 : memref<50048xf32, #tpu.memory_space<hbm>>) dst(%dma_wait3A_117 : memref<50048xf32, #tpu.memory_space<vmem>>)
    %scan3A_121 = arith.constant 0 : i32
    %scan3A_122 = arith.constant 128 : i32
    %scan3A_123 = arith.addi %scan3A_121, %scan3A_122 : i32
    %scan3A_124 = arith.constant 1 : i32
    scf.for %scan3A_242 = %scan3A_121 to %scan3A_123 step %scan3A_124  : i32 {
      %mul3A_243 = arith.constant 1 : i32
      %mul3A_244 = arith.muli %scan3A_242, %mul3A_243 : i32
      %add3A_245 = arith.constant 0 : i32
      %add3A_246 = arith.addi %add3A_245, %mul3A_244 : i32
      %mul3A_247 = arith.constant 16 : i32
      %mul3A_248 = arith.muli %add3A_246, %mul3A_247 : i32
      %get3A = arith.index_cast %mul3A_248 : i32 to index
      %get3A_249 = tpu.vector_load %arg8[%get3A] {strides = array<i32>} : memref<2048xi32, #tpu.memory_space<vmem>>, vector<16xi32>,
      %mul3A_250 = arith.constant 16 : i32
      %mul3A_251 = arith.muli %add3A_246, %mul3A_250 : i32
      %get3A_252 = arith.constant 0 : i32
      %get3A_253 = arith.index_cast %get3A_252 : i32 to index
      %get3A_254 = arith.index_cast %mul3A_251 : i32 to index
      %get3A_255 = tpu.vector_load %arg9[%get3A_253, %get3A_254] {strides = array<i32>} : memref<2x2048xf32, #tpu.memory_space<vmem>>, vector<16xf32>,
      %ge3A = arith.constant 50048 : i32
      %ge3A_256 = vector.broadcast %ge3A : i32 to vector<16xi32>
      %ge3A_257 = arith.cmpi sge, %get3A_249, %ge3A_256 : vector<16xi32>
      %lt3A = arith.constant 100096 : i32
      %lt3A_258 = vector.broadcast %lt3A : i32 to vector<16xi32>
      %lt3A_259 = arith.cmpi slt, %get3A_249, %lt3A_258 : vector<16xi32>
      %and3A_260 = arith.andi %ge3A_257, %lt3A_259 : vector<16xi1>
      %sub3A_261 = arith.constant 50048 : i32
      %sub3A_262 = vector.broadcast %sub3A_261 : i32 to vector<16xi32>
      %sub3A_263 = arith.subi %get3A_249, %sub3A_262 : vector<16xi32>
      %jit3A_264 = arith.constant 0 : i32
      %broadcast_in_dim3A = vector.broadcast %jit3A_264 : i32 to vector<16xi32>
      %select_n3A_265 = arith.select %and3A_260, %sub3A_263, %broadcast_in_dim3A : vector<16xi1>, vector<16xi32>
      tpu.vector_store_idx %arg7[%select_n3A_265], %get3A_255 masked %and3A_260 {add = true} : memref<50048xf32, #tpu.memory_space<vmem>>[vector<16xi32>], vector<16xf32>, vector<16xi1>
    }
    %scan3A_125 = arith.constant 128 : i32
    %mul3A_126 = arith.constant 2 : i32
    %mul3A_127 = arith.muli %add3A, %mul3A_126 : i32
    %add3A_128 = arith.constant 0 : i32
    %add3A_129 = arith.addi %mul3A_127, %add3A_128 : i32
    %dma_start3A_130 = arith.constant 0 : i32
    %dma_start3A_131 = tpu.memref_slice %arg7[%dma_start3A_130] : memref<50048xf32, #tpu.memory_space<vmem>> -> memref<50048xf32, #tpu.memory_space<vmem>>
    %dma_start3A_132 = arith.constant 50048 : i32
    %dma_start3A_133 = tpu.memref_slice %arg4[%add3A_129, %dma_start3A_132] : memref<64x100096xf32, #tpu.memory_space<hbm>> -> memref<1x50048xf32, #tpu.memory_space<hbm>>
    %dma_start3A_134 = tpu.memref_squeeze %dma_start3A_133 : memref<1x50048xf32, #tpu.memory_space<hbm>> -> memref<50048xf32, #tpu.memory_space<hbm>>
    %dma_start3A_135 = arith.constant 50048 : i32
    %dma_start3A_136 = tpu.memref_slice %arg4[%add3A_129, %dma_start3A_135] : memref<64x100096xf32, #tpu.memory_space<hbm>> -> memref<1x50048xf32, #tpu.memory_space<hbm>>
    %dma_start3A_137 = tpu.memref_squeeze %dma_start3A_136 : memref<1x50048xf32, #tpu.memory_space<hbm>> -> memref<50048xf32, #tpu.memory_space<hbm>>
    %dma_start3A_138 = arith.constant 0 : i32
    %dma_start3A_139 = tpu.memref_slice %arg7[%dma_start3A_138] : memref<50048xf32, #tpu.memory_space<vmem>> -> memref<50048xf32, #tpu.memory_space<vmem>>
    tpu.enqueue_dma source(%dma_start3A_139 : memref<50048xf32, #tpu.memory_space<vmem>>) target(%dma_start3A_137 : memref<50048xf32, #tpu.memory_space<hbm>>) target_semaphore(%arg13 : memref<!tpu.dma_semaphore, #tpu.memory_space<semaphore_mem>>)
    %dma_wait3A_140 = arith.constant 0 : i32
    %dma_wait3A_141 = tpu.memref_slice %arg7[%dma_wait3A_140] : memref<50048xf32, #tpu.memory_space<vmem>> -> memref<50048xf32, #tpu.memory_space<vmem>>
    %dma_wait3A_142 = arith.constant 50048 : i32
    %dma_wait3A_143 = tpu.memref_slice %arg4[%add3A_129, %dma_wait3A_142] : memref<64x100096xf32, #tpu.memory_space<hbm>> -> memref<1x50048xf32, #tpu.memory_space<hbm>>
    %dma_wait3A_144 = tpu.memref_squeeze %dma_wait3A_143 : memref<1x50048xf32, #tpu.memory_space<hbm>> -> memref<50048xf32, #tpu.memory_space<hbm>>
    %dma_wait3A_145 = arith.constant 50048 : i32
    %dma_wait3A_146 = tpu.memref_slice %arg4[%add3A_129, %dma_wait3A_145] : memref<64x100096xf32, #tpu.memory_space<hbm>> -> memref<1x50048xf32, #tpu.memory_space<hbm>>
    %dma_wait3A_147 = tpu.memref_squeeze %dma_wait3A_146 : memref<1x50048xf32, #tpu.memory_space<hbm>> -> memref<50048xf32, #tpu.memory_space<hbm>>
    %dma_wait3A_148 = arith.constant 0 : i32
    %dma_wait3A_149 = tpu.memref_slice %arg7[%dma_wait3A_148] : memref<50048xf32, #tpu.memory_space<vmem>> -> memref<50048xf32, #tpu.memory_space<vmem>>
    tpu.wait_dma2 semaphore(%arg13 : memref<!tpu.dma_semaphore, #tpu.memory_space<semaphore_mem>>) src(%dma_wait3A_149 : memref<50048xf32, #tpu.memory_space<vmem>>) dst(%dma_wait3A_147 : memref<50048xf32, #tpu.memory_space<hbm>>)
    %mul3A_150 = arith.constant 2 : i32
    %mul3A_151 = arith.muli %add3A, %mul3A_150 : i32
    %add3A_152 = arith.constant 1 : i32
    %add3A_153 = arith.addi %mul3A_151, %add3A_152 : i32
    %dma_start3A_154 = arith.constant 0 : i32
    %dma_start3A_155 = tpu.memref_slice %arg7[%dma_start3A_154] : memref<50048xf32, #tpu.memory_space<vmem>> -> memref<50048xf32, #tpu.memory_space<vmem>>
    %dma_start3A_156 = arith.constant 50048 : i32
    %dma_start3A_157 = tpu.memref_slice %arg4[%add3A_153, %dma_start3A_156] : memref<64x100096xf32, #tpu.memory_space<hbm>> -> memref<1x50048xf32, #tpu.memory_space<hbm>>
    %dma_start3A_158 = tpu.memref_squeeze %dma_start3A_157 : memref<1x50048xf32, #tpu.memory_space<hbm>> -> memref<50048xf32, #tpu.memory_space<hbm>>
    %dma_start3A_159 = arith.constant 0 : i32
    %dma_start3A_160 = tpu.memref_slice %arg7[%dma_start3A_159] : memref<50048xf32, #tpu.memory_space<vmem>> -> memref<50048xf32, #tpu.memory_space<vmem>>
    %dma_start3A_161 = arith.constant 50048 : i32
    %dma_start3A_162 = tpu.memref_slice %arg4[%add3A_153, %dma_start3A_161] : memref<64x100096xf32, #tpu.memory_space<hbm>> -> memref<1x50048xf32, #tpu.memory_space<hbm>>
    %dma_start3A_163 = tpu.memref_squeeze %dma_start3A_162 : memref<1x50048xf32, #tpu.memory_space<hbm>> -> memref<50048xf32, #tpu.memory_space<hbm>>
    tpu.enqueue_dma source(%dma_start3A_163 : memref<50048xf32, #tpu.memory_space<hbm>>) target(%dma_start3A_160 : memref<50048xf32, #tpu.memory_space<vmem>>) target_semaphore(%arg11 : memref<!tpu.dma_semaphore, #tpu.memory_space<semaphore_mem>>)
    %dma_wait3A_164 = arith.constant 0 : i32
    %dma_wait3A_165 = tpu.memref_slice %arg6[%dma_wait3A_164] : memref<50048xf32, #tpu.memory_space<vmem>> -> memref<50048xf32, #tpu.memory_space<vmem>>
    %dma_wait3A_166 = arith.constant 0 : i32
    %dma_wait3A_167 = tpu.memref_slice %arg4[%add3A_100, %dma_wait3A_166] : memref<64x100096xf32, #tpu.memory_space<hbm>> -> memref<1x50048xf32, #tpu.memory_space<hbm>>
    %dma_wait3A_168 = tpu.memref_squeeze %dma_wait3A_167 : memref<1x50048xf32, #tpu.memory_space<hbm>> -> memref<50048xf32, #tpu.memory_space<hbm>>
    %dma_wait3A_169 = arith.constant 0 : i32
    %dma_wait3A_170 = tpu.memref_slice %arg6[%dma_wait3A_169] : memref<50048xf32, #tpu.memory_space<vmem>> -> memref<50048xf32, #tpu.memory_space<vmem>>
    %dma_wait3A_171 = arith.constant 0 : i32
    %dma_wait3A_172 = tpu.memref_slice %arg4[%add3A_100, %dma_wait3A_171] : memref<64x100096xf32, #tpu.memory_space<hbm>> -> memref<1x50048xf32, #tpu.memory_space<hbm>>
    %dma_wait3A_173 = tpu.memref_squeeze %dma_wait3A_172 : memref<1x50048xf32, #tpu.memory_space<hbm>> -> memref<50048xf32, #tpu.memory_space<hbm>>
    tpu.wait_dma2 semaphore(%arg10 : memref<!tpu.dma_semaphore, #tpu.memory_space<semaphore_mem>>) src(%dma_wait3A_173 : memref<50048xf32, #tpu.memory_space<hbm>>) dst(%dma_wait3A_170 : memref<50048xf32, #tpu.memory_space<vmem>>)
    %scan3A_174 = arith.constant 0 : i32
    %scan3A_175 = arith.constant 128 : i32
    %scan3A_176 = arith.addi %scan3A_174, %scan3A_175 : i32
    %scan3A_177 = arith.constant 1 : i32
    scf.for %scan3A_242 = %scan3A_174 to %scan3A_176 step %scan3A_177  : i32 {
      %mul3A_243 = arith.constant 1 : i32
      %mul3A_244 = arith.muli %scan3A_242, %mul3A_243 : i32
      %add3A_245 = arith.constant 0 : i32
      %add3A_246 = arith.addi %add3A_245, %mul3A_244 : i32
      %mul3A_247 = arith.constant 16 : i32
      %mul3A_248 = arith.muli %add3A_246, %mul3A_247 : i32
      %get3A = arith.index_cast %mul3A_248 : i32 to index
      %get3A_249 = tpu.vector_load %arg8[%get3A] {strides = array<i32>} : memref<2048xi32, #tpu.memory_space<vmem>>, vector<16xi32>,
      %mul3A_250 = arith.constant 16 : i32
      %mul3A_251 = arith.muli %add3A_246, %mul3A_250 : i32
      %get3A_252 = arith.constant 1 : i32
      %get3A_253 = arith.index_cast %get3A_252 : i32 to index
      %get3A_254 = arith.index_cast %mul3A_251 : i32 to index
      %get3A_255 = tpu.vector_load %arg9[%get3A_253, %get3A_254] {strides = array<i32>} : memref<2x2048xf32, #tpu.memory_space<vmem>>, vector<16xf32>,
      %ge3A = arith.constant 0 : i32
      %ge3A_256 = vector.broadcast %ge3A : i32 to vector<16xi32>
      %ge3A_257 = arith.cmpi sge, %get3A_249, %ge3A_256 : vector<16xi32>
      %lt3A = arith.constant 50048 : i32
      %lt3A_258 = vector.broadcast %lt3A : i32 to vector<16xi32>
      %lt3A_259 = arith.cmpi slt, %get3A_249, %lt3A_258 : vector<16xi32>
      %and3A_260 = arith.andi %ge3A_257, %lt3A_259 : vector<16xi1>
      %sub3A_261 = arith.constant 0 : i32
      %sub3A_262 = vector.broadcast %sub3A_261 : i32 to vector<16xi32>
      %sub3A_263 = arith.subi %get3A_249, %sub3A_262 : vector<16xi32>
      %jit3A_264 = arith.constant 0 : i32
      %broadcast_in_dim3A = vector.broadcast %jit3A_264 : i32 to vector<16xi32>
      %select_n3A_265 = arith.select %and3A_260, %sub3A_263, %broadcast_in_dim3A : vector<16xi1>, vector<16xi32>
      tpu.vector_store_idx %arg6[%select_n3A_265], %get3A_255 masked %and3A_260 {add = true} : memref<50048xf32, #tpu.memory_space<vmem>>[vector<16xi32>], vector<16xf32>, vector<16xi1>
    }
    %scan3A_178 = arith.constant 128 : i32
    %mul3A_179 = arith.constant 2 : i32
    %mul3A_180 = arith.muli %add3A, %mul3A_179 : i32
    %add3A_181 = arith.constant 1 : i32
    %add3A_182 = arith.addi %mul3A_180, %add3A_181 : i32
    %dma_start3A_183 = arith.constant 0 : i32
    %dma_start3A_184 = tpu.memref_slice %arg6[%dma_start3A_183] : memref<50048xf32, #tpu.memory_space<vmem>> -> memref<50048xf32, #tpu.memory_space<vmem>>
    %dma_start3A_185 = arith.constant 0 : i32
    %dma_start3A_186 = tpu.memref_slice %arg4[%add3A_182, %dma_start3A_185] : memref<64x100096xf32, #tpu.memory_space<hbm>> -> memref<1x50048xf32, #tpu.memory_space<hbm>>
    %dma_start3A_187 = tpu.memref_squeeze %dma_start3A_186 : memref<1x50048xf32, #tpu.memory_space<hbm>> -> memref<50048xf32, #tpu.memory_space<hbm>>
    %dma_start3A_188 = arith.constant 0 : i32
    %dma_start3A_189 = tpu.memref_slice %arg4[%add3A_182, %dma_start3A_188] : memref<64x100096xf32, #tpu.memory_space<hbm>> -> memref<1x50048xf32, #tpu.memory_space<hbm>>
    %dma_start3A_190 = tpu.memref_squeeze %dma_start3A_189 : memref<1x50048xf32, #tpu.memory_space<hbm>> -> memref<50048xf32, #tpu.memory_space<hbm>>
    %dma_start3A_191 = arith.constant 0 : i32
    %dma_start3A_192 = tpu.memref_slice %arg6[%dma_start3A_191] : memref<50048xf32, #tpu.memory_space<vmem>> -> memref<50048xf32, #tpu.memory_space<vmem>>
    tpu.enqueue_dma source(%dma_start3A_192 : memref<50048xf32, #tpu.memory_space<vmem>>) target(%dma_start3A_190 : memref<50048xf32, #tpu.memory_space<hbm>>) target_semaphore(%arg12 : memref<!tpu.dma_semaphore, #tpu.memory_space<semaphore_mem>>)
    %dma_wait3A_193 = arith.constant 0 : i32
    %dma_wait3A_194 = tpu.memref_slice %arg7[%dma_wait3A_193] : memref<50048xf32, #tpu.memory_space<vmem>> -> memref<50048xf32, #tpu.memory_space<vmem>>
    %dma_wait3A_195 = arith.constant 50048 : i32
    %dma_wait3A_196 = tpu.memref_slice %arg4[%add3A_153, %dma_wait3A_195] : memref<64x100096xf32, #tpu.memory_space<hbm>> -> memref<1x50048xf32, #tpu.memory_space<hbm>>
    %dma_wait3A_197 = tpu.memref_squeeze %dma_wait3A_196 : memref<1x50048xf32, #tpu.memory_space<hbm>> -> memref<50048xf32, #tpu.memory_space<hbm>>
    %dma_wait3A_198 = arith.constant 0 : i32
    %dma_wait3A_199 = tpu.memref_slice %arg7[%dma_wait3A_198] : memref<50048xf32, #tpu.memory_space<vmem>> -> memref<50048xf32, #tpu.memory_space<vmem>>
    %dma_wait3A_200 = arith.constant 50048 : i32
    %dma_wait3A_201 = tpu.memref_slice %arg4[%add3A_153, %dma_wait3A_200] : memref<64x100096xf32, #tpu.memory_space<hbm>> -> memref<1x50048xf32, #tpu.memory_space<hbm>>
    %dma_wait3A_202 = tpu.memref_squeeze %dma_wait3A_201 : memref<1x50048xf32, #tpu.memory_space<hbm>> -> memref<50048xf32, #tpu.memory_space<hbm>>
    tpu.wait_dma2 semaphore(%arg11 : memref<!tpu.dma_semaphore, #tpu.memory_space<semaphore_mem>>) src(%dma_wait3A_202 : memref<50048xf32, #tpu.memory_space<hbm>>) dst(%dma_wait3A_199 : memref<50048xf32, #tpu.memory_space<vmem>>)
    %scan3A_203 = arith.constant 0 : i32
    %scan3A_204 = arith.constant 128 : i32
    %scan3A_205 = arith.addi %scan3A_203, %scan3A_204 : i32
    %scan3A_206 = arith.constant 1 : i32
    scf.for %scan3A_242 = %scan3A_203 to %scan3A_205 step %scan3A_206  : i32 {
      %mul3A_243 = arith.constant 1 : i32
      %mul3A_244 = arith.muli %scan3A_242, %mul3A_243 : i32
      %add3A_245 = arith.constant 0 : i32
      %add3A_246 = arith.addi %add3A_245, %mul3A_244 : i32
      %mul3A_247 = arith.constant 16 : i32
      %mul3A_248 = arith.muli %add3A_246, %mul3A_247 : i32
      %get3A = arith.index_cast %mul3A_248 : i32 to index
      %get3A_249 = tpu.vector_load %arg8[%get3A] {strides = array<i32>} : memref<2048xi32, #tpu.memory_space<vmem>>, vector<16xi32>,
      %mul3A_250 = arith.constant 16 : i32
      %mul3A_251 = arith.muli %add3A_246, %mul3A_250 : i32
      %get3A_252 = arith.constant 1 : i32
      %get3A_253 = arith.index_cast %get3A_252 : i32 to index
      %get3A_254 = arith.index_cast %mul3A_251 : i32 to index
      %get3A_255 = tpu.vector_load %arg9[%get3A_253, %get3A_254] {strides = array<i32>} : memref<2x2048xf32, #tpu.memory_space<vmem>>, vector<16xf32>,
      %ge3A = arith.constant 50048 : i32
      %ge3A_256 = vector.broadcast %ge3A : i32 to vector<16xi32>
      %ge3A_257 = arith.cmpi sge, %get3A_249, %ge3A_256 : vector<16xi32>
      %lt3A = arith.constant 100096 : i32
      %lt3A_258 = vector.broadcast %lt3A : i32 to vector<16xi32>
      %lt3A_259 = arith.cmpi slt, %get3A_249, %lt3A_258 : vector<16xi32>
      %and3A_260 = arith.andi %ge3A_257, %lt3A_259 : vector<16xi1>
      %sub3A_261 = arith.constant 50048 : i32
      %sub3A_262 = vector.broadcast %sub3A_261 : i32 to vector<16xi32>
      %sub3A_263 = arith.subi %get3A_249, %sub3A_262 : vector<16xi32>
      %jit3A_264 = arith.constant 0 : i32
      %broadcast_in_dim3A = vector.broadcast %jit3A_264 : i32 to vector<16xi32>
      %select_n3A_265 = arith.select %and3A_260, %sub3A_263, %broadcast_in_dim3A : vector<16xi1>, vector<16xi32>
      tpu.vector_store_idx %arg7[%select_n3A_265], %get3A_255 masked %and3A_260 {add = true} : memref<50048xf32, #tpu.memory_space<vmem>>[vector<16xi32>], vector<16xf32>, vector<16xi1>
    }
    %scan3A_207 = arith.constant 128 : i32
    %mul3A_208 = arith.constant 2 : i32
    %mul3A_209 = arith.muli %add3A, %mul3A_208 : i32
    %add3A_210 = arith.constant 1 : i32
    %add3A_211 = arith.addi %mul3A_209, %add3A_210 : i32
    %dma_start3A_212 = arith.constant 0 : i32
    %dma_start3A_213 = tpu.memref_slice %arg7[%dma_start3A_212] : memref<50048xf32, #tpu.memory_space<vmem>> -> memref<50048xf32, #tpu.memory_space<vmem>>
    %dma_start3A_214 = arith.constant 50048 : i32
    %dma_start3A_215 = tpu.memref_slice %arg4[%add3A_211, %dma_start3A_214] : memref<64x100096xf32, #tpu.memory_space<hbm>> -> memref<1x50048xf32, #tpu.memory_space<hbm>>
    %dma_start3A_216 = tpu.memref_squeeze %dma_start3A_215 : memref<1x50048xf32, #tpu.memory_space<hbm>> -> memref<50048xf32, #tpu.memory_space<hbm>>
    %dma_start3A_217 = arith.constant 50048 : i32
    %dma_start3A_218 = tpu.memref_slice %arg4[%add3A_211, %dma_start3A_217] : memref<64x100096xf32, #tpu.memory_space<hbm>> -> memref<1x50048xf32, #tpu.memory_space<hbm>>
    %dma_start3A_219 = tpu.memref_squeeze %dma_start3A_218 : memref<1x50048xf32, #tpu.memory_space<hbm>> -> memref<50048xf32, #tpu.memory_space<hbm>>
    %dma_start3A_220 = arith.constant 0 : i32
    %dma_start3A_221 = tpu.memref_slice %arg7[%dma_start3A_220] : memref<50048xf32, #tpu.memory_space<vmem>> -> memref<50048xf32, #tpu.memory_space<vmem>>
    tpu.enqueue_dma source(%dma_start3A_221 : memref<50048xf32, #tpu.memory_space<vmem>>) target(%dma_start3A_219 : memref<50048xf32, #tpu.memory_space<hbm>>) target_semaphore(%arg13 : memref<!tpu.dma_semaphore, #tpu.memory_space<semaphore_mem>>)
    %dma_wait3A_222 = arith.constant 0 : i32
    %dma_wait3A_223 = tpu.memref_slice %arg6[%dma_wait3A_222] : memref<50048xf32, #tpu.memory_space<vmem>> -> memref<50048xf32, #tpu.memory_space<vmem>>
    %dma_wait3A_224 = arith.constant 0 : i32
    %dma_wait3A_225 = tpu.memref_slice %arg4[%add3A_182, %dma_wait3A_224] : memref<64x100096xf32, #tpu.memory_space<hbm>> -> memref<1x50048xf32, #tpu.memory_space<hbm>>
    %dma_wait3A_226 = tpu.memref_squeeze %dma_wait3A_225 : memref<1x50048xf32, #tpu.memory_space<hbm>> -> memref<50048xf32, #tpu.memory_space<hbm>>
    %dma_wait3A_227 = arith.constant 0 : i32
    %dma_wait3A_228 = tpu.memref_slice %arg4[%add3A_182, %dma_wait3A_227] : memref<64x100096xf32, #tpu.memory_space<hbm>> -> memref<1x50048xf32, #tpu.memory_space<hbm>>
    %dma_wait3A_229 = tpu.memref_squeeze %dma_wait3A_228 : memref<1x50048xf32, #tpu.memory_space<hbm>> -> memref<50048xf32, #tpu.memory_space<hbm>>
    %dma_wait3A_230 = arith.constant 0 : i32
    %dma_wait3A_231 = tpu.memref_slice %arg6[%dma_wait3A_230] : memref<50048xf32, #tpu.memory_space<vmem>> -> memref<50048xf32, #tpu.memory_space<vmem>>
    tpu.wait_dma2 semaphore(%arg12 : memref<!tpu.dma_semaphore, #tpu.memory_space<semaphore_mem>>) src(%dma_wait3A_231 : memref<50048xf32, #tpu.memory_space<vmem>>) dst(%dma_wait3A_229 : memref<50048xf32, #tpu.memory_space<hbm>>)
    %dma_wait3A_232 = arith.constant 0 : i32
    %dma_wait3A_233 = tpu.memref_slice %arg7[%dma_wait3A_232] : memref<50048xf32, #tpu.memory_space<vmem>> -> memref<50048xf32, #tpu.memory_space<vmem>>
    %dma_wait3A_234 = arith.constant 50048 : i32
    %dma_wait3A_235 = tpu.memref_slice %arg4[%add3A_211, %dma_wait3A_234] : memref<64x100096xf32, #tpu.memory_space<hbm>> -> memref<1x50048xf32, #tpu.memory_space<hbm>>
    %dma_wait3A_236 = tpu.memref_squeeze %dma_wait3A_235 : memref<1x50048xf32, #tpu.memory_space<hbm>> -> memref<50048xf32, #tpu.memory_space<hbm>>
    %dma_wait3A_237 = arith.constant 50048 : i32
    %dma_wait3A_238 = tpu.memref_slice %arg4[%add3A_211, %dma_wait3A_237] : memref<64x100096xf32, #tpu.memory_space<hbm>> -> memref<1x50048xf32, #tpu.memory_space<hbm>>
    %dma_wait3A_239 = tpu.memref_squeeze %dma_wait3A_238 : memref<1x50048xf32, #tpu.memory_space<hbm>> -> memref<50048xf32, #tpu.memory_space<hbm>>
    %dma_wait3A_240 = arith.constant 0 : i32
    %dma_wait3A_241 = tpu.memref_slice %arg7[%dma_wait3A_240] : memref<50048xf32, #tpu.memory_space<vmem>> -> memref<50048xf32, #tpu.memory_space<vmem>>
    tpu.wait_dma2 semaphore(%arg13 : memref<!tpu.dma_semaphore, #tpu.memory_space<semaphore_mem>>) src(%dma_wait3A_241 : memref<50048xf32, #tpu.memory_space<vmem>>) dst(%dma_wait3A_239 : memref<50048xf32, #tpu.memory_space<hbm>>)
    return
  }
}

#map = affine_map<(d0, d1) -> (0, 0)>
module attributes {stable_mosaic.version = 14 : i64} {
  func.func @new_body(%arg0: i32, %arg1: i32, %arg2: memref<8x2048xi32, #tpu.memory_space<hbm>>, %arg3: memref<256x2048xf32, #tpu.memory_space<hbm>>, %arg4: memref<64x100096xf32, #tpu.memory_space<hbm>>, %arg5: memref<64x100096xf32, #tpu.memory_space<hbm>>, %arg6: memref<50048xf32, #tpu.memory_space<vmem>>, %arg7: memref<50048xf32, #tpu.memory_space<vmem>>, %arg8: memref<2048xi32, #tpu.memory_space<vmem>>, %arg9: memref<2x2048xf32, #tpu.memory_space<vmem>>, %arg10: memref<!tpu.dma_semaphore, #tpu.memory_space<semaphore_mem>>, %arg11: memref<!tpu.dma_semaphore, #tpu.memory_space<semaphore_mem>>, %arg12: memref<!tpu.dma_semaphore, #tpu.memory_space<semaphore_mem>>, %arg13: memref<!tpu.dma_semaphore, #tpu.memory_space<semaphore_mem>>, %arg14: memref<!tpu.dma_semaphore, #tpu.memory_space<semaphore_mem>>) attributes {dimension_semantics = [#tpu.dimension_semantics<core_parallel>, #tpu.dimension_semantics<subcore_parallel>], iteration_bounds = array<i64: 2, 16>, scalar_prefetch = 0 : i64, scratch_operands = 9 : i64, tpu.core_type = #tpu.core_type<sc_vector_subcore>, window_params = [{transform_indices = #map}, {transform_indices = #map}, {transform_indices = #map}, {transform_indices = #map}]} {
    %mul3A = arith.constant 2 : i32
    %mul3A_0 = arith.muli %arg1, %mul3A : i32
    %add3A = arith.addi %mul3A_0, %arg0 : i32
    %mul3A_1 = arith.constant 2 : i32
    %mul3A_2 = arith.muli %add3A, %mul3A_1 : i32
    %add3A_3 = arith.constant 192 : i32
    %add3A_4 = arith.addi %add3A_3, %mul3A_2 : i32
    %dma_start3A = arith.constant 0 : i32
    %dma_start3A_5 = tpu.memref_slice %arg3[%add3A_4, %dma_start3A] : memref<256x2048xf32, #tpu.memory_space<hbm>> -> memref<2x2048xf32, #tpu.memory_space<hbm>>
    %dma_start3A_6 = arith.constant 0 : i32
    %dma_start3A_7 = tpu.memref_slice %arg3[%add3A_4, %dma_start3A_6] : memref<256x2048xf32, #tpu.memory_space<hbm>> -> memref<2x2048xf32, #tpu.memory_space<hbm>>
    tpu.enqueue_dma source(%dma_start3A_7 : memref<2x2048xf32, #tpu.memory_space<hbm>>) target(%arg9 : memref<2x2048xf32, #tpu.memory_space<vmem>>) target_semaphore(%arg14 : memref<!tpu.dma_semaphore, #tpu.memory_space<semaphore_mem>>)
    %dma_wait3A = arith.constant 0 : i32
    %dma_wait3A_8 = tpu.memref_slice %arg3[%add3A_4, %dma_wait3A] : memref<256x2048xf32, #tpu.memory_space<hbm>> -> memref<2x2048xf32, #tpu.memory_space<hbm>>
    %dma_wait3A_9 = arith.constant 0 : i32
    %dma_wait3A_10 = tpu.memref_slice %arg3[%add3A_4, %dma_wait3A_9] : memref<256x2048xf32, #tpu.memory_space<hbm>> -> memref<2x2048xf32, #tpu.memory_space<hbm>>
    tpu.wait_dma2 semaphore(%arg14 : memref<!tpu.dma_semaphore, #tpu.memory_space<semaphore_mem>>) src(%dma_wait3A_10 : memref<2x2048xf32, #tpu.memory_space<hbm>>) dst(%arg9 : memref<2x2048xf32, #tpu.memory_space<vmem>>)
    %mul3A_11 = arith.constant 2 : i32
    %mul3A_12 = arith.muli %add3A, %mul3A_11 : i32
    %add3A_13 = arith.constant 192 : i32
    %add3A_14 = arith.addi %add3A_13, %mul3A_12 : i32
    %jit3A = arith.constant 32 : i32
    %div3A = arith.divsi %add3A_14, %jit3A : i32
    %sign3A = arith.constant 0 : i32
    %sign3A_15 = arith.cmpi sgt, %add3A_14, %sign3A : i32
    %sign3A_16 = arith.extui %sign3A_15 : i1 to i32
    %sign3A_17 = arith.constant 0 : i32
    %sign3A_18 = arith.cmpi slt, %add3A_14, %sign3A_17 : i32
    %sign3A_19 = arith.extui %sign3A_18 : i1 to i32
    %sign3A_20 = arith.subi %sign3A_16, %sign3A_19 : i32
    %sign3A_21 = arith.constant 0 : i32
    %sign3A_22 = arith.cmpi sgt, %jit3A, %sign3A_21 : i32
    %sign3A_23 = arith.extui %sign3A_22 : i1 to i32
    %sign3A_24 = arith.constant 0 : i32
    %sign3A_25 = arith.cmpi slt, %jit3A, %sign3A_24 : i32
    %sign3A_26 = arith.extui %sign3A_25 : i1 to i32
    %sign3A_27 = arith.subi %sign3A_23, %sign3A_26 : i32
    %ne3A = arith.cmpi ne, %sign3A_20, %sign3A_27 : i32
    %rem3A = arith.remsi %add3A_14, %jit3A : i32
    %ne3A_28 = arith.constant 0 : i32
    %ne3A_29 = arith.cmpi ne, %rem3A, %ne3A_28 : i32
    %and3A = arith.andi %ne3A, %ne3A_29 : i1
    %sub3A = arith.constant 1 : i32
    %sub3A_30 = arith.subi %div3A, %sub3A : i32
    %select_n3A = arith.select %and3A, %sub3A_30, %div3A : i32
    "tpu.region"() ({
      %run_scoped3A = tpu.sem_alloc : memref<!tpu.dma_semaphore, #tpu.memory_space<semaphore_mem>>
      %dma_start3A_242 = arith.constant 0 : i32
      %dma_start3A_243 = tpu.memref_slice %arg2[%select_n3A, %dma_start3A_242] : memref<8x2048xi32, #tpu.memory_space<hbm>> -> memref<1x2048xi32, #tpu.memory_space<hbm>>
      %dma_start3A_244 = tpu.memref_squeeze %dma_start3A_243 : memref<1x2048xi32, #tpu.memory_space<hbm>> -> memref<2048xi32, #tpu.memory_space<hbm>>
      %dma_start3A_245 = arith.constant 0 : i32
      %dma_start3A_246 = tpu.memref_slice %arg2[%select_n3A, %dma_start3A_245] : memref<8x2048xi32, #tpu.memory_space<hbm>> -> memref<1x2048xi32, #tpu.memory_space<hbm>>
      %dma_start3A_247 = tpu.memref_squeeze %dma_start3A_246 : memref<1x2048xi32, #tpu.memory_space<hbm>> -> memref<2048xi32, #tpu.memory_space<hbm>>
      tpu.enqueue_dma source(%dma_start3A_247 : memref<2048xi32, #tpu.memory_space<hbm>>) target(%arg8 : memref<2048xi32, #tpu.memory_space<vmem>>) target_semaphore(%run_scoped3A : memref<!tpu.dma_semaphore, #tpu.memory_space<semaphore_mem>>)
      %dma_wait3A_248 = arith.constant 0 : i32
      %dma_wait3A_249 = tpu.memref_slice %arg2[%select_n3A, %dma_wait3A_248] : memref<8x2048xi32, #tpu.memory_space<hbm>> -> memref<1x2048xi32, #tpu.memory_space<hbm>>
      %dma_wait3A_250 = tpu.memref_squeeze %dma_wait3A_249 : memref<1x2048xi32, #tpu.memory_space<hbm>> -> memref<2048xi32, #tpu.memory_space<hbm>>
      %dma_wait3A_251 = arith.constant 0 : i32
      %dma_wait3A_252 = tpu.memref_slice %arg2[%select_n3A, %dma_wait3A_251] : memref<8x2048xi32, #tpu.memory_space<hbm>> -> memref<1x2048xi32, #tpu.memory_space<hbm>>
      %dma_wait3A_253 = tpu.memref_squeeze %dma_wait3A_252 : memref<1x2048xi32, #tpu.memory_space<hbm>> -> memref<2048xi32, #tpu.memory_space<hbm>>
      tpu.wait_dma2 semaphore(%run_scoped3A : memref<!tpu.dma_semaphore, #tpu.memory_space<semaphore_mem>>) src(%dma_wait3A_253 : memref<2048xi32, #tpu.memory_space<hbm>>) dst(%arg8 : memref<2048xi32, #tpu.memory_space<vmem>>)
      tpu.yield
    }) : () -> ()
    %mul3A_31 = arith.constant 2 : i32
    %mul3A_32 = arith.muli %add3A, %mul3A_31 : i32
    %add3A_33 = arith.constant 0 : i32
    %add3A_34 = arith.addi %mul3A_32, %add3A_33 : i32
    %dma_start3A_35 = arith.constant 0 : i32
    %dma_start3A_36 = tpu.memref_slice %arg6[%dma_start3A_35] : memref<50048xf32, #tpu.memory_space<vmem>> -> memref<50048xf32, #tpu.memory_space<vmem>>
    %dma_start3A_37 = arith.constant 0 : i32
    %dma_start3A_38 = tpu.memref_slice %arg4[%add3A_34, %dma_start3A_37] : memref<64x100096xf32, #tpu.memory_space<hbm>> -> memref<1x50048xf32, #tpu.memory_space<hbm>>
    %dma_start3A_39 = tpu.memref_squeeze %dma_start3A_38 : memref<1x50048xf32, #tpu.memory_space<hbm>> -> memref<50048xf32, #tpu.memory_space<hbm>>
    %dma_start3A_40 = arith.constant 0 : i32
    %dma_start3A_41 = tpu.memref_slice %arg6[%dma_start3A_40] : memref<50048xf32, #tpu.memory_space<vmem>> -> memref<50048xf32, #tpu.memory_space<vmem>>
    %dma_start3A_42 = arith.constant 0 : i32
    %dma_start3A_43 = tpu.memref_slice %arg4[%add3A_34, %dma_start3A_42] : memref<64x100096xf32, #tpu.memory_space<hbm>> -> memref<1x50048xf32, #tpu.memory_space<hbm>>
    %dma_start3A_44 = tpu.memref_squeeze %dma_start3A_43 : memref<1x50048xf32, #tpu.memory_space<hbm>> -> memref<50048xf32, #tpu.memory_space<hbm>>
    tpu.enqueue_dma source(%dma_start3A_44 : memref<50048xf32, #tpu.memory_space<hbm>>) target(%dma_start3A_41 : memref<50048xf32, #tpu.memory_space<vmem>>) target_semaphore(%arg10 : memref<!tpu.dma_semaphore, #tpu.memory_space<semaphore_mem>>)
    %mul3A_45 = arith.constant 2 : i32
    %mul3A_46 = arith.muli %add3A, %mul3A_45 : i32
    %add3A_47 = arith.constant 0 : i32
    %add3A_48 = arith.addi %mul3A_46, %add3A_47 : i32
    %dma_start3A_49 = arith.constant 0 : i32
    %dma_start3A_50 = tpu.memref_slice %arg7[%dma_start3A_49] : memref<50048xf32, #tpu.memory_space<vmem>> -> memref<50048xf32, #tpu.memory_space<vmem>>
    %dma_start3A_51 = arith.constant 50048 : i32
    %dma_start3A_52 = tpu.memref_slice %arg4[%add3A_48, %dma_start3A_51] : memref<64x100096xf32, #tpu.memory_space<hbm>> -> memref<1x50048xf32, #tpu.memory_space<hbm>>
    %dma_start3A_53 = tpu.memref_squeeze %dma_start3A_52 : memref<1x50048xf32, #tpu.memory_space<hbm>> -> memref<50048xf32, #tpu.memory_space<hbm>>
    %dma_start3A_54 = arith.constant 0 : i32
    %dma_start3A_55 = tpu.memref_slice %arg7[%dma_start3A_54] : memref<50048xf32, #tpu.memory_space<vmem>> -> memref<50048xf32, #tpu.memory_space<vmem>>
    %dma_start3A_56 = arith.constant 50048 : i32
    %dma_start3A_57 = tpu.memref_slice %arg4[%add3A_48, %dma_start3A_56] : memref<64x100096xf32, #tpu.memory_space<hbm>> -> memref<1x50048xf32, #tpu.memory_space<hbm>>
    %dma_start3A_58 = tpu.memref_squeeze %dma_start3A_57 : memref<1x50048xf32, #tpu.memory_space<hbm>> -> memref<50048xf32, #tpu.memory_space<hbm>>
    tpu.enqueue_dma source(%dma_start3A_58 : memref<50048xf32, #tpu.memory_space<hbm>>) target(%dma_start3A_55 : memref<50048xf32, #tpu.memory_space<vmem>>) target_semaphore(%arg11 : memref<!tpu.dma_semaphore, #tpu.memory_space<semaphore_mem>>)
    %dma_wait3A_59 = arith.constant 0 : i32
    %dma_wait3A_60 = tpu.memref_slice %arg6[%dma_wait3A_59] : memref<50048xf32, #tpu.memory_space<vmem>> -> memref<50048xf32, #tpu.memory_space<vmem>>
    %dma_wait3A_61 = arith.constant 0 : i32
    %dma_wait3A_62 = tpu.memref_slice %arg4[%add3A_34, %dma_wait3A_61] : memref<64x100096xf32, #tpu.memory_space<hbm>> -> memref<1x50048xf32, #tpu.memory_space<hbm>>
    %dma_wait3A_63 = tpu.memref_squeeze %dma_wait3A_62 : memref<1x50048xf32, #tpu.memory_space<hbm>> -> memref<50048xf32, #tpu.memory_space<hbm>>
    %dma_wait3A_64 = arith.constant 0 : i32
    %dma_wait3A_65 = tpu.memref_slice %arg6[%dma_wait3A_64] : memref<50048xf32, #tpu.memory_space<vmem>> -> memref<50048xf32, #tpu.memory_space<vmem>>
    %dma_wait3A_66 = arith.constant 0 : i32
    %dma_wait3A_67 = tpu.memref_slice %arg4[%add3A_34, %dma_wait3A_66] : memref<64x100096xf32, #tpu.memory_space<hbm>> -> memref<1x50048xf32, #tpu.memory_space<hbm>>
    %dma_wait3A_68 = tpu.memref_squeeze %dma_wait3A_67 : memref<1x50048xf32, #tpu.memory_space<hbm>> -> memref<50048xf32, #tpu.memory_space<hbm>>
    tpu.wait_dma2 semaphore(%arg10 : memref<!tpu.dma_semaphore, #tpu.memory_space<semaphore_mem>>) src(%dma_wait3A_68 : memref<50048xf32, #tpu.memory_space<hbm>>) dst(%dma_wait3A_65 : memref<50048xf32, #tpu.memory_space<vmem>>)
    %scan3A = arith.constant 0 : i32
    %scan3A_69 = arith.constant 128 : i32
    %scan3A_70 = arith.addi %scan3A, %scan3A_69 : i32
    %scan3A_71 = arith.constant 1 : i32
    scf.for %scan3A_242 = %scan3A to %scan3A_70 step %scan3A_71  : i32 {
      %mul3A_243 = arith.constant 1 : i32
      %mul3A_244 = arith.muli %scan3A_242, %mul3A_243 : i32
      %add3A_245 = arith.constant 0 : i32
      %add3A_246 = arith.addi %add3A_245, %mul3A_244 : i32
      %mul3A_247 = arith.constant 16 : i32
      %mul3A_248 = arith.muli %add3A_246, %mul3A_247 : i32
      %get3A = arith.index_cast %mul3A_248 : i32 to index
      %get3A_249 = tpu.vector_load %arg8[%get3A] {strides = array<i32>} : memref<2048xi32, #tpu.memory_space<vmem>>, vector<16xi32>,
      %mul3A_250 = arith.constant 16 : i32
      %mul3A_251 = arith.muli %add3A_246, %mul3A_250 : i32
      %get3A_252 = arith.constant 0 : i32
      %get3A_253 = arith.index_cast %get3A_252 : i32 to index
      %get3A_254 = arith.index_cast %mul3A_251 : i32 to index
      %get3A_255 = tpu.vector_load %arg9[%get3A_253, %get3A_254] {strides = array<i32>} : memref<2x2048xf32, #tpu.memory_space<vmem>>, vector<16xf32>,
      %ge3A = arith.constant 0 : i32
      %ge3A_256 = vector.broadcast %ge3A : i32 to vector<16xi32>
      %ge3A_257 = arith.cmpi sge, %get3A_249, %ge3A_256 : vector<16xi32>
      %lt3A = arith.constant 50048 : i32
      %lt3A_258 = vector.broadcast %lt3A : i32 to vector<16xi32>
      %lt3A_259 = arith.cmpi slt, %get3A_249, %lt3A_258 : vector<16xi32>
      %and3A_260 = arith.andi %ge3A_257, %lt3A_259 : vector<16xi1>
      %sub3A_261 = arith.constant 0 : i32
      %sub3A_262 = vector.broadcast %sub3A_261 : i32 to vector<16xi32>
      %sub3A_263 = arith.subi %get3A_249, %sub3A_262 : vector<16xi32>
      %jit3A_264 = arith.constant 0 : i32
      %broadcast_in_dim3A = vector.broadcast %jit3A_264 : i32 to vector<16xi32>
      %select_n3A_265 = arith.select %and3A_260, %sub3A_263, %broadcast_in_dim3A : vector<16xi1>, vector<16xi32>
      tpu.vector_store_idx %arg6[%select_n3A_265], %get3A_255 masked %and3A_260 {add = true} : memref<50048xf32, #tpu.memory_space<vmem>>[vector<16xi32>], vector<16xf32>, vector<16xi1>
    }
    %scan3A_72 = arith.constant 128 : i32
    %mul3A_73 = arith.constant 2 : i32
    %mul3A_74 = arith.muli %add3A, %mul3A_73 : i32
    %add3A_75 = arith.constant 0 : i32
    %add3A_76 = arith.addi %mul3A_74, %add3A_75 : i32
    %dma_start3A_77 = arith.constant 0 : i32
    %dma_start3A_78 = tpu.memref_slice %arg6[%dma_start3A_77] : memref<50048xf32, #tpu.memory_space<vmem>> -> memref<50048xf32, #tpu.memory_space<vmem>>
    %dma_start3A_79 = arith.constant 0 : i32
    %dma_start3A_80 = tpu.memref_slice %arg4[%add3A_76, %dma_start3A_79] : memref<64x100096xf32, #tpu.memory_space<hbm>> -> memref<1x50048xf32, #tpu.memory_space<hbm>>
    %dma_start3A_81 = tpu.memref_squeeze %dma_start3A_80 : memref<1x50048xf32, #tpu.memory_space<hbm>> -> memref<50048xf32, #tpu.memory_space<hbm>>
    %dma_start3A_82 = arith.constant 0 : i32
    %dma_start3A_83 = tpu.memref_slice %arg4[%add3A_76, %dma_start3A_82] : memref<64x100096xf32, #tpu.memory_space<hbm>> -> memref<1x50048xf32, #tpu.memory_space<hbm>>
    %dma_start3A_84 = tpu.memref_squeeze %dma_start3A_83 : memref<1x50048xf32, #tpu.memory_space<hbm>> -> memref<50048xf32, #tpu.memory_space<hbm>>
    %dma_start3A_85 = arith.constant 0 : i32
    %dma_start3A_86 = tpu.memref_slice %arg6[%dma_start3A_85] : memref<50048xf32, #tpu.memory_space<vmem>> -> memref<50048xf32, #tpu.memory_space<vmem>>
    tpu.enqueue_dma source(%dma_start3A_86 : memref<50048xf32, #tpu.memory_space<vmem>>) target(%dma_start3A_84 : memref<50048xf32, #tpu.memory_space<hbm>>) target_semaphore(%arg12 : memref<!tpu.dma_semaphore, #tpu.memory_space<semaphore_mem>>)
    %dma_wait3A_87 = arith.constant 0 : i32
    %dma_wait3A_88 = tpu.memref_slice %arg6[%dma_wait3A_87] : memref<50048xf32, #tpu.memory_space<vmem>> -> memref<50048xf32, #tpu.memory_space<vmem>>
    %dma_wait3A_89 = arith.constant 0 : i32
    %dma_wait3A_90 = tpu.memref_slice %arg4[%add3A_76, %dma_wait3A_89] : memref<64x100096xf32, #tpu.memory_space<hbm>> -> memref<1x50048xf32, #tpu.memory_space<hbm>>
    %dma_wait3A_91 = tpu.memref_squeeze %dma_wait3A_90 : memref<1x50048xf32, #tpu.memory_space<hbm>> -> memref<50048xf32, #tpu.memory_space<hbm>>
    %dma_wait3A_92 = arith.constant 0 : i32
    %dma_wait3A_93 = tpu.memref_slice %arg4[%add3A_76, %dma_wait3A_92] : memref<64x100096xf32, #tpu.memory_space<hbm>> -> memref<1x50048xf32, #tpu.memory_space<hbm>>
    %dma_wait3A_94 = tpu.memref_squeeze %dma_wait3A_93 : memref<1x50048xf32, #tpu.memory_space<hbm>> -> memref<50048xf32, #tpu.memory_space<hbm>>
    %dma_wait3A_95 = arith.constant 0 : i32
    %dma_wait3A_96 = tpu.memref_slice %arg6[%dma_wait3A_95] : memref<50048xf32, #tpu.memory_space<vmem>> -> memref<50048xf32, #tpu.memory_space<vmem>>
    tpu.wait_dma2 semaphore(%arg12 : memref<!tpu.dma_semaphore, #tpu.memory_space<semaphore_mem>>) src(%dma_wait3A_96 : memref<50048xf32, #tpu.memory_space<vmem>>) dst(%dma_wait3A_94 : memref<50048xf32, #tpu.memory_space<hbm>>)
    %mul3A_97 = arith.constant 2 : i32
    %mul3A_98 = arith.muli %add3A, %mul3A_97 : i32
    %add3A_99 = arith.constant 1 : i32
    %add3A_100 = arith.addi %mul3A_98, %add3A_99 : i32
    %dma_start3A_101 = arith.constant 0 : i32
    %dma_start3A_102 = tpu.memref_slice %arg6[%dma_start3A_101] : memref<50048xf32, #tpu.memory_space<vmem>> -> memref<50048xf32, #tpu.memory_space<vmem>>
    %dma_start3A_103 = arith.constant 0 : i32
    %dma_start3A_104 = tpu.memref_slice %arg4[%add3A_100, %dma_start3A_103] : memref<64x100096xf32, #tpu.memory_space<hbm>> -> memref<1x50048xf32, #tpu.memory_space<hbm>>
    %dma_start3A_105 = tpu.memref_squeeze %dma_start3A_104 : memref<1x50048xf32, #tpu.memory_space<hbm>> -> memref<50048xf32, #tpu.memory_space<hbm>>
    %dma_start3A_106 = arith.constant 0 : i32
    %dma_start3A_107 = tpu.memref_slice %arg6[%dma_start3A_106] : memref<50048xf32, #tpu.memory_space<vmem>> -> memref<50048xf32, #tpu.memory_space<vmem>>
    %dma_start3A_108 = arith.constant 0 : i32
    %dma_start3A_109 = tpu.memref_slice %arg4[%add3A_100, %dma_start3A_108] : memref<64x100096xf32, #tpu.memory_space<hbm>> -> memref<1x50048xf32, #tpu.memory_space<hbm>>
    %dma_start3A_110 = tpu.memref_squeeze %dma_start3A_109 : memref<1x50048xf32, #tpu.memory_space<hbm>> -> memref<50048xf32, #tpu.memory_space<hbm>>
    tpu.enqueue_dma source(%dma_start3A_110 : memref<50048xf32, #tpu.memory_space<hbm>>) target(%dma_start3A_107 : memref<50048xf32, #tpu.memory_space<vmem>>) target_semaphore(%arg10 : memref<!tpu.dma_semaphore, #tpu.memory_space<semaphore_mem>>)
    %dma_wait3A_111 = arith.constant 0 : i32
    %dma_wait3A_112 = tpu.memref_slice %arg7[%dma_wait3A_111] : memref<50048xf32, #tpu.memory_space<vmem>> -> memref<50048xf32, #tpu.memory_space<vmem>>
    %dma_wait3A_113 = arith.constant 50048 : i32
    %dma_wait3A_114 = tpu.memref_slice %arg4[%add3A_48, %dma_wait3A_113] : memref<64x100096xf32, #tpu.memory_space<hbm>> -> memref<1x50048xf32, #tpu.memory_space<hbm>>
    %dma_wait3A_115 = tpu.memref_squeeze %dma_wait3A_114 : memref<1x50048xf32, #tpu.memory_space<hbm>> -> memref<50048xf32, #tpu.memory_space<hbm>>
    %dma_wait3A_116 = arith.constant 0 : i32
    %dma_wait3A_117 = tpu.memref_slice %arg7[%dma_wait3A_116] : memref<50048xf32, #tpu.memory_space<vmem>> -> memref<50048xf32, #tpu.memory_space<vmem>>
    %dma_wait3A_118 = arith.constant 50048 : i32
    %dma_wait3A_119 = tpu.memref_slice %arg4[%add3A_48, %dma_wait3A_118] : memref<64x100096xf32, #tpu.memory_space<hbm>> -> memref<1x50048xf32, #tpu.memory_space<hbm>>
    %dma_wait3A_120 = tpu.memref_squeeze %dma_wait3A_119 : memref<1x50048xf32, #tpu.memory_space<hbm>> -> memref<50048xf32, #tpu.memory_space<hbm>>
    tpu.wait_dma2 semaphore(%arg11 : memref<!tpu.dma_semaphore, #tpu.memory_space<semaphore_mem>>) src(%dma_wait3A_120 : memref<50048xf32, #tpu.memory_space<hbm>>) dst(%dma_wait3A_117 : memref<50048xf32, #tpu.memory_space<vmem>>)
    %scan3A_121 = arith.constant 0 : i32
    %scan3A_122 = arith.constant 128 : i32
    %scan3A_123 = arith.addi %scan3A_121, %scan3A_122 : i32
    %scan3A_124 = arith.constant 1 : i32
    scf.for %scan3A_242 = %scan3A_121 to %scan3A_123 step %scan3A_124  : i32 {
      %mul3A_243 = arith.constant 1 : i32
      %mul3A_244 = arith.muli %scan3A_242, %mul3A_243 : i32
      %add3A_245 = arith.constant 0 : i32
      %add3A_246 = arith.addi %add3A_245, %mul3A_244 : i32
      %mul3A_247 = arith.constant 16 : i32
      %mul3A_248 = arith.muli %add3A_246, %mul3A_247 : i32
      %get3A = arith.index_cast %mul3A_248 : i32 to index
      %get3A_249 = tpu.vector_load %arg8[%get3A] {strides = array<i32>} : memref<2048xi32, #tpu.memory_space<vmem>>, vector<16xi32>,
      %mul3A_250 = arith.constant 16 : i32
      %mul3A_251 = arith.muli %add3A_246, %mul3A_250 : i32
      %get3A_252 = arith.constant 0 : i32
      %get3A_253 = arith.index_cast %get3A_252 : i32 to index
      %get3A_254 = arith.index_cast %mul3A_251 : i32 to index
      %get3A_255 = tpu.vector_load %arg9[%get3A_253, %get3A_254] {strides = array<i32>} : memref<2x2048xf32, #tpu.memory_space<vmem>>, vector<16xf32>,
      %ge3A = arith.constant 50048 : i32
      %ge3A_256 = vector.broadcast %ge3A : i32 to vector<16xi32>
      %ge3A_257 = arith.cmpi sge, %get3A_249, %ge3A_256 : vector<16xi32>
      %lt3A = arith.constant 100096 : i32
      %lt3A_258 = vector.broadcast %lt3A : i32 to vector<16xi32>
      %lt3A_259 = arith.cmpi slt, %get3A_249, %lt3A_258 : vector<16xi32>
      %and3A_260 = arith.andi %ge3A_257, %lt3A_259 : vector<16xi1>
      %sub3A_261 = arith.constant 50048 : i32
      %sub3A_262 = vector.broadcast %sub3A_261 : i32 to vector<16xi32>
      %sub3A_263 = arith.subi %get3A_249, %sub3A_262 : vector<16xi32>
      %jit3A_264 = arith.constant 0 : i32
      %broadcast_in_dim3A = vector.broadcast %jit3A_264 : i32 to vector<16xi32>
      %select_n3A_265 = arith.select %and3A_260, %sub3A_263, %broadcast_in_dim3A : vector<16xi1>, vector<16xi32>
      tpu.vector_store_idx %arg7[%select_n3A_265], %get3A_255 masked %and3A_260 {add = true} : memref<50048xf32, #tpu.memory_space<vmem>>[vector<16xi32>], vector<16xf32>, vector<16xi1>
    }
    %scan3A_125 = arith.constant 128 : i32
    %mul3A_126 = arith.constant 2 : i32
    %mul3A_127 = arith.muli %add3A, %mul3A_126 : i32
    %add3A_128 = arith.constant 0 : i32
    %add3A_129 = arith.addi %mul3A_127, %add3A_128 : i32
    %dma_start3A_130 = arith.constant 0 : i32
    %dma_start3A_131 = tpu.memref_slice %arg7[%dma_start3A_130] : memref<50048xf32, #tpu.memory_space<vmem>> -> memref<50048xf32, #tpu.memory_space<vmem>>
    %dma_start3A_132 = arith.constant 50048 : i32
    %dma_start3A_133 = tpu.memref_slice %arg4[%add3A_129, %dma_start3A_132] : memref<64x100096xf32, #tpu.memory_space<hbm>> -> memref<1x50048xf32, #tpu.memory_space<hbm>>
    %dma_start3A_134 = tpu.memref_squeeze %dma_start3A_133 : memref<1x50048xf32, #tpu.memory_space<hbm>> -> memref<50048xf32, #tpu.memory_space<hbm>>
    %dma_start3A_135 = arith.constant 50048 : i32
    %dma_start3A_136 = tpu.memref_slice %arg4[%add3A_129, %dma_start3A_135] : memref<64x100096xf32, #tpu.memory_space<hbm>> -> memref<1x50048xf32, #tpu.memory_space<hbm>>
    %dma_start3A_137 = tpu.memref_squeeze %dma_start3A_136 : memref<1x50048xf32, #tpu.memory_space<hbm>> -> memref<50048xf32, #tpu.memory_space<hbm>>
    %dma_start3A_138 = arith.constant 0 : i32
    %dma_start3A_139 = tpu.memref_slice %arg7[%dma_start3A_138] : memref<50048xf32, #tpu.memory_space<vmem>> -> memref<50048xf32, #tpu.memory_space<vmem>>
    tpu.enqueue_dma source(%dma_start3A_139 : memref<50048xf32, #tpu.memory_space<vmem>>) target(%dma_start3A_137 : memref<50048xf32, #tpu.memory_space<hbm>>) target_semaphore(%arg13 : memref<!tpu.dma_semaphore, #tpu.memory_space<semaphore_mem>>)
    %dma_wait3A_140 = arith.constant 0 : i32
    %dma_wait3A_141 = tpu.memref_slice %arg7[%dma_wait3A_140] : memref<50048xf32, #tpu.memory_space<vmem>> -> memref<50048xf32, #tpu.memory_space<vmem>>
    %dma_wait3A_142 = arith.constant 50048 : i32
    %dma_wait3A_143 = tpu.memref_slice %arg4[%add3A_129, %dma_wait3A_142] : memref<64x100096xf32, #tpu.memory_space<hbm>> -> memref<1x50048xf32, #tpu.memory_space<hbm>>
    %dma_wait3A_144 = tpu.memref_squeeze %dma_wait3A_143 : memref<1x50048xf32, #tpu.memory_space<hbm>> -> memref<50048xf32, #tpu.memory_space<hbm>>
    %dma_wait3A_145 = arith.constant 50048 : i32
    %dma_wait3A_146 = tpu.memref_slice %arg4[%add3A_129, %dma_wait3A_145] : memref<64x100096xf32, #tpu.memory_space<hbm>> -> memref<1x50048xf32, #tpu.memory_space<hbm>>
    %dma_wait3A_147 = tpu.memref_squeeze %dma_wait3A_146 : memref<1x50048xf32, #tpu.memory_space<hbm>> -> memref<50048xf32, #tpu.memory_space<hbm>>
    %dma_wait3A_148 = arith.constant 0 : i32
    %dma_wait3A_149 = tpu.memref_slice %arg7[%dma_wait3A_148] : memref<50048xf32, #tpu.memory_space<vmem>> -> memref<50048xf32, #tpu.memory_space<vmem>>
    tpu.wait_dma2 semaphore(%arg13 : memref<!tpu.dma_semaphore, #tpu.memory_space<semaphore_mem>>) src(%dma_wait3A_149 : memref<50048xf32, #tpu.memory_space<vmem>>) dst(%dma_wait3A_147 : memref<50048xf32, #tpu.memory_space<hbm>>)
    %mul3A_150 = arith.constant 2 : i32
    %mul3A_151 = arith.muli %add3A, %mul3A_150 : i32
    %add3A_152 = arith.constant 1 : i32
    %add3A_153 = arith.addi %mul3A_151, %add3A_152 : i32
    %dma_start3A_154 = arith.constant 0 : i32
    %dma_start3A_155 = tpu.memref_slice %arg7[%dma_start3A_154] : memref<50048xf32, #tpu.memory_space<vmem>> -> memref<50048xf32, #tpu.memory_space<vmem>>
    %dma_start3A_156 = arith.constant 50048 : i32
    %dma_start3A_157 = tpu.memref_slice %arg4[%add3A_153, %dma_start3A_156] : memref<64x100096xf32, #tpu.memory_space<hbm>> -> memref<1x50048xf32, #tpu.memory_space<hbm>>
    %dma_start3A_158 = tpu.memref_squeeze %dma_start3A_157 : memref<1x50048xf32, #tpu.memory_space<hbm>> -> memref<50048xf32, #tpu.memory_space<hbm>>
    %dma_start3A_159 = arith.constant 0 : i32
    %dma_start3A_160 = tpu.memref_slice %arg7[%dma_start3A_159] : memref<50048xf32, #tpu.memory_space<vmem>> -> memref<50048xf32, #tpu.memory_space<vmem>>
    %dma_start3A_161 = arith.constant 50048 : i32
    %dma_start3A_162 = tpu.memref_slice %arg4[%add3A_153, %dma_start3A_161] : memref<64x100096xf32, #tpu.memory_space<hbm>> -> memref<1x50048xf32, #tpu.memory_space<hbm>>
    %dma_start3A_163 = tpu.memref_squeeze %dma_start3A_162 : memref<1x50048xf32, #tpu.memory_space<hbm>> -> memref<50048xf32, #tpu.memory_space<hbm>>
    tpu.enqueue_dma source(%dma_start3A_163 : memref<50048xf32, #tpu.memory_space<hbm>>) target(%dma_start3A_160 : memref<50048xf32, #tpu.memory_space<vmem>>) target_semaphore(%arg11 : memref<!tpu.dma_semaphore, #tpu.memory_space<semaphore_mem>>)
    %dma_wait3A_164 = arith.constant 0 : i32
    %dma_wait3A_165 = tpu.memref_slice %arg6[%dma_wait3A_164] : memref<50048xf32, #tpu.memory_space<vmem>> -> memref<50048xf32, #tpu.memory_space<vmem>>
    %dma_wait3A_166 = arith.constant 0 : i32
    %dma_wait3A_167 = tpu.memref_slice %arg4[%add3A_100, %dma_wait3A_166] : memref<64x100096xf32, #tpu.memory_space<hbm>> -> memref<1x50048xf32, #tpu.memory_space<hbm>>
    %dma_wait3A_168 = tpu.memref_squeeze %dma_wait3A_167 : memref<1x50048xf32, #tpu.memory_space<hbm>> -> memref<50048xf32, #tpu.memory_space<hbm>>
    %dma_wait3A_169 = arith.constant 0 : i32
    %dma_wait3A_170 = tpu.memref_slice %arg6[%dma_wait3A_169] : memref<50048xf32, #tpu.memory_space<vmem>> -> memref<50048xf32, #tpu.memory_space<vmem>>
    %dma_wait3A_171 = arith.constant 0 : i32
    %dma_wait3A_172 = tpu.memref_slice %arg4[%add3A_100, %dma_wait3A_171] : memref<64x100096xf32, #tpu.memory_space<hbm>> -> memref<1x50048xf32, #tpu.memory_space<hbm>>
    %dma_wait3A_173 = tpu.memref_squeeze %dma_wait3A_172 : memref<1x50048xf32, #tpu.memory_space<hbm>> -> memref<50048xf32, #tpu.memory_space<hbm>>
    tpu.wait_dma2 semaphore(%arg10 : memref<!tpu.dma_semaphore, #tpu.memory_space<semaphore_mem>>) src(%dma_wait3A_173 : memref<50048xf32, #tpu.memory_space<hbm>>) dst(%dma_wait3A_170 : memref<50048xf32, #tpu.memory_space<vmem>>)
    %scan3A_174 = arith.constant 0 : i32
    %scan3A_175 = arith.constant 128 : i32
    %scan3A_176 = arith.addi %scan3A_174, %scan3A_175 : i32
    %scan3A_177 = arith.constant 1 : i32
    scf.for %scan3A_242 = %scan3A_174 to %scan3A_176 step %scan3A_177  : i32 {
      %mul3A_243 = arith.constant 1 : i32
      %mul3A_244 = arith.muli %scan3A_242, %mul3A_243 : i32
      %add3A_245 = arith.constant 0 : i32
      %add3A_246 = arith.addi %add3A_245, %mul3A_244 : i32
      %mul3A_247 = arith.constant 16 : i32
      %mul3A_248 = arith.muli %add3A_246, %mul3A_247 : i32
      %get3A = arith.index_cast %mul3A_248 : i32 to index
      %get3A_249 = tpu.vector_load %arg8[%get3A] {strides = array<i32>} : memref<2048xi32, #tpu.memory_space<vmem>>, vector<16xi32>,
      %mul3A_250 = arith.constant 16 : i32
      %mul3A_251 = arith.muli %add3A_246, %mul3A_250 : i32
      %get3A_252 = arith.constant 1 : i32
      %get3A_253 = arith.index_cast %get3A_252 : i32 to index
      %get3A_254 = arith.index_cast %mul3A_251 : i32 to index
      %get3A_255 = tpu.vector_load %arg9[%get3A_253, %get3A_254] {strides = array<i32>} : memref<2x2048xf32, #tpu.memory_space<vmem>>, vector<16xf32>,
      %ge3A = arith.constant 0 : i32
      %ge3A_256 = vector.broadcast %ge3A : i32 to vector<16xi32>
      %ge3A_257 = arith.cmpi sge, %get3A_249, %ge3A_256 : vector<16xi32>
      %lt3A = arith.constant 50048 : i32
      %lt3A_258 = vector.broadcast %lt3A : i32 to vector<16xi32>
      %lt3A_259 = arith.cmpi slt, %get3A_249, %lt3A_258 : vector<16xi32>
      %and3A_260 = arith.andi %ge3A_257, %lt3A_259 : vector<16xi1>
      %sub3A_261 = arith.constant 0 : i32
      %sub3A_262 = vector.broadcast %sub3A_261 : i32 to vector<16xi32>
      %sub3A_263 = arith.subi %get3A_249, %sub3A_262 : vector<16xi32>
      %jit3A_264 = arith.constant 0 : i32
      %broadcast_in_dim3A = vector.broadcast %jit3A_264 : i32 to vector<16xi32>
      %select_n3A_265 = arith.select %and3A_260, %sub3A_263, %broadcast_in_dim3A : vector<16xi1>, vector<16xi32>
      tpu.vector_store_idx %arg6[%select_n3A_265], %get3A_255 masked %and3A_260 {add = true} : memref<50048xf32, #tpu.memory_space<vmem>>[vector<16xi32>], vector<16xf32>, vector<16xi1>
    }
    %scan3A_178 = arith.constant 128 : i32
    %mul3A_179 = arith.constant 2 : i32
    %mul3A_180 = arith.muli %add3A, %mul3A_179 : i32
    %add3A_181 = arith.constant 1 : i32
    %add3A_182 = arith.addi %mul3A_180, %add3A_181 : i32
    %dma_start3A_183 = arith.constant 0 : i32
    %dma_start3A_184 = tpu.memref_slice %arg6[%dma_start3A_183] : memref<50048xf32, #tpu.memory_space<vmem>> -> memref<50048xf32, #tpu.memory_space<vmem>>
    %dma_start3A_185 = arith.constant 0 : i32
    %dma_start3A_186 = tpu.memref_slice %arg4[%add3A_182, %dma_start3A_185] : memref<64x100096xf32, #tpu.memory_space<hbm>> -> memref<1x50048xf32, #tpu.memory_space<hbm>>
    %dma_start3A_187 = tpu.memref_squeeze %dma_start3A_186 : memref<1x50048xf32, #tpu.memory_space<hbm>> -> memref<50048xf32, #tpu.memory_space<hbm>>
    %dma_start3A_188 = arith.constant 0 : i32
    %dma_start3A_189 = tpu.memref_slice %arg4[%add3A_182, %dma_start3A_188] : memref<64x100096xf32, #tpu.memory_space<hbm>> -> memref<1x50048xf32, #tpu.memory_space<hbm>>
    %dma_start3A_190 = tpu.memref_squeeze %dma_start3A_189 : memref<1x50048xf32, #tpu.memory_space<hbm>> -> memref<50048xf32, #tpu.memory_space<hbm>>
    %dma_start3A_191 = arith.constant 0 : i32
    %dma_start3A_192 = tpu.memref_slice %arg6[%dma_start3A_191] : memref<50048xf32, #tpu.memory_space<vmem>> -> memref<50048xf32, #tpu.memory_space<vmem>>
    tpu.enqueue_dma source(%dma_start3A_192 : memref<50048xf32, #tpu.memory_space<vmem>>) target(%dma_start3A_190 : memref<50048xf32, #tpu.memory_space<hbm>>) target_semaphore(%arg12 : memref<!tpu.dma_semaphore, #tpu.memory_space<semaphore_mem>>)
    %dma_wait3A_193 = arith.constant 0 : i32
    %dma_wait3A_194 = tpu.memref_slice %arg7[%dma_wait3A_193] : memref<50048xf32, #tpu.memory_space<vmem>> -> memref<50048xf32, #tpu.memory_space<vmem>>
    %dma_wait3A_195 = arith.constant 50048 : i32
    %dma_wait3A_196 = tpu.memref_slice %arg4[%add3A_153, %dma_wait3A_195] : memref<64x100096xf32, #tpu.memory_space<hbm>> -> memref<1x50048xf32, #tpu.memory_space<hbm>>
    %dma_wait3A_197 = tpu.memref_squeeze %dma_wait3A_196 : memref<1x50048xf32, #tpu.memory_space<hbm>> -> memref<50048xf32, #tpu.memory_space<hbm>>
    %dma_wait3A_198 = arith.constant 0 : i32
    %dma_wait3A_199 = tpu.memref_slice %arg7[%dma_wait3A_198] : memref<50048xf32, #tpu.memory_space<vmem>> -> memref<50048xf32, #tpu.memory_space<vmem>>
    %dma_wait3A_200 = arith.constant 50048 : i32
    %dma_wait3A_201 = tpu.memref_slice %arg4[%add3A_153, %dma_wait3A_200] : memref<64x100096xf32, #tpu.memory_space<hbm>> -> memref<1x50048xf32, #tpu.memory_space<hbm>>
    %dma_wait3A_202 = tpu.memref_squeeze %dma_wait3A_201 : memref<1x50048xf32, #tpu.memory_space<hbm>> -> memref<50048xf32, #tpu.memory_space<hbm>>
    tpu.wait_dma2 semaphore(%arg11 : memref<!tpu.dma_semaphore, #tpu.memory_space<semaphore_mem>>) src(%dma_wait3A_202 : memref<50048xf32, #tpu.memory_space<hbm>>) dst(%dma_wait3A_199 : memref<50048xf32, #tpu.memory_space<vmem>>)
    %scan3A_203 = arith.constant 0 : i32
    %scan3A_204 = arith.constant 128 : i32
    %scan3A_205 = arith.addi %scan3A_203, %scan3A_204 : i32
    %scan3A_206 = arith.constant 1 : i32
    scf.for %scan3A_242 = %scan3A_203 to %scan3A_205 step %scan3A_206  : i32 {
      %mul3A_243 = arith.constant 1 : i32
      %mul3A_244 = arith.muli %scan3A_242, %mul3A_243 : i32
      %add3A_245 = arith.constant 0 : i32
      %add3A_246 = arith.addi %add3A_245, %mul3A_244 : i32
      %mul3A_247 = arith.constant 16 : i32
      %mul3A_248 = arith.muli %add3A_246, %mul3A_247 : i32
      %get3A = arith.index_cast %mul3A_248 : i32 to index
      %get3A_249 = tpu.vector_load %arg8[%get3A] {strides = array<i32>} : memref<2048xi32, #tpu.memory_space<vmem>>, vector<16xi32>,
      %mul3A_250 = arith.constant 16 : i32
      %mul3A_251 = arith.muli %add3A_246, %mul3A_250 : i32
      %get3A_252 = arith.constant 1 : i32
      %get3A_253 = arith.index_cast %get3A_252 : i32 to index
      %get3A_254 = arith.index_cast %mul3A_251 : i32 to index
      %get3A_255 = tpu.vector_load %arg9[%get3A_253, %get3A_254] {strides = array<i32>} : memref<2x2048xf32, #tpu.memory_space<vmem>>, vector<16xf32>,
      %ge3A = arith.constant 50048 : i32
      %ge3A_256 = vector.broadcast %ge3A : i32 to vector<16xi32>
      %ge3A_257 = arith.cmpi sge, %get3A_249, %ge3A_256 : vector<16xi32>
      %lt3A = arith.constant 100096 : i32
      %lt3A_258 = vector.broadcast %lt3A : i32 to vector<16xi32>
      %lt3A_259 = arith.cmpi slt, %get3A_249, %lt3A_258 : vector<16xi32>
      %and3A_260 = arith.andi %ge3A_257, %lt3A_259 : vector<16xi1>
      %sub3A_261 = arith.constant 50048 : i32
      %sub3A_262 = vector.broadcast %sub3A_261 : i32 to vector<16xi32>
      %sub3A_263 = arith.subi %get3A_249, %sub3A_262 : vector<16xi32>
      %jit3A_264 = arith.constant 0 : i32
      %broadcast_in_dim3A = vector.broadcast %jit3A_264 : i32 to vector<16xi32>
      %select_n3A_265 = arith.select %and3A_260, %sub3A_263, %broadcast_in_dim3A : vector<16xi1>, vector<16xi32>
      tpu.vector_store_idx %arg7[%select_n3A_265], %get3A_255 masked %and3A_260 {add = true} : memref<50048xf32, #tpu.memory_space<vmem>>[vector<16xi32>], vector<16xf32>, vector<16xi1>
    }
    %scan3A_207 = arith.constant 128 : i32
    %mul3A_208 = arith.constant 2 : i32
    %mul3A_209 = arith.muli %add3A, %mul3A_208 : i32
    %add3A_210 = arith.constant 1 : i32
    %add3A_211 = arith.addi %mul3A_209, %add3A_210 : i32
    %dma_start3A_212 = arith.constant 0 : i32
    %dma_start3A_213 = tpu.memref_slice %arg7[%dma_start3A_212] : memref<50048xf32, #tpu.memory_space<vmem>> -> memref<50048xf32, #tpu.memory_space<vmem>>
    %dma_start3A_214 = arith.constant 50048 : i32
    %dma_start3A_215 = tpu.memref_slice %arg4[%add3A_211, %dma_start3A_214] : memref<64x100096xf32, #tpu.memory_space<hbm>> -> memref<1x50048xf32, #tpu.memory_space<hbm>>
    %dma_start3A_216 = tpu.memref_squeeze %dma_start3A_215 : memref<1x50048xf32, #tpu.memory_space<hbm>> -> memref<50048xf32, #tpu.memory_space<hbm>>
    %dma_start3A_217 = arith.constant 50048 : i32
    %dma_start3A_218 = tpu.memref_slice %arg4[%add3A_211, %dma_start3A_217] : memref<64x100096xf32, #tpu.memory_space<hbm>> -> memref<1x50048xf32, #tpu.memory_space<hbm>>
    %dma_start3A_219 = tpu.memref_squeeze %dma_start3A_218 : memref<1x50048xf32, #tpu.memory_space<hbm>> -> memref<50048xf32, #tpu.memory_space<hbm>>
    %dma_start3A_220 = arith.constant 0 : i32
    %dma_start3A_221 = tpu.memref_slice %arg7[%dma_start3A_220] : memref<50048xf32, #tpu.memory_space<vmem>> -> memref<50048xf32, #tpu.memory_space<vmem>>
    tpu.enqueue_dma source(%dma_start3A_221 : memref<50048xf32, #tpu.memory_space<vmem>>) target(%dma_start3A_219 : memref<50048xf32, #tpu.memory_space<hbm>>) target_semaphore(%arg13 : memref<!tpu.dma_semaphore, #tpu.memory_space<semaphore_mem>>)
    %dma_wait3A_222 = arith.constant 0 : i32
    %dma_wait3A_223 = tpu.memref_slice %arg6[%dma_wait3A_222] : memref<50048xf32, #tpu.memory_space<vmem>> -> memref<50048xf32, #tpu.memory_space<vmem>>
    %dma_wait3A_224 = arith.constant 0 : i32
    %dma_wait3A_225 = tpu.memref_slice %arg4[%add3A_182, %dma_wait3A_224] : memref<64x100096xf32, #tpu.memory_space<hbm>> -> memref<1x50048xf32, #tpu.memory_space<hbm>>
    %dma_wait3A_226 = tpu.memref_squeeze %dma_wait3A_225 : memref<1x50048xf32, #tpu.memory_space<hbm>> -> memref<50048xf32, #tpu.memory_space<hbm>>
    %dma_wait3A_227 = arith.constant 0 : i32
    %dma_wait3A_228 = tpu.memref_slice %arg4[%add3A_182, %dma_wait3A_227] : memref<64x100096xf32, #tpu.memory_space<hbm>> -> memref<1x50048xf32, #tpu.memory_space<hbm>>
    %dma_wait3A_229 = tpu.memref_squeeze %dma_wait3A_228 : memref<1x50048xf32, #tpu.memory_space<hbm>> -> memref<50048xf32, #tpu.memory_space<hbm>>
    %dma_wait3A_230 = arith.constant 0 : i32
    %dma_wait3A_231 = tpu.memref_slice %arg6[%dma_wait3A_230] : memref<50048xf32, #tpu.memory_space<vmem>> -> memref<50048xf32, #tpu.memory_space<vmem>>
    tpu.wait_dma2 semaphore(%arg12 : memref<!tpu.dma_semaphore, #tpu.memory_space<semaphore_mem>>) src(%dma_wait3A_231 : memref<50048xf32, #tpu.memory_space<vmem>>) dst(%dma_wait3A_229 : memref<50048xf32, #tpu.memory_space<hbm>>)
    %dma_wait3A_232 = arith.constant 0 : i32
    %dma_wait3A_233 = tpu.memref_slice %arg7[%dma_wait3A_232] : memref<50048xf32, #tpu.memory_space<vmem>> -> memref<50048xf32, #tpu.memory_space<vmem>>
    %dma_wait3A_234 = arith.constant 50048 : i32
    %dma_wait3A_235 = tpu.memref_slice %arg4[%add3A_211, %dma_wait3A_234] : memref<64x100096xf32, #tpu.memory_space<hbm>> -> memref<1x50048xf32, #tpu.memory_space<hbm>>
    %dma_wait3A_236 = tpu.memref_squeeze %dma_wait3A_235 : memref<1x50048xf32, #tpu.memory_space<hbm>> -> memref<50048xf32, #tpu.memory_space<hbm>>
    %dma_wait3A_237 = arith.constant 50048 : i32
    %dma_wait3A_238 = tpu.memref_slice %arg4[%add3A_211, %dma_wait3A_237] : memref<64x100096xf32, #tpu.memory_space<hbm>> -> memref<1x50048xf32, #tpu.memory_space<hbm>>
    %dma_wait3A_239 = tpu.memref_squeeze %dma_wait3A_238 : memref<1x50048xf32, #tpu.memory_space<hbm>> -> memref<50048xf32, #tpu.memory_space<hbm>>
    %dma_wait3A_240 = arith.constant 0 : i32
    %dma_wait3A_241 = tpu.memref_slice %arg7[%dma_wait3A_240] : memref<50048xf32, #tpu.memory_space<vmem>> -> memref<50048xf32, #tpu.memory_space<vmem>>
    tpu.wait_dma2 semaphore(%arg13 : memref<!tpu.dma_semaphore, #tpu.memory_space<semaphore_mem>>) src(%dma_wait3A_241 : memref<50048xf32, #tpu.memory_space<vmem>>) dst(%dma_wait3A_239 : memref<50048xf32, #tpu.memory_space<hbm>>)
    return
  }
}

#map = affine_map<(d0, d1) -> (0, 0)>
module attributes {stable_mosaic.version = 14 : i64} {
  func.func @new_body(%arg0: i32, %arg1: i32, %arg2: memref<8x2048xi32, #tpu.memory_space<hbm>>, %arg3: memref<256x2048xf32, #tpu.memory_space<hbm>>, %arg4: memref<64x100096xf32, #tpu.memory_space<hbm>>, %arg5: memref<64x100096xf32, #tpu.memory_space<hbm>>, %arg6: memref<50048xf32, #tpu.memory_space<vmem>>, %arg7: memref<50048xf32, #tpu.memory_space<vmem>>, %arg8: memref<2048xi32, #tpu.memory_space<vmem>>, %arg9: memref<2x2048xf32, #tpu.memory_space<vmem>>, %arg10: memref<!tpu.dma_semaphore, #tpu.memory_space<semaphore_mem>>, %arg11: memref<!tpu.dma_semaphore, #tpu.memory_space<semaphore_mem>>, %arg12: memref<!tpu.dma_semaphore, #tpu.memory_space<semaphore_mem>>, %arg13: memref<!tpu.dma_semaphore, #tpu.memory_space<semaphore_mem>>, %arg14: memref<!tpu.dma_semaphore, #tpu.memory_space<semaphore_mem>>) attributes {dimension_semantics = [#tpu.dimension_semantics<core_parallel>, #tpu.dimension_semantics<subcore_parallel>], iteration_bounds = array<i64: 2, 16>, scalar_prefetch = 0 : i64, scratch_operands = 9 : i64, tpu.core_type = #tpu.core_type<sc_vector_subcore>, window_params = [{transform_indices = #map}, {transform_indices = #map}, {transform_indices = #map}, {transform_indices = #map}]} {
    %mul3A = arith.constant 2 : i32
    %mul3A_0 = arith.muli %arg1, %mul3A : i32
    %add3A = arith.addi %mul3A_0, %arg0 : i32
    %mul3A_1 = arith.constant 2 : i32
    %mul3A_2 = arith.muli %add3A, %mul3A_1 : i32
    %add3A_3 = arith.constant 128 : i32
    %add3A_4 = arith.addi %add3A_3, %mul3A_2 : i32
    %dma_start3A = arith.constant 0 : i32
    %dma_start3A_5 = tpu.memref_slice %arg3[%add3A_4, %dma_start3A] : memref<256x2048xf32, #tpu.memory_space<hbm>> -> memref<2x2048xf32, #tpu.memory_space<hbm>>
    %dma_start3A_6 = arith.constant 0 : i32
    %dma_start3A_7 = tpu.memref_slice %arg3[%add3A_4, %dma_start3A_6] : memref<256x2048xf32, #tpu.memory_space<hbm>> -> memref<2x2048xf32, #tpu.memory_space<hbm>>
    tpu.enqueue_dma source(%dma_start3A_7 : memref<2x2048xf32, #tpu.memory_space<hbm>>) target(%arg9 : memref<2x2048xf32, #tpu.memory_space<vmem>>) target_semaphore(%arg14 : memref<!tpu.dma_semaphore, #tpu.memory_space<semaphore_mem>>)
    %dma_wait3A = arith.constant 0 : i32
    %dma_wait3A_8 = tpu.memref_slice %arg3[%add3A_4, %dma_wait3A] : memref<256x2048xf32, #tpu.memory_space<hbm>> -> memref<2x2048xf32, #tpu.memory_space<hbm>>
    %dma_wait3A_9 = arith.constant 0 : i32
    %dma_wait3A_10 = tpu.memref_slice %arg3[%add3A_4, %dma_wait3A_9] : memref<256x2048xf32, #tpu.memory_space<hbm>> -> memref<2x2048xf32, #tpu.memory_space<hbm>>
    tpu.wait_dma2 semaphore(%arg14 : memref<!tpu.dma_semaphore, #tpu.memory_space<semaphore_mem>>) src(%dma_wait3A_10 : memref<2x2048xf32, #tpu.memory_space<hbm>>) dst(%arg9 : memref<2x2048xf32, #tpu.memory_space<vmem>>)
    %mul3A_11 = arith.constant 2 : i32
    %mul3A_12 = arith.muli %add3A, %mul3A_11 : i32
    %add3A_13 = arith.constant 128 : i32
    %add3A_14 = arith.addi %add3A_13, %mul3A_12 : i32
    %jit3A = arith.constant 32 : i32
    %div3A = arith.divsi %add3A_14, %jit3A : i32
    %sign3A = arith.constant 0 : i32
    %sign3A_15 = arith.cmpi sgt, %add3A_14, %sign3A : i32
    %sign3A_16 = arith.extui %sign3A_15 : i1 to i32
    %sign3A_17 = arith.constant 0 : i32
    %sign3A_18 = arith.cmpi slt, %add3A_14, %sign3A_17 : i32
    %sign3A_19 = arith.extui %sign3A_18 : i1 to i32
    %sign3A_20 = arith.subi %sign3A_16, %sign3A_19 : i32
    %sign3A_21 = arith.constant 0 : i32
    %sign3A_22 = arith.cmpi sgt, %jit3A, %sign3A_21 : i32
    %sign3A_23 = arith.extui %sign3A_22 : i1 to i32
    %sign3A_24 = arith.constant 0 : i32
    %sign3A_25 = arith.cmpi slt, %jit3A, %sign3A_24 : i32
    %sign3A_26 = arith.extui %sign3A_25 : i1 to i32
    %sign3A_27 = arith.subi %sign3A_23, %sign3A_26 : i32
    %ne3A = arith.cmpi ne, %sign3A_20, %sign3A_27 : i32
    %rem3A = arith.remsi %add3A_14, %jit3A : i32
    %ne3A_28 = arith.constant 0 : i32
    %ne3A_29 = arith.cmpi ne, %rem3A, %ne3A_28 : i32
    %and3A = arith.andi %ne3A, %ne3A_29 : i1
    %sub3A = arith.constant 1 : i32
    %sub3A_30 = arith.subi %div3A, %sub3A : i32
    %select_n3A = arith.select %and3A, %sub3A_30, %div3A : i32
    "tpu.region"() ({
      %run_scoped3A = tpu.sem_alloc : memref<!tpu.dma_semaphore, #tpu.memory_space<semaphore_mem>>
      %dma_start3A_242 = arith.constant 0 : i32
      %dma_start3A_243 = tpu.memref_slice %arg2[%select_n3A, %dma_start3A_242] : memref<8x2048xi32, #tpu.memory_space<hbm>> -> memref<1x2048xi32, #tpu.memory_space<hbm>>
      %dma_start3A_244 = tpu.memref_squeeze %dma_start3A_243 : memref<1x2048xi32, #tpu.memory_space<hbm>> -> memref<2048xi32, #tpu.memory_space<hbm>>
      %dma_start3A_245 = arith.constant 0 : i32
      %dma_start3A_246 = tpu.memref_slice %arg2[%select_n3A, %dma_start3A_245] : memref<8x2048xi32, #tpu.memory_space<hbm>> -> memref<1x2048xi32, #tpu.memory_space<hbm>>
      %dma_start3A_247 = tpu.memref_squeeze %dma_start3A_246 : memref<1x2048xi32, #tpu.memory_space<hbm>> -> memref<2048xi32, #tpu.memory_space<hbm>>
      tpu.enqueue_dma source(%dma_start3A_247 : memref<2048xi32, #tpu.memory_space<hbm>>) target(%arg8 : memref<2048xi32, #tpu.memory_space<vmem>>) target_semaphore(%run_scoped3A : memref<!tpu.dma_semaphore, #tpu.memory_space<semaphore_mem>>)
      %dma_wait3A_248 = arith.constant 0 : i32
      %dma_wait3A_249 = tpu.memref_slice %arg2[%select_n3A, %dma_wait3A_248] : memref<8x2048xi32, #tpu.memory_space<hbm>> -> memref<1x2048xi32, #tpu.memory_space<hbm>>
      %dma_wait3A_250 = tpu.memref_squeeze %dma_wait3A_249 : memref<1x2048xi32, #tpu.memory_space<hbm>> -> memref<2048xi32, #tpu.memory_space<hbm>>
      %dma_wait3A_251 = arith.constant 0 : i32
      %dma_wait3A_252 = tpu.memref_slice %arg2[%select_n3A, %dma_wait3A_251] : memref<8x2048xi32, #tpu.memory_space<hbm>> -> memref<1x2048xi32, #tpu.memory_space<hbm>>
      %dma_wait3A_253 = tpu.memref_squeeze %dma_wait3A_252 : memref<1x2048xi32, #tpu.memory_space<hbm>> -> memref<2048xi32, #tpu.memory_space<hbm>>
      tpu.wait_dma2 semaphore(%run_scoped3A : memref<!tpu.dma_semaphore, #tpu.memory_space<semaphore_mem>>) src(%dma_wait3A_253 : memref<2048xi32, #tpu.memory_space<hbm>>) dst(%arg8 : memref<2048xi32, #tpu.memory_space<vmem>>)
      tpu.yield
    }) : () -> ()
    %mul3A_31 = arith.constant 2 : i32
    %mul3A_32 = arith.muli %add3A, %mul3A_31 : i32
    %add3A_33 = arith.constant 0 : i32
    %add3A_34 = arith.addi %mul3A_32, %add3A_33 : i32
    %dma_start3A_35 = arith.constant 0 : i32
    %dma_start3A_36 = tpu.memref_slice %arg6[%dma_start3A_35] : memref<50048xf32, #tpu.memory_space<vmem>> -> memref<50048xf32, #tpu.memory_space<vmem>>
    %dma_start3A_37 = arith.constant 0 : i32
    %dma_start3A_38 = tpu.memref_slice %arg4[%add3A_34, %dma_start3A_37] : memref<64x100096xf32, #tpu.memory_space<hbm>> -> memref<1x50048xf32, #tpu.memory_space<hbm>>
    %dma_start3A_39 = tpu.memref_squeeze %dma_start3A_38 : memref<1x50048xf32, #tpu.memory_space<hbm>> -> memref<50048xf32, #tpu.memory_space<hbm>>
    %dma_start3A_40 = arith.constant 0 : i32
    %dma_start3A_41 = tpu.memref_slice %arg6[%dma_start3A_40] : memref<50048xf32, #tpu.memory_space<vmem>> -> memref<50048xf32, #tpu.memory_space<vmem>>
    %dma_start3A_42 = arith.constant 0 : i32
    %dma_start3A_43 = tpu.memref_slice %arg4[%add3A_34, %dma_start3A_42] : memref<64x100096xf32, #tpu.memory_space<hbm>> -> memref<1x50048xf32, #tpu.memory_space<hbm>>
    %dma_start3A_44 = tpu.memref_squeeze %dma_start3A_43 : memref<1x50048xf32, #tpu.memory_space<hbm>> -> memref<50048xf32, #tpu.memory_space<hbm>>
    tpu.enqueue_dma source(%dma_start3A_44 : memref<50048xf32, #tpu.memory_space<hbm>>) target(%dma_start3A_41 : memref<50048xf32, #tpu.memory_space<vmem>>) target_semaphore(%arg10 : memref<!tpu.dma_semaphore, #tpu.memory_space<semaphore_mem>>)
    %mul3A_45 = arith.constant 2 : i32
    %mul3A_46 = arith.muli %add3A, %mul3A_45 : i32
    %add3A_47 = arith.constant 0 : i32
    %add3A_48 = arith.addi %mul3A_46, %add3A_47 : i32
    %dma_start3A_49 = arith.constant 0 : i32
    %dma_start3A_50 = tpu.memref_slice %arg7[%dma_start3A_49] : memref<50048xf32, #tpu.memory_space<vmem>> -> memref<50048xf32, #tpu.memory_space<vmem>>
    %dma_start3A_51 = arith.constant 50048 : i32
    %dma_start3A_52 = tpu.memref_slice %arg4[%add3A_48, %dma_start3A_51] : memref<64x100096xf32, #tpu.memory_space<hbm>> -> memref<1x50048xf32, #tpu.memory_space<hbm>>
    %dma_start3A_53 = tpu.memref_squeeze %dma_start3A_52 : memref<1x50048xf32, #tpu.memory_space<hbm>> -> memref<50048xf32, #tpu.memory_space<hbm>>
    %dma_start3A_54 = arith.constant 0 : i32
    %dma_start3A_55 = tpu.memref_slice %arg7[%dma_start3A_54] : memref<50048xf32, #tpu.memory_space<vmem>> -> memref<50048xf32, #tpu.memory_space<vmem>>
    %dma_start3A_56 = arith.constant 50048 : i32
    %dma_start3A_57 = tpu.memref_slice %arg4[%add3A_48, %dma_start3A_56] : memref<64x100096xf32, #tpu.memory_space<hbm>> -> memref<1x50048xf32, #tpu.memory_space<hbm>>
    %dma_start3A_58 = tpu.memref_squeeze %dma_start3A_57 : memref<1x50048xf32, #tpu.memory_space<hbm>> -> memref<50048xf32, #tpu.memory_space<hbm>>
    tpu.enqueue_dma source(%dma_start3A_58 : memref<50048xf32, #tpu.memory_space<hbm>>) target(%dma_start3A_55 : memref<50048xf32, #tpu.memory_space<vmem>>) target_semaphore(%arg11 : memref<!tpu.dma_semaphore, #tpu.memory_space<semaphore_mem>>)
    %dma_wait3A_59 = arith.constant 0 : i32
    %dma_wait3A_60 = tpu.memref_slice %arg6[%dma_wait3A_59] : memref<50048xf32, #tpu.memory_space<vmem>> -> memref<50048xf32, #tpu.memory_space<vmem>>
    %dma_wait3A_61 = arith.constant 0 : i32
    %dma_wait3A_62 = tpu.memref_slice %arg4[%add3A_34, %dma_wait3A_61] : memref<64x100096xf32, #tpu.memory_space<hbm>> -> memref<1x50048xf32, #tpu.memory_space<hbm>>
    %dma_wait3A_63 = tpu.memref_squeeze %dma_wait3A_62 : memref<1x50048xf32, #tpu.memory_space<hbm>> -> memref<50048xf32, #tpu.memory_space<hbm>>
    %dma_wait3A_64 = arith.constant 0 : i32
    %dma_wait3A_65 = tpu.memref_slice %arg6[%dma_wait3A_64] : memref<50048xf32, #tpu.memory_space<vmem>> -> memref<50048xf32, #tpu.memory_space<vmem>>
    %dma_wait3A_66 = arith.constant 0 : i32
    %dma_wait3A_67 = tpu.memref_slice %arg4[%add3A_34, %dma_wait3A_66] : memref<64x100096xf32, #tpu.memory_space<hbm>> -> memref<1x50048xf32, #tpu.memory_space<hbm>>
    %dma_wait3A_68 = tpu.memref_squeeze %dma_wait3A_67 : memref<1x50048xf32, #tpu.memory_space<hbm>> -> memref<50048xf32, #tpu.memory_space<hbm>>
    tpu.wait_dma2 semaphore(%arg10 : memref<!tpu.dma_semaphore, #tpu.memory_space<semaphore_mem>>) src(%dma_wait3A_68 : memref<50048xf32, #tpu.memory_space<hbm>>) dst(%dma_wait3A_65 : memref<50048xf32, #tpu.memory_space<vmem>>)
    %scan3A = arith.constant 0 : i32
    %scan3A_69 = arith.constant 128 : i32
    %scan3A_70 = arith.addi %scan3A, %scan3A_69 : i32
    %scan3A_71 = arith.constant 1 : i32
    scf.for %scan3A_242 = %scan3A to %scan3A_70 step %scan3A_71  : i32 {
      %mul3A_243 = arith.constant 1 : i32
      %mul3A_244 = arith.muli %scan3A_242, %mul3A_243 : i32
      %add3A_245 = arith.constant 0 : i32
      %add3A_246 = arith.addi %add3A_245, %mul3A_244 : i32
      %mul3A_247 = arith.constant 16 : i32
      %mul3A_248 = arith.muli %add3A_246, %mul3A_247 : i32
      %get3A = arith.index_cast %mul3A_248 : i32 to index
      %get3A_249 = tpu.vector_load %arg8[%get3A] {strides = array<i32>} : memref<2048xi32, #tpu.memory_space<vmem>>, vector<16xi32>,
      %mul3A_250 = arith.constant 16 : i32
      %mul3A_251 = arith.muli %add3A_246, %mul3A_250 : i32
      %get3A_252 = arith.constant 0 : i32
      %get3A_253 = arith.index_cast %get3A_252 : i32 to index
      %get3A_254 = arith.index_cast %mul3A_251 : i32 to index
      %get3A_255 = tpu.vector_load %arg9[%get3A_253, %get3A_254] {strides = array<i32>} : memref<2x2048xf32, #tpu.memory_space<vmem>>, vector<16xf32>,
      %ge3A = arith.constant 0 : i32
      %ge3A_256 = vector.broadcast %ge3A : i32 to vector<16xi32>
      %ge3A_257 = arith.cmpi sge, %get3A_249, %ge3A_256 : vector<16xi32>
      %lt3A = arith.constant 50048 : i32
      %lt3A_258 = vector.broadcast %lt3A : i32 to vector<16xi32>
      %lt3A_259 = arith.cmpi slt, %get3A_249, %lt3A_258 : vector<16xi32>
      %and3A_260 = arith.andi %ge3A_257, %lt3A_259 : vector<16xi1>
      %sub3A_261 = arith.constant 0 : i32
      %sub3A_262 = vector.broadcast %sub3A_261 : i32 to vector<16xi32>
      %sub3A_263 = arith.subi %get3A_249, %sub3A_262 : vector<16xi32>
      %jit3A_264 = arith.constant 0 : i32
      %broadcast_in_dim3A = vector.broadcast %jit3A_264 : i32 to vector<16xi32>
      %select_n3A_265 = arith.select %and3A_260, %sub3A_263, %broadcast_in_dim3A : vector<16xi1>, vector<16xi32>
      tpu.vector_store_idx %arg6[%select_n3A_265], %get3A_255 masked %and3A_260 {add = true} : memref<50048xf32, #tpu.memory_space<vmem>>[vector<16xi32>], vector<16xf32>, vector<16xi1>
    }
    %scan3A_72 = arith.constant 128 : i32
    %mul3A_73 = arith.constant 2 : i32
    %mul3A_74 = arith.muli %add3A, %mul3A_73 : i32
    %add3A_75 = arith.constant 0 : i32
    %add3A_76 = arith.addi %mul3A_74, %add3A_75 : i32
    %dma_start3A_77 = arith.constant 0 : i32
    %dma_start3A_78 = tpu.memref_slice %arg6[%dma_start3A_77] : memref<50048xf32, #tpu.memory_space<vmem>> -> memref<50048xf32, #tpu.memory_space<vmem>>
    %dma_start3A_79 = arith.constant 0 : i32
    %dma_start3A_80 = tpu.memref_slice %arg4[%add3A_76, %dma_start3A_79] : memref<64x100096xf32, #tpu.memory_space<hbm>> -> memref<1x50048xf32, #tpu.memory_space<hbm>>
    %dma_start3A_81 = tpu.memref_squeeze %dma_start3A_80 : memref<1x50048xf32, #tpu.memory_space<hbm>> -> memref<50048xf32, #tpu.memory_space<hbm>>
    %dma_start3A_82 = arith.constant 0 : i32
    %dma_start3A_83 = tpu.memref_slice %arg4[%add3A_76, %dma_start3A_82] : memref<64x100096xf32, #tpu.memory_space<hbm>> -> memref<1x50048xf32, #tpu.memory_space<hbm>>
    %dma_start3A_84 = tpu.memref_squeeze %dma_start3A_83 : memref<1x50048xf32, #tpu.memory_space<hbm>> -> memref<50048xf32, #tpu.memory_space<hbm>>
    %dma_start3A_85 = arith.constant 0 : i32
    %dma_start3A_86 = tpu.memref_slice %arg6[%dma_start3A_85] : memref<50048xf32, #tpu.memory_space<vmem>> -> memref<50048xf32, #tpu.memory_space<vmem>>
    tpu.enqueue_dma source(%dma_start3A_86 : memref<50048xf32, #tpu.memory_space<vmem>>) target(%dma_start3A_84 : memref<50048xf32, #tpu.memory_space<hbm>>) target_semaphore(%arg12 : memref<!tpu.dma_semaphore, #tpu.memory_space<semaphore_mem>>)
    %dma_wait3A_87 = arith.constant 0 : i32
    %dma_wait3A_88 = tpu.memref_slice %arg6[%dma_wait3A_87] : memref<50048xf32, #tpu.memory_space<vmem>> -> memref<50048xf32, #tpu.memory_space<vmem>>
    %dma_wait3A_89 = arith.constant 0 : i32
    %dma_wait3A_90 = tpu.memref_slice %arg4[%add3A_76, %dma_wait3A_89] : memref<64x100096xf32, #tpu.memory_space<hbm>> -> memref<1x50048xf32, #tpu.memory_space<hbm>>
    %dma_wait3A_91 = tpu.memref_squeeze %dma_wait3A_90 : memref<1x50048xf32, #tpu.memory_space<hbm>> -> memref<50048xf32, #tpu.memory_space<hbm>>
    %dma_wait3A_92 = arith.constant 0 : i32
    %dma_wait3A_93 = tpu.memref_slice %arg4[%add3A_76, %dma_wait3A_92] : memref<64x100096xf32, #tpu.memory_space<hbm>> -> memref<1x50048xf32, #tpu.memory_space<hbm>>
    %dma_wait3A_94 = tpu.memref_squeeze %dma_wait3A_93 : memref<1x50048xf32, #tpu.memory_space<hbm>> -> memref<50048xf32, #tpu.memory_space<hbm>>
    %dma_wait3A_95 = arith.constant 0 : i32
    %dma_wait3A_96 = tpu.memref_slice %arg6[%dma_wait3A_95] : memref<50048xf32, #tpu.memory_space<vmem>> -> memref<50048xf32, #tpu.memory_space<vmem>>
    tpu.wait_dma2 semaphore(%arg12 : memref<!tpu.dma_semaphore, #tpu.memory_space<semaphore_mem>>) src(%dma_wait3A_96 : memref<50048xf32, #tpu.memory_space<vmem>>) dst(%dma_wait3A_94 : memref<50048xf32, #tpu.memory_space<hbm>>)
    %mul3A_97 = arith.constant 2 : i32
    %mul3A_98 = arith.muli %add3A, %mul3A_97 : i32
    %add3A_99 = arith.constant 1 : i32
    %add3A_100 = arith.addi %mul3A_98, %add3A_99 : i32
    %dma_start3A_101 = arith.constant 0 : i32
    %dma_start3A_102 = tpu.memref_slice %arg6[%dma_start3A_101] : memref<50048xf32, #tpu.memory_space<vmem>> -> memref<50048xf32, #tpu.memory_space<vmem>>
    %dma_start3A_103 = arith.constant 0 : i32
    %dma_start3A_104 = tpu.memref_slice %arg4[%add3A_100, %dma_start3A_103] : memref<64x100096xf32, #tpu.memory_space<hbm>> -> memref<1x50048xf32, #tpu.memory_space<hbm>>
    %dma_start3A_105 = tpu.memref_squeeze %dma_start3A_104 : memref<1x50048xf32, #tpu.memory_space<hbm>> -> memref<50048xf32, #tpu.memory_space<hbm>>
    %dma_start3A_106 = arith.constant 0 : i32
    %dma_start3A_107 = tpu.memref_slice %arg6[%dma_start3A_106] : memref<50048xf32, #tpu.memory_space<vmem>> -> memref<50048xf32, #tpu.memory_space<vmem>>
    %dma_start3A_108 = arith.constant 0 : i32
    %dma_start3A_109 = tpu.memref_slice %arg4[%add3A_100, %dma_start3A_108] : memref<64x100096xf32, #tpu.memory_space<hbm>> -> memref<1x50048xf32, #tpu.memory_space<hbm>>
    %dma_start3A_110 = tpu.memref_squeeze %dma_start3A_109 : memref<1x50048xf32, #tpu.memory_space<hbm>> -> memref<50048xf32, #tpu.memory_space<hbm>>
    tpu.enqueue_dma source(%dma_start3A_110 : memref<50048xf32, #tpu.memory_space<hbm>>) target(%dma_start3A_107 : memref<50048xf32, #tpu.memory_space<vmem>>) target_semaphore(%arg10 : memref<!tpu.dma_semaphore, #tpu.memory_space<semaphore_mem>>)
    %dma_wait3A_111 = arith.constant 0 : i32
    %dma_wait3A_112 = tpu.memref_slice %arg7[%dma_wait3A_111] : memref<50048xf32, #tpu.memory_space<vmem>> -> memref<50048xf32, #tpu.memory_space<vmem>>
    %dma_wait3A_113 = arith.constant 50048 : i32
    %dma_wait3A_114 = tpu.memref_slice %arg4[%add3A_48, %dma_wait3A_113] : memref<64x100096xf32, #tpu.memory_space<hbm>> -> memref<1x50048xf32, #tpu.memory_space<hbm>>
    %dma_wait3A_115 = tpu.memref_squeeze %dma_wait3A_114 : memref<1x50048xf32, #tpu.memory_space<hbm>> -> memref<50048xf32, #tpu.memory_space<hbm>>
    %dma_wait3A_116 = arith.constant 0 : i32
    %dma_wait3A_117 = tpu.memref_slice %arg7[%dma_wait3A_116] : memref<50048xf32, #tpu.memory_space<vmem>> -> memref<50048xf32, #tpu.memory_space<vmem>>
    %dma_wait3A_118 = arith.constant 50048 : i32
    %dma_wait3A_119 = tpu.memref_slice %arg4[%add3A_48, %dma_wait3A_118] : memref<64x100096xf32, #tpu.memory_space<hbm>> -> memref<1x50048xf32, #tpu.memory_space<hbm>>
    %dma_wait3A_120 = tpu.memref_squeeze %dma_wait3A_119 : memref<1x50048xf32, #tpu.memory_space<hbm>> -> memref<50048xf32, #tpu.memory_space<hbm>>
    tpu.wait_dma2 semaphore(%arg11 : memref<!tpu.dma_semaphore, #tpu.memory_space<semaphore_mem>>) src(%dma_wait3A_120 : memref<50048xf32, #tpu.memory_space<hbm>>) dst(%dma_wait3A_117 : memref<50048xf32, #tpu.memory_space<vmem>>)
    %scan3A_121 = arith.constant 0 : i32
    %scan3A_122 = arith.constant 128 : i32
    %scan3A_123 = arith.addi %scan3A_121, %scan3A_122 : i32
    %scan3A_124 = arith.constant 1 : i32
    scf.for %scan3A_242 = %scan3A_121 to %scan3A_123 step %scan3A_124  : i32 {
      %mul3A_243 = arith.constant 1 : i32
      %mul3A_244 = arith.muli %scan3A_242, %mul3A_243 : i32
      %add3A_245 = arith.constant 0 : i32
      %add3A_246 = arith.addi %add3A_245, %mul3A_244 : i32
      %mul3A_247 = arith.constant 16 : i32
      %mul3A_248 = arith.muli %add3A_246, %mul3A_247 : i32
      %get3A = arith.index_cast %mul3A_248 : i32 to index
      %get3A_249 = tpu.vector_load %arg8[%get3A] {strides = array<i32>} : memref<2048xi32, #tpu.memory_space<vmem>>, vector<16xi32>,
      %mul3A_250 = arith.constant 16 : i32
      %mul3A_251 = arith.muli %add3A_246, %mul3A_250 : i32
      %get3A_252 = arith.constant 0 : i32
      %get3A_253 = arith.index_cast %get3A_252 : i32 to index
      %get3A_254 = arith.index_cast %mul3A_251 : i32 to index
      %get3A_255 = tpu.vector_load %arg9[%get3A_253, %get3A_254] {strides = array<i32>} : memref<2x2048xf32, #tpu.memory_space<vmem>>, vector<16xf32>,
      %ge3A = arith.constant 50048 : i32
      %ge3A_256 = vector.broadcast %ge3A : i32 to vector<16xi32>
      %ge3A_257 = arith.cmpi sge, %get3A_249, %ge3A_256 : vector<16xi32>
      %lt3A = arith.constant 100096 : i32
      %lt3A_258 = vector.broadcast %lt3A : i32 to vector<16xi32>
      %lt3A_259 = arith.cmpi slt, %get3A_249, %lt3A_258 : vector<16xi32>
      %and3A_260 = arith.andi %ge3A_257, %lt3A_259 : vector<16xi1>
      %sub3A_261 = arith.constant 50048 : i32
      %sub3A_262 = vector.broadcast %sub3A_261 : i32 to vector<16xi32>
      %sub3A_263 = arith.subi %get3A_249, %sub3A_262 : vector<16xi32>
      %jit3A_264 = arith.constant 0 : i32
      %broadcast_in_dim3A = vector.broadcast %jit3A_264 : i32 to vector<16xi32>
      %select_n3A_265 = arith.select %and3A_260, %sub3A_263, %broadcast_in_dim3A : vector<16xi1>, vector<16xi32>
      tpu.vector_store_idx %arg7[%select_n3A_265], %get3A_255 masked %and3A_260 {add = true} : memref<50048xf32, #tpu.memory_space<vmem>>[vector<16xi32>], vector<16xf32>, vector<16xi1>
    }
    %scan3A_125 = arith.constant 128 : i32
    %mul3A_126 = arith.constant 2 : i32
    %mul3A_127 = arith.muli %add3A, %mul3A_126 : i32
    %add3A_128 = arith.constant 0 : i32
    %add3A_129 = arith.addi %mul3A_127, %add3A_128 : i32
    %dma_start3A_130 = arith.constant 0 : i32
    %dma_start3A_131 = tpu.memref_slice %arg7[%dma_start3A_130] : memref<50048xf32, #tpu.memory_space<vmem>> -> memref<50048xf32, #tpu.memory_space<vmem>>
    %dma_start3A_132 = arith.constant 50048 : i32
    %dma_start3A_133 = tpu.memref_slice %arg4[%add3A_129, %dma_start3A_132] : memref<64x100096xf32, #tpu.memory_space<hbm>> -> memref<1x50048xf32, #tpu.memory_space<hbm>>
    %dma_start3A_134 = tpu.memref_squeeze %dma_start3A_133 : memref<1x50048xf32, #tpu.memory_space<hbm>> -> memref<50048xf32, #tpu.memory_space<hbm>>
    %dma_start3A_135 = arith.constant 50048 : i32
    %dma_start3A_136 = tpu.memref_slice %arg4[%add3A_129, %dma_start3A_135] : memref<64x100096xf32, #tpu.memory_space<hbm>> -> memref<1x50048xf32, #tpu.memory_space<hbm>>
    %dma_start3A_137 = tpu.memref_squeeze %dma_start3A_136 : memref<1x50048xf32, #tpu.memory_space<hbm>> -> memref<50048xf32, #tpu.memory_space<hbm>>
    %dma_start3A_138 = arith.constant 0 : i32
    %dma_start3A_139 = tpu.memref_slice %arg7[%dma_start3A_138] : memref<50048xf32, #tpu.memory_space<vmem>> -> memref<50048xf32, #tpu.memory_space<vmem>>
    tpu.enqueue_dma source(%dma_start3A_139 : memref<50048xf32, #tpu.memory_space<vmem>>) target(%dma_start3A_137 : memref<50048xf32, #tpu.memory_space<hbm>>) target_semaphore(%arg13 : memref<!tpu.dma_semaphore, #tpu.memory_space<semaphore_mem>>)
    %dma_wait3A_140 = arith.constant 0 : i32
    %dma_wait3A_141 = tpu.memref_slice %arg7[%dma_wait3A_140] : memref<50048xf32, #tpu.memory_space<vmem>> -> memref<50048xf32, #tpu.memory_space<vmem>>
    %dma_wait3A_142 = arith.constant 50048 : i32
    %dma_wait3A_143 = tpu.memref_slice %arg4[%add3A_129, %dma_wait3A_142] : memref<64x100096xf32, #tpu.memory_space<hbm>> -> memref<1x50048xf32, #tpu.memory_space<hbm>>
    %dma_wait3A_144 = tpu.memref_squeeze %dma_wait3A_143 : memref<1x50048xf32, #tpu.memory_space<hbm>> -> memref<50048xf32, #tpu.memory_space<hbm>>
    %dma_wait3A_145 = arith.constant 50048 : i32
    %dma_wait3A_146 = tpu.memref_slice %arg4[%add3A_129, %dma_wait3A_145] : memref<64x100096xf32, #tpu.memory_space<hbm>> -> memref<1x50048xf32, #tpu.memory_space<hbm>>
    %dma_wait3A_147 = tpu.memref_squeeze %dma_wait3A_146 : memref<1x50048xf32, #tpu.memory_space<hbm>> -> memref<50048xf32, #tpu.memory_space<hbm>>
    %dma_wait3A_148 = arith.constant 0 : i32
    %dma_wait3A_149 = tpu.memref_slice %arg7[%dma_wait3A_148] : memref<50048xf32, #tpu.memory_space<vmem>> -> memref<50048xf32, #tpu.memory_space<vmem>>
    tpu.wait_dma2 semaphore(%arg13 : memref<!tpu.dma_semaphore, #tpu.memory_space<semaphore_mem>>) src(%dma_wait3A_149 : memref<50048xf32, #tpu.memory_space<vmem>>) dst(%dma_wait3A_147 : memref<50048xf32, #tpu.memory_space<hbm>>)
    %mul3A_150 = arith.constant 2 : i32
    %mul3A_151 = arith.muli %add3A, %mul3A_150 : i32
    %add3A_152 = arith.constant 1 : i32
    %add3A_153 = arith.addi %mul3A_151, %add3A_152 : i32
    %dma_start3A_154 = arith.constant 0 : i32
    %dma_start3A_155 = tpu.memref_slice %arg7[%dma_start3A_154] : memref<50048xf32, #tpu.memory_space<vmem>> -> memref<50048xf32, #tpu.memory_space<vmem>>
    %dma_start3A_156 = arith.constant 50048 : i32
    %dma_start3A_157 = tpu.memref_slice %arg4[%add3A_153, %dma_start3A_156] : memref<64x100096xf32, #tpu.memory_space<hbm>> -> memref<1x50048xf32, #tpu.memory_space<hbm>>
    %dma_start3A_158 = tpu.memref_squeeze %dma_start3A_157 : memref<1x50048xf32, #tpu.memory_space<hbm>> -> memref<50048xf32, #tpu.memory_space<hbm>>
    %dma_start3A_159 = arith.constant 0 : i32
    %dma_start3A_160 = tpu.memref_slice %arg7[%dma_start3A_159] : memref<50048xf32, #tpu.memory_space<vmem>> -> memref<50048xf32, #tpu.memory_space<vmem>>
    %dma_start3A_161 = arith.constant 50048 : i32
    %dma_start3A_162 = tpu.memref_slice %arg4[%add3A_153, %dma_start3A_161] : memref<64x100096xf32, #tpu.memory_space<hbm>> -> memref<1x50048xf32, #tpu.memory_space<hbm>>
    %dma_start3A_163 = tpu.memref_squeeze %dma_start3A_162 : memref<1x50048xf32, #tpu.memory_space<hbm>> -> memref<50048xf32, #tpu.memory_space<hbm>>
    tpu.enqueue_dma source(%dma_start3A_163 : memref<50048xf32, #tpu.memory_space<hbm>>) target(%dma_start3A_160 : memref<50048xf32, #tpu.memory_space<vmem>>) target_semaphore(%arg11 : memref<!tpu.dma_semaphore, #tpu.memory_space<semaphore_mem>>)
    %dma_wait3A_164 = arith.constant 0 : i32
    %dma_wait3A_165 = tpu.memref_slice %arg6[%dma_wait3A_164] : memref<50048xf32, #tpu.memory_space<vmem>> -> memref<50048xf32, #tpu.memory_space<vmem>>
    %dma_wait3A_166 = arith.constant 0 : i32
    %dma_wait3A_167 = tpu.memref_slice %arg4[%add3A_100, %dma_wait3A_166] : memref<64x100096xf32, #tpu.memory_space<hbm>> -> memref<1x50048xf32, #tpu.memory_space<hbm>>
    %dma_wait3A_168 = tpu.memref_squeeze %dma_wait3A_167 : memref<1x50048xf32, #tpu.memory_space<hbm>> -> memref<50048xf32, #tpu.memory_space<hbm>>
    %dma_wait3A_169 = arith.constant 0 : i32
    %dma_wait3A_170 = tpu.memref_slice %arg6[%dma_wait3A_169] : memref<50048xf32, #tpu.memory_space<vmem>> -> memref<50048xf32, #tpu.memory_space<vmem>>
    %dma_wait3A_171 = arith.constant 0 : i32
    %dma_wait3A_172 = tpu.memref_slice %arg4[%add3A_100, %dma_wait3A_171] : memref<64x100096xf32, #tpu.memory_space<hbm>> -> memref<1x50048xf32, #tpu.memory_space<hbm>>
    %dma_wait3A_173 = tpu.memref_squeeze %dma_wait3A_172 : memref<1x50048xf32, #tpu.memory_space<hbm>> -> memref<50048xf32, #tpu.memory_space<hbm>>
    tpu.wait_dma2 semaphore(%arg10 : memref<!tpu.dma_semaphore, #tpu.memory_space<semaphore_mem>>) src(%dma_wait3A_173 : memref<50048xf32, #tpu.memory_space<hbm>>) dst(%dma_wait3A_170 : memref<50048xf32, #tpu.memory_space<vmem>>)
    %scan3A_174 = arith.constant 0 : i32
    %scan3A_175 = arith.constant 128 : i32
    %scan3A_176 = arith.addi %scan3A_174, %scan3A_175 : i32
    %scan3A_177 = arith.constant 1 : i32
    scf.for %scan3A_242 = %scan3A_174 to %scan3A_176 step %scan3A_177  : i32 {
      %mul3A_243 = arith.constant 1 : i32
      %mul3A_244 = arith.muli %scan3A_242, %mul3A_243 : i32
      %add3A_245 = arith.constant 0 : i32
      %add3A_246 = arith.addi %add3A_245, %mul3A_244 : i32
      %mul3A_247 = arith.constant 16 : i32
      %mul3A_248 = arith.muli %add3A_246, %mul3A_247 : i32
      %get3A = arith.index_cast %mul3A_248 : i32 to index
      %get3A_249 = tpu.vector_load %arg8[%get3A] {strides = array<i32>} : memref<2048xi32, #tpu.memory_space<vmem>>, vector<16xi32>,
      %mul3A_250 = arith.constant 16 : i32
      %mul3A_251 = arith.muli %add3A_246, %mul3A_250 : i32
      %get3A_252 = arith.constant 1 : i32
      %get3A_253 = arith.index_cast %get3A_252 : i32 to index
      %get3A_254 = arith.index_cast %mul3A_251 : i32 to index
      %get3A_255 = tpu.vector_load %arg9[%get3A_253, %get3A_254] {strides = array<i32>} : memref<2x2048xf32, #tpu.memory_space<vmem>>, vector<16xf32>,
      %ge3A = arith.constant 0 : i32
      %ge3A_256 = vector.broadcast %ge3A : i32 to vector<16xi32>
      %ge3A_257 = arith.cmpi sge, %get3A_249, %ge3A_256 : vector<16xi32>
      %lt3A = arith.constant 50048 : i32
      %lt3A_258 = vector.broadcast %lt3A : i32 to vector<16xi32>
      %lt3A_259 = arith.cmpi slt, %get3A_249, %lt3A_258 : vector<16xi32>
      %and3A_260 = arith.andi %ge3A_257, %lt3A_259 : vector<16xi1>
      %sub3A_261 = arith.constant 0 : i32
      %sub3A_262 = vector.broadcast %sub3A_261 : i32 to vector<16xi32>
      %sub3A_263 = arith.subi %get3A_249, %sub3A_262 : vector<16xi32>
      %jit3A_264 = arith.constant 0 : i32
      %broadcast_in_dim3A = vector.broadcast %jit3A_264 : i32 to vector<16xi32>
      %select_n3A_265 = arith.select %and3A_260, %sub3A_263, %broadcast_in_dim3A : vector<16xi1>, vector<16xi32>
      tpu.vector_store_idx %arg6[%select_n3A_265], %get3A_255 masked %and3A_260 {add = true} : memref<50048xf32, #tpu.memory_space<vmem>>[vector<16xi32>], vector<16xf32>, vector<16xi1>
    }
    %scan3A_178 = arith.constant 128 : i32
    %mul3A_179 = arith.constant 2 : i32
    %mul3A_180 = arith.muli %add3A, %mul3A_179 : i32
    %add3A_181 = arith.constant 1 : i32
    %add3A_182 = arith.addi %mul3A_180, %add3A_181 : i32
    %dma_start3A_183 = arith.constant 0 : i32
    %dma_start3A_184 = tpu.memref_slice %arg6[%dma_start3A_183] : memref<50048xf32, #tpu.memory_space<vmem>> -> memref<50048xf32, #tpu.memory_space<vmem>>
    %dma_start3A_185 = arith.constant 0 : i32
    %dma_start3A_186 = tpu.memref_slice %arg4[%add3A_182, %dma_start3A_185] : memref<64x100096xf32, #tpu.memory_space<hbm>> -> memref<1x50048xf32, #tpu.memory_space<hbm>>
    %dma_start3A_187 = tpu.memref_squeeze %dma_start3A_186 : memref<1x50048xf32, #tpu.memory_space<hbm>> -> memref<50048xf32, #tpu.memory_space<hbm>>
    %dma_start3A_188 = arith.constant 0 : i32
    %dma_start3A_189 = tpu.memref_slice %arg4[%add3A_182, %dma_start3A_188] : memref<64x100096xf32, #tpu.memory_space<hbm>> -> memref<1x50048xf32, #tpu.memory_space<hbm>>
    %dma_start3A_190 = tpu.memref_squeeze %dma_start3A_189 : memref<1x50048xf32, #tpu.memory_space<hbm>> -> memref<50048xf32, #tpu.memory_space<hbm>>
    %dma_start3A_191 = arith.constant 0 : i32
    %dma_start3A_192 = tpu.memref_slice %arg6[%dma_start3A_191] : memref<50048xf32, #tpu.memory_space<vmem>> -> memref<50048xf32, #tpu.memory_space<vmem>>
    tpu.enqueue_dma source(%dma_start3A_192 : memref<50048xf32, #tpu.memory_space<vmem>>) target(%dma_start3A_190 : memref<50048xf32, #tpu.memory_space<hbm>>) target_semaphore(%arg12 : memref<!tpu.dma_semaphore, #tpu.memory_space<semaphore_mem>>)
    %dma_wait3A_193 = arith.constant 0 : i32
    %dma_wait3A_194 = tpu.memref_slice %arg7[%dma_wait3A_193] : memref<50048xf32, #tpu.memory_space<vmem>> -> memref<50048xf32, #tpu.memory_space<vmem>>
    %dma_wait3A_195 = arith.constant 50048 : i32
    %dma_wait3A_196 = tpu.memref_slice %arg4[%add3A_153, %dma_wait3A_195] : memref<64x100096xf32, #tpu.memory_space<hbm>> -> memref<1x50048xf32, #tpu.memory_space<hbm>>
    %dma_wait3A_197 = tpu.memref_squeeze %dma_wait3A_196 : memref<1x50048xf32, #tpu.memory_space<hbm>> -> memref<50048xf32, #tpu.memory_space<hbm>>
    %dma_wait3A_198 = arith.constant 0 : i32
    %dma_wait3A_199 = tpu.memref_slice %arg7[%dma_wait3A_198] : memref<50048xf32, #tpu.memory_space<vmem>> -> memref<50048xf32, #tpu.memory_space<vmem>>
    %dma_wait3A_200 = arith.constant 50048 : i32
    %dma_wait3A_201 = tpu.memref_slice %arg4[%add3A_153, %dma_wait3A_200] : memref<64x100096xf32, #tpu.memory_space<hbm>> -> memref<1x50048xf32, #tpu.memory_space<hbm>>
    %dma_wait3A_202 = tpu.memref_squeeze %dma_wait3A_201 : memref<1x50048xf32, #tpu.memory_space<hbm>> -> memref<50048xf32, #tpu.memory_space<hbm>>
    tpu.wait_dma2 semaphore(%arg11 : memref<!tpu.dma_semaphore, #tpu.memory_space<semaphore_mem>>) src(%dma_wait3A_202 : memref<50048xf32, #tpu.memory_space<hbm>>) dst(%dma_wait3A_199 : memref<50048xf32, #tpu.memory_space<vmem>>)
    %scan3A_203 = arith.constant 0 : i32
    %scan3A_204 = arith.constant 128 : i32
    %scan3A_205 = arith.addi %scan3A_203, %scan3A_204 : i32
    %scan3A_206 = arith.constant 1 : i32
    scf.for %scan3A_242 = %scan3A_203 to %scan3A_205 step %scan3A_206  : i32 {
      %mul3A_243 = arith.constant 1 : i32
      %mul3A_244 = arith.muli %scan3A_242, %mul3A_243 : i32
      %add3A_245 = arith.constant 0 : i32
      %add3A_246 = arith.addi %add3A_245, %mul3A_244 : i32
      %mul3A_247 = arith.constant 16 : i32
      %mul3A_248 = arith.muli %add3A_246, %mul3A_247 : i32
      %get3A = arith.index_cast %mul3A_248 : i32 to index
      %get3A_249 = tpu.vector_load %arg8[%get3A] {strides = array<i32>} : memref<2048xi32, #tpu.memory_space<vmem>>, vector<16xi32>,
      %mul3A_250 = arith.constant 16 : i32
      %mul3A_251 = arith.muli %add3A_246, %mul3A_250 : i32
      %get3A_252 = arith.constant 1 : i32
      %get3A_253 = arith.index_cast %get3A_252 : i32 to index
      %get3A_254 = arith.index_cast %mul3A_251 : i32 to index
      %get3A_255 = tpu.vector_load %arg9[%get3A_253, %get3A_254] {strides = array<i32>} : memref<2x2048xf32, #tpu.memory_space<vmem>>, vector<16xf32>,
      %ge3A = arith.constant 50048 : i32
      %ge3A_256 = vector.broadcast %ge3A : i32 to vector<16xi32>
      %ge3A_257 = arith.cmpi sge, %get3A_249, %ge3A_256 : vector<16xi32>
      %lt3A = arith.constant 100096 : i32
      %lt3A_258 = vector.broadcast %lt3A : i32 to vector<16xi32>
      %lt3A_259 = arith.cmpi slt, %get3A_249, %lt3A_258 : vector<16xi32>
      %and3A_260 = arith.andi %ge3A_257, %lt3A_259 : vector<16xi1>
      %sub3A_261 = arith.constant 50048 : i32
      %sub3A_262 = vector.broadcast %sub3A_261 : i32 to vector<16xi32>
      %sub3A_263 = arith.subi %get3A_249, %sub3A_262 : vector<16xi32>
      %jit3A_264 = arith.constant 0 : i32
      %broadcast_in_dim3A = vector.broadcast %jit3A_264 : i32 to vector<16xi32>
      %select_n3A_265 = arith.select %and3A_260, %sub3A_263, %broadcast_in_dim3A : vector<16xi1>, vector<16xi32>
      tpu.vector_store_idx %arg7[%select_n3A_265], %get3A_255 masked %and3A_260 {add = true} : memref<50048xf32, #tpu.memory_space<vmem>>[vector<16xi32>], vector<16xf32>, vector<16xi1>
    }
    %scan3A_207 = arith.constant 128 : i32
    %mul3A_208 = arith.constant 2 : i32
    %mul3A_209 = arith.muli %add3A, %mul3A_208 : i32
    %add3A_210 = arith.constant 1 : i32
    %add3A_211 = arith.addi %mul3A_209, %add3A_210 : i32
    %dma_start3A_212 = arith.constant 0 : i32
    %dma_start3A_213 = tpu.memref_slice %arg7[%dma_start3A_212] : memref<50048xf32, #tpu.memory_space<vmem>> -> memref<50048xf32, #tpu.memory_space<vmem>>
    %dma_start3A_214 = arith.constant 50048 : i32
    %dma_start3A_215 = tpu.memref_slice %arg4[%add3A_211, %dma_start3A_214] : memref<64x100096xf32, #tpu.memory_space<hbm>> -> memref<1x50048xf32, #tpu.memory_space<hbm>>
    %dma_start3A_216 = tpu.memref_squeeze %dma_start3A_215 : memref<1x50048xf32, #tpu.memory_space<hbm>> -> memref<50048xf32, #tpu.memory_space<hbm>>
    %dma_start3A_217 = arith.constant 50048 : i32
    %dma_start3A_218 = tpu.memref_slice %arg4[%add3A_211, %dma_start3A_217] : memref<64x100096xf32, #tpu.memory_space<hbm>> -> memref<1x50048xf32, #tpu.memory_space<hbm>>
    %dma_start3A_219 = tpu.memref_squeeze %dma_start3A_218 : memref<1x50048xf32, #tpu.memory_space<hbm>> -> memref<50048xf32, #tpu.memory_space<hbm>>
    %dma_start3A_220 = arith.constant 0 : i32
    %dma_start3A_221 = tpu.memref_slice %arg7[%dma_start3A_220] : memref<50048xf32, #tpu.memory_space<vmem>> -> memref<50048xf32, #tpu.memory_space<vmem>>
    tpu.enqueue_dma source(%dma_start3A_221 : memref<50048xf32, #tpu.memory_space<vmem>>) target(%dma_start3A_219 : memref<50048xf32, #tpu.memory_space<hbm>>) target_semaphore(%arg13 : memref<!tpu.dma_semaphore, #tpu.memory_space<semaphore_mem>>)
    %dma_wait3A_222 = arith.constant 0 : i32
    %dma_wait3A_223 = tpu.memref_slice %arg6[%dma_wait3A_222] : memref<50048xf32, #tpu.memory_space<vmem>> -> memref<50048xf32, #tpu.memory_space<vmem>>
    %dma_wait3A_224 = arith.constant 0 : i32
    %dma_wait3A_225 = tpu.memref_slice %arg4[%add3A_182, %dma_wait3A_224] : memref<64x100096xf32, #tpu.memory_space<hbm>> -> memref<1x50048xf32, #tpu.memory_space<hbm>>
    %dma_wait3A_226 = tpu.memref_squeeze %dma_wait3A_225 : memref<1x50048xf32, #tpu.memory_space<hbm>> -> memref<50048xf32, #tpu.memory_space<hbm>>
    %dma_wait3A_227 = arith.constant 0 : i32
    %dma_wait3A_228 = tpu.memref_slice %arg4[%add3A_182, %dma_wait3A_227] : memref<64x100096xf32, #tpu.memory_space<hbm>> -> memref<1x50048xf32, #tpu.memory_space<hbm>>
    %dma_wait3A_229 = tpu.memref_squeeze %dma_wait3A_228 : memref<1x50048xf32, #tpu.memory_space<hbm>> -> memref<50048xf32, #tpu.memory_space<hbm>>
    %dma_wait3A_230 = arith.constant 0 : i32
    %dma_wait3A_231 = tpu.memref_slice %arg6[%dma_wait3A_230] : memref<50048xf32, #tpu.memory_space<vmem>> -> memref<50048xf32, #tpu.memory_space<vmem>>
    tpu.wait_dma2 semaphore(%arg12 : memref<!tpu.dma_semaphore, #tpu.memory_space<semaphore_mem>>) src(%dma_wait3A_231 : memref<50048xf32, #tpu.memory_space<vmem>>) dst(%dma_wait3A_229 : memref<50048xf32, #tpu.memory_space<hbm>>)
    %dma_wait3A_232 = arith.constant 0 : i32
    %dma_wait3A_233 = tpu.memref_slice %arg7[%dma_wait3A_232] : memref<50048xf32, #tpu.memory_space<vmem>> -> memref<50048xf32, #tpu.memory_space<vmem>>
    %dma_wait3A_234 = arith.constant 50048 : i32
    %dma_wait3A_235 = tpu.memref_slice %arg4[%add3A_211, %dma_wait3A_234] : memref<64x100096xf32, #tpu.memory_space<hbm>> -> memref<1x50048xf32, #tpu.memory_space<hbm>>
    %dma_wait3A_236 = tpu.memref_squeeze %dma_wait3A_235 : memref<1x50048xf32, #tpu.memory_space<hbm>> -> memref<50048xf32, #tpu.memory_space<hbm>>
    %dma_wait3A_237 = arith.constant 50048 : i32
    %dma_wait3A_238 = tpu.memref_slice %arg4[%add3A_211, %dma_wait3A_237] : memref<64x100096xf32, #tpu.memory_space<hbm>> -> memref<1x50048xf32, #tpu.memory_space<hbm>>
    %dma_wait3A_239 = tpu.memref_squeeze %dma_wait3A_238 : memref<1x50048xf32, #tpu.memory_space<hbm>> -> memref<50048xf32, #tpu.memory_space<hbm>>
    %dma_wait3A_240 = arith.constant 0 : i32
    %dma_wait3A_241 = tpu.memref_slice %arg7[%dma_wait3A_240] : memref<50048xf32, #tpu.memory_space<vmem>> -> memref<50048xf32, #tpu.memory_space<vmem>>
    tpu.wait_dma2 semaphore(%arg13 : memref<!tpu.dma_semaphore, #tpu.memory_space<semaphore_mem>>) src(%dma_wait3A_241 : memref<50048xf32, #tpu.memory_space<vmem>>) dst(%dma_wait3A_239 : memref<50048xf32, #tpu.memory_space<hbm>>)
    return
  }
}

#map = affine_map<(d0, d1) -> (0, 0)>
module attributes {stable_mosaic.version = 14 : i64} {
  func.func @new_body(%arg0: i32, %arg1: i32, %arg2: memref<8x2048xi32, #tpu.memory_space<hbm>>, %arg3: memref<256x2048xf32, #tpu.memory_space<hbm>>, %arg4: memref<64x100096xf32, #tpu.memory_space<hbm>>, %arg5: memref<64x100096xf32, #tpu.memory_space<hbm>>, %arg6: memref<50048xf32, #tpu.memory_space<vmem>>, %arg7: memref<50048xf32, #tpu.memory_space<vmem>>, %arg8: memref<2048xi32, #tpu.memory_space<vmem>>, %arg9: memref<2x2048xf32, #tpu.memory_space<vmem>>, %arg10: memref<!tpu.dma_semaphore, #tpu.memory_space<semaphore_mem>>, %arg11: memref<!tpu.dma_semaphore, #tpu.memory_space<semaphore_mem>>, %arg12: memref<!tpu.dma_semaphore, #tpu.memory_space<semaphore_mem>>, %arg13: memref<!tpu.dma_semaphore, #tpu.memory_space<semaphore_mem>>, %arg14: memref<!tpu.dma_semaphore, #tpu.memory_space<semaphore_mem>>) attributes {dimension_semantics = [#tpu.dimension_semantics<core_parallel>, #tpu.dimension_semantics<subcore_parallel>], iteration_bounds = array<i64: 2, 16>, scalar_prefetch = 0 : i64, scratch_operands = 9 : i64, tpu.core_type = #tpu.core_type<sc_vector_subcore>, window_params = [{transform_indices = #map}, {transform_indices = #map}, {transform_indices = #map}, {transform_indices = #map}]} {
    %mul3A = arith.constant 2 : i32
    %mul3A_0 = arith.muli %arg1, %mul3A : i32
    %add3A = arith.addi %mul3A_0, %arg0 : i32
    %mul3A_1 = arith.constant 2 : i32
    %mul3A_2 = arith.muli %add3A, %mul3A_1 : i32
    %add3A_3 = arith.constant 0 : i32
    %add3A_4 = arith.addi %add3A_3, %mul3A_2 : i32
    %dma_start3A = arith.constant 0 : i32
    %dma_start3A_5 = tpu.memref_slice %arg3[%add3A_4, %dma_start3A] : memref<256x2048xf32, #tpu.memory_space<hbm>> -> memref<2x2048xf32, #tpu.memory_space<hbm>>
    %dma_start3A_6 = arith.constant 0 : i32
    %dma_start3A_7 = tpu.memref_slice %arg3[%add3A_4, %dma_start3A_6] : memref<256x2048xf32, #tpu.memory_space<hbm>> -> memref<2x2048xf32, #tpu.memory_space<hbm>>
    tpu.enqueue_dma source(%dma_start3A_7 : memref<2x2048xf32, #tpu.memory_space<hbm>>) target(%arg9 : memref<2x2048xf32, #tpu.memory_space<vmem>>) target_semaphore(%arg14 : memref<!tpu.dma_semaphore, #tpu.memory_space<semaphore_mem>>)
    %dma_wait3A = arith.constant 0 : i32
    %dma_wait3A_8 = tpu.memref_slice %arg3[%add3A_4, %dma_wait3A] : memref<256x2048xf32, #tpu.memory_space<hbm>> -> memref<2x2048xf32, #tpu.memory_space<hbm>>
    %dma_wait3A_9 = arith.constant 0 : i32
    %dma_wait3A_10 = tpu.memref_slice %arg3[%add3A_4, %dma_wait3A_9] : memref<256x2048xf32, #tpu.memory_space<hbm>> -> memref<2x2048xf32, #tpu.memory_space<hbm>>
    tpu.wait_dma2 semaphore(%arg14 : memref<!tpu.dma_semaphore, #tpu.memory_space<semaphore_mem>>) src(%dma_wait3A_10 : memref<2x2048xf32, #tpu.memory_space<hbm>>) dst(%arg9 : memref<2x2048xf32, #tpu.memory_space<vmem>>)
    %mul3A_11 = arith.constant 2 : i32
    %mul3A_12 = arith.muli %add3A, %mul3A_11 : i32
    %add3A_13 = arith.constant 0 : i32
    %add3A_14 = arith.addi %add3A_13, %mul3A_12 : i32
    %jit3A = arith.constant 32 : i32
    %div3A = arith.divsi %add3A_14, %jit3A : i32
    %sign3A = arith.constant 0 : i32
    %sign3A_15 = arith.cmpi sgt, %add3A_14, %sign3A : i32
    %sign3A_16 = arith.extui %sign3A_15 : i1 to i32
    %sign3A_17 = arith.constant 0 : i32
    %sign3A_18 = arith.cmpi slt, %add3A_14, %sign3A_17 : i32
    %sign3A_19 = arith.extui %sign3A_18 : i1 to i32
    %sign3A_20 = arith.subi %sign3A_16, %sign3A_19 : i32
    %sign3A_21 = arith.constant 0 : i32
    %sign3A_22 = arith.cmpi sgt, %jit3A, %sign3A_21 : i32
    %sign3A_23 = arith.extui %sign3A_22 : i1 to i32
    %sign3A_24 = arith.constant 0 : i32
    %sign3A_25 = arith.cmpi slt, %jit3A, %sign3A_24 : i32
    %sign3A_26 = arith.extui %sign3A_25 : i1 to i32
    %sign3A_27 = arith.subi %sign3A_23, %sign3A_26 : i32
    %ne3A = arith.cmpi ne, %sign3A_20, %sign3A_27 : i32
    %rem3A = arith.remsi %add3A_14, %jit3A : i32
    %ne3A_28 = arith.constant 0 : i32
    %ne3A_29 = arith.cmpi ne, %rem3A, %ne3A_28 : i32
    %and3A = arith.andi %ne3A, %ne3A_29 : i1
    %sub3A = arith.constant 1 : i32
    %sub3A_30 = arith.subi %div3A, %sub3A : i32
    %select_n3A = arith.select %and3A, %sub3A_30, %div3A : i32
    "tpu.region"() ({
      %run_scoped3A = tpu.sem_alloc : memref<!tpu.dma_semaphore, #tpu.memory_space<semaphore_mem>>
      %dma_start3A_242 = arith.constant 0 : i32
      %dma_start3A_243 = tpu.memref_slice %arg2[%select_n3A, %dma_start3A_242] : memref<8x2048xi32, #tpu.memory_space<hbm>> -> memref<1x2048xi32, #tpu.memory_space<hbm>>
      %dma_start3A_244 = tpu.memref_squeeze %dma_start3A_243 : memref<1x2048xi32, #tpu.memory_space<hbm>> -> memref<2048xi32, #tpu.memory_space<hbm>>
      %dma_start3A_245 = arith.constant 0 : i32
      %dma_start3A_246 = tpu.memref_slice %arg2[%select_n3A, %dma_start3A_245] : memref<8x2048xi32, #tpu.memory_space<hbm>> -> memref<1x2048xi32, #tpu.memory_space<hbm>>
      %dma_start3A_247 = tpu.memref_squeeze %dma_start3A_246 : memref<1x2048xi32, #tpu.memory_space<hbm>> -> memref<2048xi32, #tpu.memory_space<hbm>>
      tpu.enqueue_dma source(%dma_start3A_247 : memref<2048xi32, #tpu.memory_space<hbm>>) target(%arg8 : memref<2048xi32, #tpu.memory_space<vmem>>) target_semaphore(%run_scoped3A : memref<!tpu.dma_semaphore, #tpu.memory_space<semaphore_mem>>)
      %dma_wait3A_248 = arith.constant 0 : i32
      %dma_wait3A_249 = tpu.memref_slice %arg2[%select_n3A, %dma_wait3A_248] : memref<8x2048xi32, #tpu.memory_space<hbm>> -> memref<1x2048xi32, #tpu.memory_space<hbm>>
      %dma_wait3A_250 = tpu.memref_squeeze %dma_wait3A_249 : memref<1x2048xi32, #tpu.memory_space<hbm>> -> memref<2048xi32, #tpu.memory_space<hbm>>
      %dma_wait3A_251 = arith.constant 0 : i32
      %dma_wait3A_252 = tpu.memref_slice %arg2[%select_n3A, %dma_wait3A_251] : memref<8x2048xi32, #tpu.memory_space<hbm>> -> memref<1x2048xi32, #tpu.memory_space<hbm>>
      %dma_wait3A_253 = tpu.memref_squeeze %dma_wait3A_252 : memref<1x2048xi32, #tpu.memory_space<hbm>> -> memref<2048xi32, #tpu.memory_space<hbm>>
      tpu.wait_dma2 semaphore(%run_scoped3A : memref<!tpu.dma_semaphore, #tpu.memory_space<semaphore_mem>>) src(%dma_wait3A_253 : memref<2048xi32, #tpu.memory_space<hbm>>) dst(%arg8 : memref<2048xi32, #tpu.memory_space<vmem>>)
      tpu.yield
    }) : () -> ()
    %mul3A_31 = arith.constant 2 : i32
    %mul3A_32 = arith.muli %add3A, %mul3A_31 : i32
    %add3A_33 = arith.constant 0 : i32
    %add3A_34 = arith.addi %mul3A_32, %add3A_33 : i32
    %dma_start3A_35 = arith.constant 0 : i32
    %dma_start3A_36 = tpu.memref_slice %arg6[%dma_start3A_35] : memref<50048xf32, #tpu.memory_space<vmem>> -> memref<50048xf32, #tpu.memory_space<vmem>>
    %dma_start3A_37 = arith.constant 0 : i32
    %dma_start3A_38 = tpu.memref_slice %arg4[%add3A_34, %dma_start3A_37] : memref<64x100096xf32, #tpu.memory_space<hbm>> -> memref<1x50048xf32, #tpu.memory_space<hbm>>
    %dma_start3A_39 = tpu.memref_squeeze %dma_start3A_38 : memref<1x50048xf32, #tpu.memory_space<hbm>> -> memref<50048xf32, #tpu.memory_space<hbm>>
    %dma_start3A_40 = arith.constant 0 : i32
    %dma_start3A_41 = tpu.memref_slice %arg6[%dma_start3A_40] : memref<50048xf32, #tpu.memory_space<vmem>> -> memref<50048xf32, #tpu.memory_space<vmem>>
    %dma_start3A_42 = arith.constant 0 : i32
    %dma_start3A_43 = tpu.memref_slice %arg4[%add3A_34, %dma_start3A_42] : memref<64x100096xf32, #tpu.memory_space<hbm>> -> memref<1x50048xf32, #tpu.memory_space<hbm>>
    %dma_start3A_44 = tpu.memref_squeeze %dma_start3A_43 : memref<1x50048xf32, #tpu.memory_space<hbm>> -> memref<50048xf32, #tpu.memory_space<hbm>>
    tpu.enqueue_dma source(%dma_start3A_44 : memref<50048xf32, #tpu.memory_space<hbm>>) target(%dma_start3A_41 : memref<50048xf32, #tpu.memory_space<vmem>>) target_semaphore(%arg10 : memref<!tpu.dma_semaphore, #tpu.memory_space<semaphore_mem>>)
    %mul3A_45 = arith.constant 2 : i32
    %mul3A_46 = arith.muli %add3A, %mul3A_45 : i32
    %add3A_47 = arith.constant 0 : i32
    %add3A_48 = arith.addi %mul3A_46, %add3A_47 : i32
    %dma_start3A_49 = arith.constant 0 : i32
    %dma_start3A_50 = tpu.memref_slice %arg7[%dma_start3A_49] : memref<50048xf32, #tpu.memory_space<vmem>> -> memref<50048xf32, #tpu.memory_space<vmem>>
    %dma_start3A_51 = arith.constant 50048 : i32
    %dma_start3A_52 = tpu.memref_slice %arg4[%add3A_48, %dma_start3A_51] : memref<64x100096xf32, #tpu.memory_space<hbm>> -> memref<1x50048xf32, #tpu.memory_space<hbm>>
    %dma_start3A_53 = tpu.memref_squeeze %dma_start3A_52 : memref<1x50048xf32, #tpu.memory_space<hbm>> -> memref<50048xf32, #tpu.memory_space<hbm>>
    %dma_start3A_54 = arith.constant 0 : i32
    %dma_start3A_55 = tpu.memref_slice %arg7[%dma_start3A_54] : memref<50048xf32, #tpu.memory_space<vmem>> -> memref<50048xf32, #tpu.memory_space<vmem>>
    %dma_start3A_56 = arith.constant 50048 : i32
    %dma_start3A_57 = tpu.memref_slice %arg4[%add3A_48, %dma_start3A_56] : memref<64x100096xf32, #tpu.memory_space<hbm>> -> memref<1x50048xf32, #tpu.memory_space<hbm>>
    %dma_start3A_58 = tpu.memref_squeeze %dma_start3A_57 : memref<1x50048xf32, #tpu.memory_space<hbm>> -> memref<50048xf32, #tpu.memory_space<hbm>>
    tpu.enqueue_dma source(%dma_start3A_58 : memref<50048xf32, #tpu.memory_space<hbm>>) target(%dma_start3A_55 : memref<50048xf32, #tpu.memory_space<vmem>>) target_semaphore(%arg11 : memref<!tpu.dma_semaphore, #tpu.memory_space<semaphore_mem>>)
    %dma_wait3A_59 = arith.constant 0 : i32
    %dma_wait3A_60 = tpu.memref_slice %arg6[%dma_wait3A_59] : memref<50048xf32, #tpu.memory_space<vmem>> -> memref<50048xf32, #tpu.memory_space<vmem>>
    %dma_wait3A_61 = arith.constant 0 : i32
    %dma_wait3A_62 = tpu.memref_slice %arg4[%add3A_34, %dma_wait3A_61] : memref<64x100096xf32, #tpu.memory_space<hbm>> -> memref<1x50048xf32, #tpu.memory_space<hbm>>
    %dma_wait3A_63 = tpu.memref_squeeze %dma_wait3A_62 : memref<1x50048xf32, #tpu.memory_space<hbm>> -> memref<50048xf32, #tpu.memory_space<hbm>>
    %dma_wait3A_64 = arith.constant 0 : i32
    %dma_wait3A_65 = tpu.memref_slice %arg6[%dma_wait3A_64] : memref<50048xf32, #tpu.memory_space<vmem>> -> memref<50048xf32, #tpu.memory_space<vmem>>
    %dma_wait3A_66 = arith.constant 0 : i32
    %dma_wait3A_67 = tpu.memref_slice %arg4[%add3A_34, %dma_wait3A_66] : memref<64x100096xf32, #tpu.memory_space<hbm>> -> memref<1x50048xf32, #tpu.memory_space<hbm>>
    %dma_wait3A_68 = tpu.memref_squeeze %dma_wait3A_67 : memref<1x50048xf32, #tpu.memory_space<hbm>> -> memref<50048xf32, #tpu.memory_space<hbm>>
    tpu.wait_dma2 semaphore(%arg10 : memref<!tpu.dma_semaphore, #tpu.memory_space<semaphore_mem>>) src(%dma_wait3A_68 : memref<50048xf32, #tpu.memory_space<hbm>>) dst(%dma_wait3A_65 : memref<50048xf32, #tpu.memory_space<vmem>>)
    %scan3A = arith.constant 0 : i32
    %scan3A_69 = arith.constant 128 : i32
    %scan3A_70 = arith.addi %scan3A, %scan3A_69 : i32
    %scan3A_71 = arith.constant 1 : i32
    scf.for %scan3A_242 = %scan3A to %scan3A_70 step %scan3A_71  : i32 {
      %mul3A_243 = arith.constant 1 : i32
      %mul3A_244 = arith.muli %scan3A_242, %mul3A_243 : i32
      %add3A_245 = arith.constant 0 : i32
      %add3A_246 = arith.addi %add3A_245, %mul3A_244 : i32
      %mul3A_247 = arith.constant 16 : i32
      %mul3A_248 = arith.muli %add3A_246, %mul3A_247 : i32
      %get3A = arith.index_cast %mul3A_248 : i32 to index
      %get3A_249 = tpu.vector_load %arg8[%get3A] {strides = array<i32>} : memref<2048xi32, #tpu.memory_space<vmem>>, vector<16xi32>,
      %mul3A_250 = arith.constant 16 : i32
      %mul3A_251 = arith.muli %add3A_246, %mul3A_250 : i32
      %get3A_252 = arith.constant 0 : i32
      %get3A_253 = arith.index_cast %get3A_252 : i32 to index
      %get3A_254 = arith.index_cast %mul3A_251 : i32 to index
      %get3A_255 = tpu.vector_load %arg9[%get3A_253, %get3A_254] {strides = array<i32>} : memref<2x2048xf32, #tpu.memory_space<vmem>>, vector<16xf32>,
      %ge3A = arith.constant 0 : i32
      %ge3A_256 = vector.broadcast %ge3A : i32 to vector<16xi32>
      %ge3A_257 = arith.cmpi sge, %get3A_249, %ge3A_256 : vector<16xi32>
      %lt3A = arith.constant 50048 : i32
      %lt3A_258 = vector.broadcast %lt3A : i32 to vector<16xi32>
      %lt3A_259 = arith.cmpi slt, %get3A_249, %lt3A_258 : vector<16xi32>
      %and3A_260 = arith.andi %ge3A_257, %lt3A_259 : vector<16xi1>
      %sub3A_261 = arith.constant 0 : i32
      %sub3A_262 = vector.broadcast %sub3A_261 : i32 to vector<16xi32>
      %sub3A_263 = arith.subi %get3A_249, %sub3A_262 : vector<16xi32>
      %jit3A_264 = arith.constant 0 : i32
      %broadcast_in_dim3A = vector.broadcast %jit3A_264 : i32 to vector<16xi32>
      %select_n3A_265 = arith.select %and3A_260, %sub3A_263, %broadcast_in_dim3A : vector<16xi1>, vector<16xi32>
      tpu.vector_store_idx %arg6[%select_n3A_265], %get3A_255 masked %and3A_260 {add = true} : memref<50048xf32, #tpu.memory_space<vmem>>[vector<16xi32>], vector<16xf32>, vector<16xi1>
    }
    %scan3A_72 = arith.constant 128 : i32
    %mul3A_73 = arith.constant 2 : i32
    %mul3A_74 = arith.muli %add3A, %mul3A_73 : i32
    %add3A_75 = arith.constant 0 : i32
    %add3A_76 = arith.addi %mul3A_74, %add3A_75 : i32
    %dma_start3A_77 = arith.constant 0 : i32
    %dma_start3A_78 = tpu.memref_slice %arg6[%dma_start3A_77] : memref<50048xf32, #tpu.memory_space<vmem>> -> memref<50048xf32, #tpu.memory_space<vmem>>
    %dma_start3A_79 = arith.constant 0 : i32
    %dma_start3A_80 = tpu.memref_slice %arg4[%add3A_76, %dma_start3A_79] : memref<64x100096xf32, #tpu.memory_space<hbm>> -> memref<1x50048xf32, #tpu.memory_space<hbm>>
    %dma_start3A_81 = tpu.memref_squeeze %dma_start3A_80 : memref<1x50048xf32, #tpu.memory_space<hbm>> -> memref<50048xf32, #tpu.memory_space<hbm>>
    %dma_start3A_82 = arith.constant 0 : i32
    %dma_start3A_83 = tpu.memref_slice %arg4[%add3A_76, %dma_start3A_82] : memref<64x100096xf32, #tpu.memory_space<hbm>> -> memref<1x50048xf32, #tpu.memory_space<hbm>>
    %dma_start3A_84 = tpu.memref_squeeze %dma_start3A_83 : memref<1x50048xf32, #tpu.memory_space<hbm>> -> memref<50048xf32, #tpu.memory_space<hbm>>
    %dma_start3A_85 = arith.constant 0 : i32
    %dma_start3A_86 = tpu.memref_slice %arg6[%dma_start3A_85] : memref<50048xf32, #tpu.memory_space<vmem>> -> memref<50048xf32, #tpu.memory_space<vmem>>
    tpu.enqueue_dma source(%dma_start3A_86 : memref<50048xf32, #tpu.memory_space<vmem>>) target(%dma_start3A_84 : memref<50048xf32, #tpu.memory_space<hbm>>) target_semaphore(%arg12 : memref<!tpu.dma_semaphore, #tpu.memory_space<semaphore_mem>>)
    %dma_wait3A_87 = arith.constant 0 : i32
    %dma_wait3A_88 = tpu.memref_slice %arg6[%dma_wait3A_87] : memref<50048xf32, #tpu.memory_space<vmem>> -> memref<50048xf32, #tpu.memory_space<vmem>>
    %dma_wait3A_89 = arith.constant 0 : i32
    %dma_wait3A_90 = tpu.memref_slice %arg4[%add3A_76, %dma_wait3A_89] : memref<64x100096xf32, #tpu.memory_space<hbm>> -> memref<1x50048xf32, #tpu.memory_space<hbm>>
    %dma_wait3A_91 = tpu.memref_squeeze %dma_wait3A_90 : memref<1x50048xf32, #tpu.memory_space<hbm>> -> memref<50048xf32, #tpu.memory_space<hbm>>
    %dma_wait3A_92 = arith.constant 0 : i32
    %dma_wait3A_93 = tpu.memref_slice %arg4[%add3A_76, %dma_wait3A_92] : memref<64x100096xf32, #tpu.memory_space<hbm>> -> memref<1x50048xf32, #tpu.memory_space<hbm>>
    %dma_wait3A_94 = tpu.memref_squeeze %dma_wait3A_93 : memref<1x50048xf32, #tpu.memory_space<hbm>> -> memref<50048xf32, #tpu.memory_space<hbm>>
    %dma_wait3A_95 = arith.constant 0 : i32
    %dma_wait3A_96 = tpu.memref_slice %arg6[%dma_wait3A_95] : memref<50048xf32, #tpu.memory_space<vmem>> -> memref<50048xf32, #tpu.memory_space<vmem>>
    tpu.wait_dma2 semaphore(%arg12 : memref<!tpu.dma_semaphore, #tpu.memory_space<semaphore_mem>>) src(%dma_wait3A_96 : memref<50048xf32, #tpu.memory_space<vmem>>) dst(%dma_wait3A_94 : memref<50048xf32, #tpu.memory_space<hbm>>)
    %mul3A_97 = arith.constant 2 : i32
    %mul3A_98 = arith.muli %add3A, %mul3A_97 : i32
    %add3A_99 = arith.constant 1 : i32
    %add3A_100 = arith.addi %mul3A_98, %add3A_99 : i32
    %dma_start3A_101 = arith.constant 0 : i32
    %dma_start3A_102 = tpu.memref_slice %arg6[%dma_start3A_101] : memref<50048xf32, #tpu.memory_space<vmem>> -> memref<50048xf32, #tpu.memory_space<vmem>>
    %dma_start3A_103 = arith.constant 0 : i32
    %dma_start3A_104 = tpu.memref_slice %arg4[%add3A_100, %dma_start3A_103] : memref<64x100096xf32, #tpu.memory_space<hbm>> -> memref<1x50048xf32, #tpu.memory_space<hbm>>
    %dma_start3A_105 = tpu.memref_squeeze %dma_start3A_104 : memref<1x50048xf32, #tpu.memory_space<hbm>> -> memref<50048xf32, #tpu.memory_space<hbm>>
    %dma_start3A_106 = arith.constant 0 : i32
    %dma_start3A_107 = tpu.memref_slice %arg6[%dma_start3A_106] : memref<50048xf32, #tpu.memory_space<vmem>> -> memref<50048xf32, #tpu.memory_space<vmem>>
    %dma_start3A_108 = arith.constant 0 : i32
    %dma_start3A_109 = tpu.memref_slice %arg4[%add3A_100, %dma_start3A_108] : memref<64x100096xf32, #tpu.memory_space<hbm>> -> memref<1x50048xf32, #tpu.memory_space<hbm>>
    %dma_start3A_110 = tpu.memref_squeeze %dma_start3A_109 : memref<1x50048xf32, #tpu.memory_space<hbm>> -> memref<50048xf32, #tpu.memory_space<hbm>>
    tpu.enqueue_dma source(%dma_start3A_110 : memref<50048xf32, #tpu.memory_space<hbm>>) target(%dma_start3A_107 : memref<50048xf32, #tpu.memory_space<vmem>>) target_semaphore(%arg10 : memref<!tpu.dma_semaphore, #tpu.memory_space<semaphore_mem>>)
    %dma_wait3A_111 = arith.constant 0 : i32
    %dma_wait3A_112 = tpu.memref_slice %arg7[%dma_wait3A_111] : memref<50048xf32, #tpu.memory_space<vmem>> -> memref<50048xf32, #tpu.memory_space<vmem>>
    %dma_wait3A_113 = arith.constant 50048 : i32
    %dma_wait3A_114 = tpu.memref_slice %arg4[%add3A_48, %dma_wait3A_113] : memref<64x100096xf32, #tpu.memory_space<hbm>> -> memref<1x50048xf32, #tpu.memory_space<hbm>>
    %dma_wait3A_115 = tpu.memref_squeeze %dma_wait3A_114 : memref<1x50048xf32, #tpu.memory_space<hbm>> -> memref<50048xf32, #tpu.memory_space<hbm>>
    %dma_wait3A_116 = arith.constant 0 : i32
    %dma_wait3A_117 = tpu.memref_slice %arg7[%dma_wait3A_116] : memref<50048xf32, #tpu.memory_space<vmem>> -> memref<50048xf32, #tpu.memory_space<vmem>>
    %dma_wait3A_118 = arith.constant 50048 : i32
    %dma_wait3A_119 = tpu.memref_slice %arg4[%add3A_48, %dma_wait3A_118] : memref<64x100096xf32, #tpu.memory_space<hbm>> -> memref<1x50048xf32, #tpu.memory_space<hbm>>
    %dma_wait3A_120 = tpu.memref_squeeze %dma_wait3A_119 : memref<1x50048xf32, #tpu.memory_space<hbm>> -> memref<50048xf32, #tpu.memory_space<hbm>>
    tpu.wait_dma2 semaphore(%arg11 : memref<!tpu.dma_semaphore, #tpu.memory_space<semaphore_mem>>) src(%dma_wait3A_120 : memref<50048xf32, #tpu.memory_space<hbm>>) dst(%dma_wait3A_117 : memref<50048xf32, #tpu.memory_space<vmem>>)
    %scan3A_121 = arith.constant 0 : i32
    %scan3A_122 = arith.constant 128 : i32
    %scan3A_123 = arith.addi %scan3A_121, %scan3A_122 : i32
    %scan3A_124 = arith.constant 1 : i32
    scf.for %scan3A_242 = %scan3A_121 to %scan3A_123 step %scan3A_124  : i32 {
      %mul3A_243 = arith.constant 1 : i32
      %mul3A_244 = arith.muli %scan3A_242, %mul3A_243 : i32
      %add3A_245 = arith.constant 0 : i32
      %add3A_246 = arith.addi %add3A_245, %mul3A_244 : i32
      %mul3A_247 = arith.constant 16 : i32
      %mul3A_248 = arith.muli %add3A_246, %mul3A_247 : i32
      %get3A = arith.index_cast %mul3A_248 : i32 to index
      %get3A_249 = tpu.vector_load %arg8[%get3A] {strides = array<i32>} : memref<2048xi32, #tpu.memory_space<vmem>>, vector<16xi32>,
      %mul3A_250 = arith.constant 16 : i32
      %mul3A_251 = arith.muli %add3A_246, %mul3A_250 : i32
      %get3A_252 = arith.constant 0 : i32
      %get3A_253 = arith.index_cast %get3A_252 : i32 to index
      %get3A_254 = arith.index_cast %mul3A_251 : i32 to index
      %get3A_255 = tpu.vector_load %arg9[%get3A_253, %get3A_254] {strides = array<i32>} : memref<2x2048xf32, #tpu.memory_space<vmem>>, vector<16xf32>,
      %ge3A = arith.constant 50048 : i32
      %ge3A_256 = vector.broadcast %ge3A : i32 to vector<16xi32>
      %ge3A_257 = arith.cmpi sge, %get3A_249, %ge3A_256 : vector<16xi32>
      %lt3A = arith.constant 100096 : i32
      %lt3A_258 = vector.broadcast %lt3A : i32 to vector<16xi32>
      %lt3A_259 = arith.cmpi slt, %get3A_249, %lt3A_258 : vector<16xi32>
      %and3A_260 = arith.andi %ge3A_257, %lt3A_259 : vector<16xi1>
      %sub3A_261 = arith.constant 50048 : i32
      %sub3A_262 = vector.broadcast %sub3A_261 : i32 to vector<16xi32>
      %sub3A_263 = arith.subi %get3A_249, %sub3A_262 : vector<16xi32>
      %jit3A_264 = arith.constant 0 : i32
      %broadcast_in_dim3A = vector.broadcast %jit3A_264 : i32 to vector<16xi32>
      %select_n3A_265 = arith.select %and3A_260, %sub3A_263, %broadcast_in_dim3A : vector<16xi1>, vector<16xi32>
      tpu.vector_store_idx %arg7[%select_n3A_265], %get3A_255 masked %and3A_260 {add = true} : memref<50048xf32, #tpu.memory_space<vmem>>[vector<16xi32>], vector<16xf32>, vector<16xi1>
    }
    %scan3A_125 = arith.constant 128 : i32
    %mul3A_126 = arith.constant 2 : i32
    %mul3A_127 = arith.muli %add3A, %mul3A_126 : i32
    %add3A_128 = arith.constant 0 : i32
    %add3A_129 = arith.addi %mul3A_127, %add3A_128 : i32
    %dma_start3A_130 = arith.constant 0 : i32
    %dma_start3A_131 = tpu.memref_slice %arg7[%dma_start3A_130] : memref<50048xf32, #tpu.memory_space<vmem>> -> memref<50048xf32, #tpu.memory_space<vmem>>
    %dma_start3A_132 = arith.constant 50048 : i32
    %dma_start3A_133 = tpu.memref_slice %arg4[%add3A_129, %dma_start3A_132] : memref<64x100096xf32, #tpu.memory_space<hbm>> -> memref<1x50048xf32, #tpu.memory_space<hbm>>
    %dma_start3A_134 = tpu.memref_squeeze %dma_start3A_133 : memref<1x50048xf32, #tpu.memory_space<hbm>> -> memref<50048xf32, #tpu.memory_space<hbm>>
    %dma_start3A_135 = arith.constant 50048 : i32
    %dma_start3A_136 = tpu.memref_slice %arg4[%add3A_129, %dma_start3A_135] : memref<64x100096xf32, #tpu.memory_space<hbm>> -> memref<1x50048xf32, #tpu.memory_space<hbm>>
    %dma_start3A_137 = tpu.memref_squeeze %dma_start3A_136 : memref<1x50048xf32, #tpu.memory_space<hbm>> -> memref<50048xf32, #tpu.memory_space<hbm>>
    %dma_start3A_138 = arith.constant 0 : i32
    %dma_start3A_139 = tpu.memref_slice %arg7[%dma_start3A_138] : memref<50048xf32, #tpu.memory_space<vmem>> -> memref<50048xf32, #tpu.memory_space<vmem>>
    tpu.enqueue_dma source(%dma_start3A_139 : memref<50048xf32, #tpu.memory_space<vmem>>) target(%dma_start3A_137 : memref<50048xf32, #tpu.memory_space<hbm>>) target_semaphore(%arg13 : memref<!tpu.dma_semaphore, #tpu.memory_space<semaphore_mem>>)
    %dma_wait3A_140 = arith.constant 0 : i32
    %dma_wait3A_141 = tpu.memref_slice %arg7[%dma_wait3A_140] : memref<50048xf32, #tpu.memory_space<vmem>> -> memref<50048xf32, #tpu.memory_space<vmem>>
    %dma_wait3A_142 = arith.constant 50048 : i32
    %dma_wait3A_143 = tpu.memref_slice %arg4[%add3A_129, %dma_wait3A_142] : memref<64x100096xf32, #tpu.memory_space<hbm>> -> memref<1x50048xf32, #tpu.memory_space<hbm>>
    %dma_wait3A_144 = tpu.memref_squeeze %dma_wait3A_143 : memref<1x50048xf32, #tpu.memory_space<hbm>> -> memref<50048xf32, #tpu.memory_space<hbm>>
    %dma_wait3A_145 = arith.constant 50048 : i32
    %dma_wait3A_146 = tpu.memref_slice %arg4[%add3A_129, %dma_wait3A_145] : memref<64x100096xf32, #tpu.memory_space<hbm>> -> memref<1x50048xf32, #tpu.memory_space<hbm>>
    %dma_wait3A_147 = tpu.memref_squeeze %dma_wait3A_146 : memref<1x50048xf32, #tpu.memory_space<hbm>> -> memref<50048xf32, #tpu.memory_space<hbm>>
    %dma_wait3A_148 = arith.constant 0 : i32
    %dma_wait3A_149 = tpu.memref_slice %arg7[%dma_wait3A_148] : memref<50048xf32, #tpu.memory_space<vmem>> -> memref<50048xf32, #tpu.memory_space<vmem>>
    tpu.wait_dma2 semaphore(%arg13 : memref<!tpu.dma_semaphore, #tpu.memory_space<semaphore_mem>>) src(%dma_wait3A_149 : memref<50048xf32, #tpu.memory_space<vmem>>) dst(%dma_wait3A_147 : memref<50048xf32, #tpu.memory_space<hbm>>)
    %mul3A_150 = arith.constant 2 : i32
    %mul3A_151 = arith.muli %add3A, %mul3A_150 : i32
    %add3A_152 = arith.constant 1 : i32
    %add3A_153 = arith.addi %mul3A_151, %add3A_152 : i32
    %dma_start3A_154 = arith.constant 0 : i32
    %dma_start3A_155 = tpu.memref_slice %arg7[%dma_start3A_154] : memref<50048xf32, #tpu.memory_space<vmem>> -> memref<50048xf32, #tpu.memory_space<vmem>>
    %dma_start3A_156 = arith.constant 50048 : i32
    %dma_start3A_157 = tpu.memref_slice %arg4[%add3A_153, %dma_start3A_156] : memref<64x100096xf32, #tpu.memory_space<hbm>> -> memref<1x50048xf32, #tpu.memory_space<hbm>>
    %dma_start3A_158 = tpu.memref_squeeze %dma_start3A_157 : memref<1x50048xf32, #tpu.memory_space<hbm>> -> memref<50048xf32, #tpu.memory_space<hbm>>
    %dma_start3A_159 = arith.constant 0 : i32
    %dma_start3A_160 = tpu.memref_slice %arg7[%dma_start3A_159] : memref<50048xf32, #tpu.memory_space<vmem>> -> memref<50048xf32, #tpu.memory_space<vmem>>
    %dma_start3A_161 = arith.constant 50048 : i32
    %dma_start3A_162 = tpu.memref_slice %arg4[%add3A_153, %dma_start3A_161] : memref<64x100096xf32, #tpu.memory_space<hbm>> -> memref<1x50048xf32, #tpu.memory_space<hbm>>
    %dma_start3A_163 = tpu.memref_squeeze %dma_start3A_162 : memref<1x50048xf32, #tpu.memory_space<hbm>> -> memref<50048xf32, #tpu.memory_space<hbm>>
    tpu.enqueue_dma source(%dma_start3A_163 : memref<50048xf32, #tpu.memory_space<hbm>>) target(%dma_start3A_160 : memref<50048xf32, #tpu.memory_space<vmem>>) target_semaphore(%arg11 : memref<!tpu.dma_semaphore, #tpu.memory_space<semaphore_mem>>)
    %dma_wait3A_164 = arith.constant 0 : i32
    %dma_wait3A_165 = tpu.memref_slice %arg6[%dma_wait3A_164] : memref<50048xf32, #tpu.memory_space<vmem>> -> memref<50048xf32, #tpu.memory_space<vmem>>
    %dma_wait3A_166 = arith.constant 0 : i32
    %dma_wait3A_167 = tpu.memref_slice %arg4[%add3A_100, %dma_wait3A_166] : memref<64x100096xf32, #tpu.memory_space<hbm>> -> memref<1x50048xf32, #tpu.memory_space<hbm>>
    %dma_wait3A_168 = tpu.memref_squeeze %dma_wait3A_167 : memref<1x50048xf32, #tpu.memory_space<hbm>> -> memref<50048xf32, #tpu.memory_space<hbm>>
    %dma_wait3A_169 = arith.constant 0 : i32
    %dma_wait3A_170 = tpu.memref_slice %arg6[%dma_wait3A_169] : memref<50048xf32, #tpu.memory_space<vmem>> -> memref<50048xf32, #tpu.memory_space<vmem>>
    %dma_wait3A_171 = arith.constant 0 : i32
    %dma_wait3A_172 = tpu.memref_slice %arg4[%add3A_100, %dma_wait3A_171] : memref<64x100096xf32, #tpu.memory_space<hbm>> -> memref<1x50048xf32, #tpu.memory_space<hbm>>
    %dma_wait3A_173 = tpu.memref_squeeze %dma_wait3A_172 : memref<1x50048xf32, #tpu.memory_space<hbm>> -> memref<50048xf32, #tpu.memory_space<hbm>>
    tpu.wait_dma2 semaphore(%arg10 : memref<!tpu.dma_semaphore, #tpu.memory_space<semaphore_mem>>) src(%dma_wait3A_173 : memref<50048xf32, #tpu.memory_space<hbm>>) dst(%dma_wait3A_170 : memref<50048xf32, #tpu.memory_space<vmem>>)
    %scan3A_174 = arith.constant 0 : i32
    %scan3A_175 = arith.constant 128 : i32
    %scan3A_176 = arith.addi %scan3A_174, %scan3A_175 : i32
    %scan3A_177 = arith.constant 1 : i32
    scf.for %scan3A_242 = %scan3A_174 to %scan3A_176 step %scan3A_177  : i32 {
      %mul3A_243 = arith.constant 1 : i32
      %mul3A_244 = arith.muli %scan3A_242, %mul3A_243 : i32
      %add3A_245 = arith.constant 0 : i32
      %add3A_246 = arith.addi %add3A_245, %mul3A_244 : i32
      %mul3A_247 = arith.constant 16 : i32
      %mul3A_248 = arith.muli %add3A_246, %mul3A_247 : i32
      %get3A = arith.index_cast %mul3A_248 : i32 to index
      %get3A_249 = tpu.vector_load %arg8[%get3A] {strides = array<i32>} : memref<2048xi32, #tpu.memory_space<vmem>>, vector<16xi32>,
      %mul3A_250 = arith.constant 16 : i32
      %mul3A_251 = arith.muli %add3A_246, %mul3A_250 : i32
      %get3A_252 = arith.constant 1 : i32
      %get3A_253 = arith.index_cast %get3A_252 : i32 to index
      %get3A_254 = arith.index_cast %mul3A_251 : i32 to index
      %get3A_255 = tpu.vector_load %arg9[%get3A_253, %get3A_254] {strides = array<i32>} : memref<2x2048xf32, #tpu.memory_space<vmem>>, vector<16xf32>,
      %ge3A = arith.constant 0 : i32
      %ge3A_256 = vector.broadcast %ge3A : i32 to vector<16xi32>
      %ge3A_257 = arith.cmpi sge, %get3A_249, %ge3A_256 : vector<16xi32>
      %lt3A = arith.constant 50048 : i32
      %lt3A_258 = vector.broadcast %lt3A : i32 to vector<16xi32>
      %lt3A_259 = arith.cmpi slt, %get3A_249, %lt3A_258 : vector<16xi32>
      %and3A_260 = arith.andi %ge3A_257, %lt3A_259 : vector<16xi1>
      %sub3A_261 = arith.constant 0 : i32
      %sub3A_262 = vector.broadcast %sub3A_261 : i32 to vector<16xi32>
      %sub3A_263 = arith.subi %get3A_249, %sub3A_262 : vector<16xi32>
      %jit3A_264 = arith.constant 0 : i32
      %broadcast_in_dim3A = vector.broadcast %jit3A_264 : i32 to vector<16xi32>
      %select_n3A_265 = arith.select %and3A_260, %sub3A_263, %broadcast_in_dim3A : vector<16xi1>, vector<16xi32>
      tpu.vector_store_idx %arg6[%select_n3A_265], %get3A_255 masked %and3A_260 {add = true} : memref<50048xf32, #tpu.memory_space<vmem>>[vector<16xi32>], vector<16xf32>, vector<16xi1>
    }
    %scan3A_178 = arith.constant 128 : i32
    %mul3A_179 = arith.constant 2 : i32
    %mul3A_180 = arith.muli %add3A, %mul3A_179 : i32
    %add3A_181 = arith.constant 1 : i32
    %add3A_182 = arith.addi %mul3A_180, %add3A_181 : i32
    %dma_start3A_183 = arith.constant 0 : i32
    %dma_start3A_184 = tpu.memref_slice %arg6[%dma_start3A_183] : memref<50048xf32, #tpu.memory_space<vmem>> -> memref<50048xf32, #tpu.memory_space<vmem>>
    %dma_start3A_185 = arith.constant 0 : i32
    %dma_start3A_186 = tpu.memref_slice %arg4[%add3A_182, %dma_start3A_185] : memref<64x100096xf32, #tpu.memory_space<hbm>> -> memref<1x50048xf32, #tpu.memory_space<hbm>>
    %dma_start3A_187 = tpu.memref_squeeze %dma_start3A_186 : memref<1x50048xf32, #tpu.memory_space<hbm>> -> memref<50048xf32, #tpu.memory_space<hbm>>
    %dma_start3A_188 = arith.constant 0 : i32
    %dma_start3A_189 = tpu.memref_slice %arg4[%add3A_182, %dma_start3A_188] : memref<64x100096xf32, #tpu.memory_space<hbm>> -> memref<1x50048xf32, #tpu.memory_space<hbm>>
    %dma_start3A_190 = tpu.memref_squeeze %dma_start3A_189 : memref<1x50048xf32, #tpu.memory_space<hbm>> -> memref<50048xf32, #tpu.memory_space<hbm>>
    %dma_start3A_191 = arith.constant 0 : i32
    %dma_start3A_192 = tpu.memref_slice %arg6[%dma_start3A_191] : memref<50048xf32, #tpu.memory_space<vmem>> -> memref<50048xf32, #tpu.memory_space<vmem>>
    tpu.enqueue_dma source(%dma_start3A_192 : memref<50048xf32, #tpu.memory_space<vmem>>) target(%dma_start3A_190 : memref<50048xf32, #tpu.memory_space<hbm>>) target_semaphore(%arg12 : memref<!tpu.dma_semaphore, #tpu.memory_space<semaphore_mem>>)
    %dma_wait3A_193 = arith.constant 0 : i32
    %dma_wait3A_194 = tpu.memref_slice %arg7[%dma_wait3A_193] : memref<50048xf32, #tpu.memory_space<vmem>> -> memref<50048xf32, #tpu.memory_space<vmem>>
    %dma_wait3A_195 = arith.constant 50048 : i32
    %dma_wait3A_196 = tpu.memref_slice %arg4[%add3A_153, %dma_wait3A_195] : memref<64x100096xf32, #tpu.memory_space<hbm>> -> memref<1x50048xf32, #tpu.memory_space<hbm>>
    %dma_wait3A_197 = tpu.memref_squeeze %dma_wait3A_196 : memref<1x50048xf32, #tpu.memory_space<hbm>> -> memref<50048xf32, #tpu.memory_space<hbm>>
    %dma_wait3A_198 = arith.constant 0 : i32
    %dma_wait3A_199 = tpu.memref_slice %arg7[%dma_wait3A_198] : memref<50048xf32, #tpu.memory_space<vmem>> -> memref<50048xf32, #tpu.memory_space<vmem>>
    %dma_wait3A_200 = arith.constant 50048 : i32
    %dma_wait3A_201 = tpu.memref_slice %arg4[%add3A_153, %dma_wait3A_200] : memref<64x100096xf32, #tpu.memory_space<hbm>> -> memref<1x50048xf32, #tpu.memory_space<hbm>>
    %dma_wait3A_202 = tpu.memref_squeeze %dma_wait3A_201 : memref<1x50048xf32, #tpu.memory_space<hbm>> -> memref<50048xf32, #tpu.memory_space<hbm>>
    tpu.wait_dma2 semaphore(%arg11 : memref<!tpu.dma_semaphore, #tpu.memory_space<semaphore_mem>>) src(%dma_wait3A_202 : memref<50048xf32, #tpu.memory_space<hbm>>) dst(%dma_wait3A_199 : memref<50048xf32, #tpu.memory_space<vmem>>)
    %scan3A_203 = arith.constant 0 : i32
    %scan3A_204 = arith.constant 128 : i32
    %scan3A_205 = arith.addi %scan3A_203, %scan3A_204 : i32
    %scan3A_206 = arith.constant 1 : i32
    scf.for %scan3A_242 = %scan3A_203 to %scan3A_205 step %scan3A_206  : i32 {
      %mul3A_243 = arith.constant 1 : i32
      %mul3A_244 = arith.muli %scan3A_242, %mul3A_243 : i32
      %add3A_245 = arith.constant 0 : i32
      %add3A_246 = arith.addi %add3A_245, %mul3A_244 : i32
      %mul3A_247 = arith.constant 16 : i32
      %mul3A_248 = arith.muli %add3A_246, %mul3A_247 : i32
      %get3A = arith.index_cast %mul3A_248 : i32 to index
      %get3A_249 = tpu.vector_load %arg8[%get3A] {strides = array<i32>} : memref<2048xi32, #tpu.memory_space<vmem>>, vector<16xi32>,
      %mul3A_250 = arith.constant 16 : i32
      %mul3A_251 = arith.muli %add3A_246, %mul3A_250 : i32
      %get3A_252 = arith.constant 1 : i32
      %get3A_253 = arith.index_cast %get3A_252 : i32 to index
      %get3A_254 = arith.index_cast %mul3A_251 : i32 to index
      %get3A_255 = tpu.vector_load %arg9[%get3A_253, %get3A_254] {strides = array<i32>} : memref<2x2048xf32, #tpu.memory_space<vmem>>, vector<16xf32>,
      %ge3A = arith.constant 50048 : i32
      %ge3A_256 = vector.broadcast %ge3A : i32 to vector<16xi32>
      %ge3A_257 = arith.cmpi sge, %get3A_249, %ge3A_256 : vector<16xi32>
      %lt3A = arith.constant 100096 : i32
      %lt3A_258 = vector.broadcast %lt3A : i32 to vector<16xi32>
      %lt3A_259 = arith.cmpi slt, %get3A_249, %lt3A_258 : vector<16xi32>
      %and3A_260 = arith.andi %ge3A_257, %lt3A_259 : vector<16xi1>
      %sub3A_261 = arith.constant 50048 : i32
      %sub3A_262 = vector.broadcast %sub3A_261 : i32 to vector<16xi32>
      %sub3A_263 = arith.subi %get3A_249, %sub3A_262 : vector<16xi32>
      %jit3A_264 = arith.constant 0 : i32
      %broadcast_in_dim3A = vector.broadcast %jit3A_264 : i32 to vector<16xi32>
      %select_n3A_265 = arith.select %and3A_260, %sub3A_263, %broadcast_in_dim3A : vector<16xi1>, vector<16xi32>
      tpu.vector_store_idx %arg7[%select_n3A_265], %get3A_255 masked %and3A_260 {add = true} : memref<50048xf32, #tpu.memory_space<vmem>>[vector<16xi32>], vector<16xf32>, vector<16xi1>
    }
    %scan3A_207 = arith.constant 128 : i32
    %mul3A_208 = arith.constant 2 : i32
    %mul3A_209 = arith.muli %add3A, %mul3A_208 : i32
    %add3A_210 = arith.constant 1 : i32
    %add3A_211 = arith.addi %mul3A_209, %add3A_210 : i32
    %dma_start3A_212 = arith.constant 0 : i32
    %dma_start3A_213 = tpu.memref_slice %arg7[%dma_start3A_212] : memref<50048xf32, #tpu.memory_space<vmem>> -> memref<50048xf32, #tpu.memory_space<vmem>>
    %dma_start3A_214 = arith.constant 50048 : i32
    %dma_start3A_215 = tpu.memref_slice %arg4[%add3A_211, %dma_start3A_214] : memref<64x100096xf32, #tpu.memory_space<hbm>> -> memref<1x50048xf32, #tpu.memory_space<hbm>>
    %dma_start3A_216 = tpu.memref_squeeze %dma_start3A_215 : memref<1x50048xf32, #tpu.memory_space<hbm>> -> memref<50048xf32, #tpu.memory_space<hbm>>
    %dma_start3A_217 = arith.constant 50048 : i32
    %dma_start3A_218 = tpu.memref_slice %arg4[%add3A_211, %dma_start3A_217] : memref<64x100096xf32, #tpu.memory_space<hbm>> -> memref<1x50048xf32, #tpu.memory_space<hbm>>
    %dma_start3A_219 = tpu.memref_squeeze %dma_start3A_218 : memref<1x50048xf32, #tpu.memory_space<hbm>> -> memref<50048xf32, #tpu.memory_space<hbm>>
    %dma_start3A_220 = arith.constant 0 : i32
    %dma_start3A_221 = tpu.memref_slice %arg7[%dma_start3A_220] : memref<50048xf32, #tpu.memory_space<vmem>> -> memref<50048xf32, #tpu.memory_space<vmem>>
    tpu.enqueue_dma source(%dma_start3A_221 : memref<50048xf32, #tpu.memory_space<vmem>>) target(%dma_start3A_219 : memref<50048xf32, #tpu.memory_space<hbm>>) target_semaphore(%arg13 : memref<!tpu.dma_semaphore, #tpu.memory_space<semaphore_mem>>)
    %dma_wait3A_222 = arith.constant 0 : i32
    %dma_wait3A_223 = tpu.memref_slice %arg6[%dma_wait3A_222] : memref<50048xf32, #tpu.memory_space<vmem>> -> memref<50048xf32, #tpu.memory_space<vmem>>
    %dma_wait3A_224 = arith.constant 0 : i32
    %dma_wait3A_225 = tpu.memref_slice %arg4[%add3A_182, %dma_wait3A_224] : memref<64x100096xf32, #tpu.memory_space<hbm>> -> memref<1x50048xf32, #tpu.memory_space<hbm>>
    %dma_wait3A_226 = tpu.memref_squeeze %dma_wait3A_225 : memref<1x50048xf32, #tpu.memory_space<hbm>> -> memref<50048xf32, #tpu.memory_space<hbm>>
    %dma_wait3A_227 = arith.constant 0 : i32
    %dma_wait3A_228 = tpu.memref_slice %arg4[%add3A_182, %dma_wait3A_227] : memref<64x100096xf32, #tpu.memory_space<hbm>> -> memref<1x50048xf32, #tpu.memory_space<hbm>>
    %dma_wait3A_229 = tpu.memref_squeeze %dma_wait3A_228 : memref<1x50048xf32, #tpu.memory_space<hbm>> -> memref<50048xf32, #tpu.memory_space<hbm>>
    %dma_wait3A_230 = arith.constant 0 : i32
    %dma_wait3A_231 = tpu.memref_slice %arg6[%dma_wait3A_230] : memref<50048xf32, #tpu.memory_space<vmem>> -> memref<50048xf32, #tpu.memory_space<vmem>>
    tpu.wait_dma2 semaphore(%arg12 : memref<!tpu.dma_semaphore, #tpu.memory_space<semaphore_mem>>) src(%dma_wait3A_231 : memref<50048xf32, #tpu.memory_space<vmem>>) dst(%dma_wait3A_229 : memref<50048xf32, #tpu.memory_space<hbm>>)
    %dma_wait3A_232 = arith.constant 0 : i32
    %dma_wait3A_233 = tpu.memref_slice %arg7[%dma_wait3A_232] : memref<50048xf32, #tpu.memory_space<vmem>> -> memref<50048xf32, #tpu.memory_space<vmem>>
    %dma_wait3A_234 = arith.constant 50048 : i32
    %dma_wait3A_235 = tpu.memref_slice %arg4[%add3A_211, %dma_wait3A_234] : memref<64x100096xf32, #tpu.memory_space<hbm>> -> memref<1x50048xf32, #tpu.memory_space<hbm>>
    %dma_wait3A_236 = tpu.memref_squeeze %dma_wait3A_235 : memref<1x50048xf32, #tpu.memory_space<hbm>> -> memref<50048xf32, #tpu.memory_space<hbm>>
    %dma_wait3A_237 = arith.constant 50048 : i32
    %dma_wait3A_238 = tpu.memref_slice %arg4[%add3A_211, %dma_wait3A_237] : memref<64x100096xf32, #tpu.memory_space<hbm>> -> memref<1x50048xf32, #tpu.memory_space<hbm>>
    %dma_wait3A_239 = tpu.memref_squeeze %dma_wait3A_238 : memref<1x50048xf32, #tpu.memory_space<hbm>> -> memref<50048xf32, #tpu.memory_space<hbm>>
    %dma_wait3A_240 = arith.constant 0 : i32
    %dma_wait3A_241 = tpu.memref_slice %arg7[%dma_wait3A_240] : memref<50048xf32, #tpu.memory_space<vmem>> -> memref<50048xf32, #tpu.memory_space<vmem>>
    tpu.wait_dma2 semaphore(%arg13 : memref<!tpu.dma_semaphore, #tpu.memory_space<semaphore_mem>>) src(%dma_wait3A_241 : memref<50048xf32, #tpu.memory_space<vmem>>) dst(%dma_wait3A_239 : memref<50048xf32, #tpu.memory_space<hbm>>)
    return
  }
}

module attributes {stable_mosaic.version = 14 : i64} {
  func.func @_stage1_body(%arg0: i32, %arg1: memref<1x512x2048xf32, #tpu.memory_space<vmem>>, %arg2: memref<1x32x1024xf32, #tpu.memory_space<vmem>>, %arg3: memref<1024x1xf32, #tpu.memory_space<vmem>>, %arg4: memref<1x1xf32, #tpu.memory_space<vmem>>, %arg5: memref<1x32x2048xf32, #tpu.memory_space<vmem>>) attributes {dimension_semantics = [#tpu.dimension_semantics<arbitrary>], iteration_bounds = array<i64: 8>, scalar_prefetch = 0 : i64, scratch_operands = 0 : i64, tpu.core_type = #tpu.core_type<tc>, window_params = [{transform_indices = @transform_0, window_bounds = array<i64: 1, 512, 2048>}, {transform_indices = @transform_1, window_bounds = array<i64: 1, 32, 1024>}, {pipeline_mode = #tpu.pipeline_mode<synchronous>, transform_indices = @transform_2, window_bounds = array<i64: 1024, 1>}, {pipeline_mode = #tpu.pipeline_mode<synchronous>, transform_indices = @transform_3, window_bounds = array<i64: 1, 1>}, {transform_indices = @transform_4, window_bounds = array<i64: 1, 32, 2048>}]} {
    %get3A = arith.constant 0 : index
    %get3A_0 = arith.constant 0 : index
    %get3A_1 = arith.constant 0 : index
    %get3A_2 = vector.load %arg1[%get3A, %get3A_0, %get3A_1] : memref<1x512x2048xf32, #tpu.memory_space<vmem>>, vector<1x512x2048xf32>
    %get3A_3 = vector.shape_cast %get3A_2 : vector<1x512x2048xf32> to vector<512x2048xf32>
    %slice3A = vector.extract_strided_slice %get3A_3 {offsets = [0, 0], sizes = [32, 2048], strides = [1, 1]} : vector<512x2048xf32> to vector<32x2048xf32>
    %slice3A_4 = vector.extract_strided_slice %get3A_3 {offsets = [32, 0], sizes = [32, 2048], strides = [1, 1]} : vector<512x2048xf32> to vector<32x2048xf32>
    %add3A = arith.addf %slice3A, %slice3A_4 : vector<32x2048xf32>
    %slice3A_5 = vector.extract_strided_slice %get3A_3 {offsets = [64, 0], sizes = [32, 2048], strides = [1, 1]} : vector<512x2048xf32> to vector<32x2048xf32>
    %add3A_6 = arith.addf %add3A, %slice3A_5 : vector<32x2048xf32>
    %slice3A_7 = vector.extract_strided_slice %get3A_3 {offsets = [96, 0], sizes = [32, 2048], strides = [1, 1]} : vector<512x2048xf32> to vector<32x2048xf32>
    %add3A_8 = arith.addf %add3A_6, %slice3A_7 : vector<32x2048xf32>
    %slice3A_9 = vector.extract_strided_slice %get3A_3 {offsets = [128, 0], sizes = [32, 2048], strides = [1, 1]} : vector<512x2048xf32> to vector<32x2048xf32>
    %add3A_10 = arith.addf %add3A_8, %slice3A_9 : vector<32x2048xf32>
    %slice3A_11 = vector.extract_strided_slice %get3A_3 {offsets = [160, 0], sizes = [32, 2048], strides = [1, 1]} : vector<512x2048xf32> to vector<32x2048xf32>
    %add3A_12 = arith.addf %add3A_10, %slice3A_11 : vector<32x2048xf32>
    %slice3A_13 = vector.extract_strided_slice %get3A_3 {offsets = [192, 0], sizes = [32, 2048], strides = [1, 1]} : vector<512x2048xf32> to vector<32x2048xf32>
    %add3A_14 = arith.addf %add3A_12, %slice3A_13 : vector<32x2048xf32>
    %slice3A_15 = vector.extract_strided_slice %get3A_3 {offsets = [224, 0], sizes = [32, 2048], strides = [1, 1]} : vector<512x2048xf32> to vector<32x2048xf32>
    %add3A_16 = arith.addf %add3A_14, %slice3A_15 : vector<32x2048xf32>
    %slice3A_17 = vector.extract_strided_slice %get3A_3 {offsets = [256, 0], sizes = [32, 2048], strides = [1, 1]} : vector<512x2048xf32> to vector<32x2048xf32>
    %add3A_18 = arith.addf %add3A_16, %slice3A_17 : vector<32x2048xf32>
    %slice3A_19 = vector.extract_strided_slice %get3A_3 {offsets = [288, 0], sizes = [32, 2048], strides = [1, 1]} : vector<512x2048xf32> to vector<32x2048xf32>
    %add3A_20 = arith.addf %add3A_18, %slice3A_19 : vector<32x2048xf32>
    %slice3A_21 = vector.extract_strided_slice %get3A_3 {offsets = [320, 0], sizes = [32, 2048], strides = [1, 1]} : vector<512x2048xf32> to vector<32x2048xf32>
    %add3A_22 = arith.addf %add3A_20, %slice3A_21 : vector<32x2048xf32>
    %slice3A_23 = vector.extract_strided_slice %get3A_3 {offsets = [352, 0], sizes = [32, 2048], strides = [1, 1]} : vector<512x2048xf32> to vector<32x2048xf32>
    %add3A_24 = arith.addf %add3A_22, %slice3A_23 : vector<32x2048xf32>
    %slice3A_25 = vector.extract_strided_slice %get3A_3 {offsets = [384, 0], sizes = [32, 2048], strides = [1, 1]} : vector<512x2048xf32> to vector<32x2048xf32>
    %add3A_26 = arith.addf %add3A_24, %slice3A_25 : vector<32x2048xf32>
    %slice3A_27 = vector.extract_strided_slice %get3A_3 {offsets = [416, 0], sizes = [32, 2048], strides = [1, 1]} : vector<512x2048xf32> to vector<32x2048xf32>
    %add3A_28 = arith.addf %add3A_26, %slice3A_27 : vector<32x2048xf32>
    %slice3A_29 = vector.extract_strided_slice %get3A_3 {offsets = [448, 0], sizes = [32, 2048], strides = [1, 1]} : vector<512x2048xf32> to vector<32x2048xf32>
    %add3A_30 = arith.addf %add3A_28, %slice3A_29 : vector<32x2048xf32>
    %slice3A_31 = vector.extract_strided_slice %get3A_3 {offsets = [480, 0], sizes = [32, 2048], strides = [1, 1]} : vector<512x2048xf32> to vector<32x2048xf32>
    %add3A_32 = arith.addf %add3A_30, %slice3A_31 : vector<32x2048xf32>
    %mul3A = arith.constant 6.250000e-02 : f32
    %mul3A_33 = vector.broadcast %mul3A : f32 to vector<32x2048xf32>
    %mul3A_34 = arith.mulf %add3A_32, %mul3A_33 : vector<32x2048xf32>
    %reduce_max3A = arith.constant dense<0xFF800000> : vector<32xf32>
    %reduce_max3A_35 = vector.multi_reduction <maximumf>, %mul3A_34, %reduce_max3A [1] : vector<32x2048xf32> to vector<32xf32>
    %broadcast_in_dim3A = vector.shape_cast %reduce_max3A_35 : vector<32xf32> to vector<32x1xf32>
    %sub3A = vector.broadcast %broadcast_in_dim3A : vector<32x1xf32> to vector<32x2048xf32>
    %sub3A_36 = arith.subf %mul3A_34, %sub3A : vector<32x2048xf32>
    %exp3A = math.exp %sub3A_36 : vector<32x2048xf32>
    %reduce_sum3A = arith.constant dense<0.000000e+00> : vector<32xf32>
    %reduce_sum3A_37 = vector.multi_reduction <add>, %exp3A, %reduce_sum3A [1] : vector<32x2048xf32> to vector<32xf32>
    %broadcast_in_dim3A_38 = vector.shape_cast %reduce_sum3A_37 : vector<32xf32> to vector<32x1xf32>
    %div3A = vector.broadcast %broadcast_in_dim3A_38 : vector<32x1xf32> to vector<32x2048xf32>
    %div3A_39 = arith.divf %exp3A, %div3A : vector<32x2048xf32>
    %get3A_40 = arith.constant 0 : index
    %get3A_41 = arith.constant 0 : index
    %get3A_42 = arith.constant 0 : index
    %get3A_43 = vector.load %arg2[%get3A_40, %get3A_41, %get3A_42] : memref<1x32x1024xf32, #tpu.memory_space<vmem>>, vector<1x32x1024xf32>
    %get3A_44 = vector.shape_cast %get3A_43 : vector<1x32x1024xf32> to vector<32x1024xf32>
    %get3A_45 = arith.constant 0 : index
    %get3A_46 = arith.constant 0 : index
    %get3A_47 = vector.load %arg3[%get3A_45, %get3A_46] : memref<1024x1xf32, #tpu.memory_space<vmem>>, vector<1024x1xf32>
    %dot_general3A = arith.constant dense<0.000000e+00> : vector<32x1xf32>
    %dot_general3A_48 = tpu.matmul %get3A_44, %get3A_47, %dot_general3A {dimension_numbers = #tpu.dot_dimension_numbers<[1], [0], [0], [1], [0, 0, 1, 1], [], []>, transpose_lhs_hint = false} : vector<32x1024xf32>, vector<1024x1xf32>, vector<32x1xf32> -> vector<32x1xf32>
    %get3A_49 = arith.constant 0 : index
    %get3A_50 = arith.constant 0 : index
    %get3A_51 = vector.load %arg4[%get3A_49, %get3A_50] : memref<1x1xf32, #tpu.memory_space<vmem>>, vector<1x1xf32>
    %get3A_52 = vector.extract %get3A_51[0, 0] : f32 from vector<1x1xf32>
    %add3A_53 = vector.broadcast %get3A_52 : f32 to vector<32x1xf32>
    %add3A_54 = arith.addf %dot_general3A_48, %add3A_53 : vector<32x1xf32>
    %logistic3A = arith.negf %add3A_54 : vector<32x1xf32>
    %logistic3A_55 = math.exp %logistic3A : vector<32x1xf32>
    %logistic3A_56 = arith.constant 1.000000e+00 : f32
    %logistic3A_57 = vector.broadcast %logistic3A_56 : f32 to vector<32x1xf32>
    %logistic3A_58 = arith.addf %logistic3A_57, %logistic3A_55 : vector<32x1xf32>
    %logistic3A_59 = arith.divf %logistic3A_57, %logistic3A_58 : vector<32x1xf32>
    %sub3A_60 = arith.constant 1.000000e+00 : f32
    %sub3A_61 = vector.broadcast %sub3A_60 : f32 to vector<32x1xf32>
    %sub3A_62 = arith.subf %sub3A_61, %logistic3A_59 : vector<32x1xf32>
    %mul3A_63 = vector.broadcast %sub3A_62 : vector<32x1xf32> to vector<32x2048xf32>
    %mul3A_64 = arith.mulf %mul3A_63, %div3A_39 : vector<32x2048xf32>
    %swap3A = arith.constant 0 : index
    %swap3A_65 = arith.constant 0 : index
    %swap3A_66 = arith.constant 0 : index
    %swap3A_67 = vector.load %arg5[%swap3A, %swap3A_65, %swap3A_66] : memref<1x32x2048xf32, #tpu.memory_space<vmem>>, vector<1x32x2048xf32>
    %swap3A_68 = vector.shape_cast %swap3A_67 : vector<1x32x2048xf32> to vector<32x2048xf32>
    %swap3A_69 = vector.shape_cast %mul3A_64 : vector<32x2048xf32> to vector<1x32x2048xf32>
    tpu.vector_store %arg5[%swap3A, %swap3A_65, %swap3A_66], %swap3A_69 {strides = array<i32>} : memref<1x32x2048xf32, #tpu.memory_space<vmem>>, vector<1x32x2048xf32>,
    return
  }
  func.func @transform_0(%arg0: i32) -> (i32, i32, i32) {
    %c0_i32 = arith.constant 0 : i32
    %c0_i32_0 = arith.constant 0 : i32
    %c0_i32_1 = arith.constant 0 : i32
    return %arg0, %c0_i32, %c0_i32_0 : i32, i32, i32
  }
  func.func @transform_1(%arg0: i32) -> (i32, i32, i32) {
    %c0_i32 = arith.constant 0 : i32
    %c0_i32_0 = arith.constant 0 : i32
    %c0_i32_1 = arith.constant 0 : i32
    return %arg0, %c0_i32, %c0_i32_0 : i32, i32, i32
  }
  func.func @transform_2(%arg0: i32) -> (i32, i32) {
    %c0_i32 = arith.constant 0 : i32
    %c0_i32_0 = arith.constant 0 : i32
    %c0_i32_1 = arith.constant 0 : i32
    return %c0_i32, %c0_i32_0 : i32, i32
  }
  func.func @transform_3(%arg0: i32) -> (i32, i32) {
    %c0_i32 = arith.constant 0 : i32
    %c0_i32_0 = arith.constant 0 : i32
    %c0_i32_1 = arith.constant 0 : i32
    return %c0_i32, %c0_i32_0 : i32, i32
  }
  func.func @transform_4(%arg0: i32) -> (i32, i32, i32) {
    %c0_i32 = arith.constant 0 : i32
    %c0_i32_0 = arith.constant 0 : i32
    %c0_i32_1 = arith.constant 0 : i32
    return %arg0, %c0_i32, %c0_i32_0 : i32, i32, i32
  }
}

module attributes {stable_mosaic.version = 14 : i64} {
  func.func @_stage2_body(%arg0: i32, %arg1: memref<16x100000xf32, #tpu.memory_space<vmem>>, %arg2: memref<16x1024xf32, #tpu.memory_space<vmem>>, %arg3: memref<1024x1xf32, #tpu.memory_space<vmem>>, %arg4: memref<1x1xf32, #tpu.memory_space<vmem>>, %arg5: memref<16x100096xf32, #tpu.memory_space<vmem>>) attributes {dimension_semantics = [#tpu.dimension_semantics<arbitrary>], iteration_bounds = array<i64: 4>, scalar_prefetch = 0 : i64, scratch_operands = 0 : i64, tpu.core_type = #tpu.core_type<tc>, window_params = [{transform_indices = @transform_0, window_bounds = array<i64: 16, 100000>}, {transform_indices = @transform_1, window_bounds = array<i64: 16, 1024>}, {pipeline_mode = #tpu.pipeline_mode<synchronous>, transform_indices = @transform_2, window_bounds = array<i64: 1024, 1>}, {pipeline_mode = #tpu.pipeline_mode<synchronous>, transform_indices = @transform_3, window_bounds = array<i64: 1, 1>}, {transform_indices = @transform_4, window_bounds = array<i64: 16, 100096>}]} {
    %get3A = arith.constant 0 : index
    %get3A_0 = arith.constant 0 : index
    %get3A_1 = vector.load %arg2[%get3A, %get3A_0] : memref<16x1024xf32, #tpu.memory_space<vmem>>, vector<16x1024xf32>
    %get3A_2 = arith.constant 0 : index
    %get3A_3 = arith.constant 0 : index
    %get3A_4 = vector.load %arg3[%get3A_2, %get3A_3] : memref<1024x1xf32, #tpu.memory_space<vmem>>, vector<1024x1xf32>
    %dot_general3A = arith.constant dense<0.000000e+00> : vector<16x1xf32>
    %dot_general3A_5 = tpu.matmul %get3A_1, %get3A_4, %dot_general3A {dimension_numbers = #tpu.dot_dimension_numbers<[1], [0], [0], [1], [0, 0, 1, 1], [], []>, transpose_lhs_hint = false} : vector<16x1024xf32>, vector<1024x1xf32>, vector<16x1xf32> -> vector<16x1xf32>
    %get3A_6 = arith.constant 0 : index
    %get3A_7 = arith.constant 0 : index
    %get3A_8 = vector.load %arg4[%get3A_6, %get3A_7] : memref<1x1xf32, #tpu.memory_space<vmem>>, vector<1x1xf32>
    %get3A_9 = vector.extract %get3A_8[0, 0] : f32 from vector<1x1xf32>
    %add3A = vector.broadcast %get3A_9 : f32 to vector<16x1xf32>
    %add3A_10 = arith.addf %dot_general3A_5, %add3A : vector<16x1xf32>
    %logistic3A = arith.negf %add3A_10 : vector<16x1xf32>
    %logistic3A_11 = math.exp %logistic3A : vector<16x1xf32>
    %logistic3A_12 = arith.constant 1.000000e+00 : f32
    %logistic3A_13 = vector.broadcast %logistic3A_12 : f32 to vector<16x1xf32>
    %logistic3A_14 = arith.addf %logistic3A_13, %logistic3A_11 : vector<16x1xf32>
    %logistic3A_15 = arith.divf %logistic3A_13, %logistic3A_14 : vector<16x1xf32>
    %get3A_16 = arith.constant 0 : index
    %get3A_17 = arith.constant 0 : index
    %get3A_18 = vector.load %arg1[%get3A_16, %get3A_17] : memref<16x100000xf32, #tpu.memory_space<vmem>>, vector<16x100000xf32>
    %reduce_max3A = arith.constant dense<0xFF800000> : vector<16xf32>
    %reduce_max3A_19 = vector.multi_reduction <maximumf>, %get3A_18, %reduce_max3A [1] : vector<16x100000xf32> to vector<16xf32>
    %broadcast_in_dim3A = vector.shape_cast %reduce_max3A_19 : vector<16xf32> to vector<16x1xf32>
    %sub3A = vector.broadcast %broadcast_in_dim3A : vector<16x1xf32> to vector<16x100000xf32>
    %sub3A_20 = arith.subf %get3A_18, %sub3A : vector<16x100000xf32>
    %exp3A = math.exp %sub3A_20 : vector<16x100000xf32>
    %reduce_sum3A = arith.constant dense<0.000000e+00> : vector<16xf32>
    %reduce_sum3A_21 = vector.multi_reduction <add>, %exp3A, %reduce_sum3A [1] : vector<16x100000xf32> to vector<16xf32>
    %broadcast_in_dim3A_22 = vector.shape_cast %reduce_sum3A_21 : vector<16xf32> to vector<16x1xf32>
    %div3A = arith.divf %logistic3A_15, %broadcast_in_dim3A_22 : vector<16x1xf32>
    %mul3A = vector.broadcast %div3A : vector<16x1xf32> to vector<16x100000xf32>
    %mul3A_23 = arith.mulf %exp3A, %mul3A : vector<16x100000xf32>
    %swap3A = arith.constant 0 : index
    %swap3A_24 = arith.constant 0 : index
    %swap3A_25 = vector.load %arg5[%swap3A, %swap3A_24] : memref<16x100096xf32, #tpu.memory_space<vmem>>, vector<16x100000xf32>
    tpu.vector_store %arg5[%swap3A, %swap3A_24], %mul3A_23 {strides = array<i32>} : memref<16x100096xf32, #tpu.memory_space<vmem>>, vector<16x100000xf32>,
    %broadcast_in_dim3A_26 = arith.constant 1.000000e+00 : f32
    %broadcast_in_dim3A_27 = vector.broadcast %broadcast_in_dim3A_26 : f32 to vector<16x96xf32>
    %swap3A_28 = arith.constant 0 : index
    %swap3A_29 = arith.constant 100000 : index
    %swap3A_30 = vector.load %arg5[%swap3A_28, %swap3A_29] : memref<16x100096xf32, #tpu.memory_space<vmem>>, vector<16x96xf32>
    tpu.vector_store %arg5[%swap3A_28, %swap3A_29], %broadcast_in_dim3A_27 {strides = array<i32>} : memref<16x100096xf32, #tpu.memory_space<vmem>>, vector<16x96xf32>,
    return
  }
  func.func @transform_0(%arg0: i32) -> (i32, i32) {
    %add3A = arith.constant 0 : i32
    %add3A_0 = arith.addi %add3A, %arg0 : i32
    %c0_i32 = arith.constant 0 : i32
    %c0_i32_1 = arith.constant 0 : i32
    return %add3A_0, %c0_i32 : i32, i32
  }
  func.func @transform_1(%arg0: i32) -> (i32, i32) {
    %add3A = arith.constant 0 : i32
    %add3A_0 = arith.addi %add3A, %arg0 : i32
    %c0_i32 = arith.constant 0 : i32
    %c0_i32_1 = arith.constant 0 : i32
    return %add3A_0, %c0_i32 : i32, i32
  }
  func.func @transform_2(%arg0: i32) -> (i32, i32) {
    %c0_i32 = arith.constant 0 : i32
    %c0_i32_0 = arith.constant 0 : i32
    %c0_i32_1 = arith.constant 0 : i32
    return %c0_i32, %c0_i32_0 : i32, i32
  }
  func.func @transform_3(%arg0: i32) -> (i32, i32) {
    %c0_i32 = arith.constant 0 : i32
    %c0_i32_0 = arith.constant 0 : i32
    %c0_i32_1 = arith.constant 0 : i32
    return %c0_i32, %c0_i32_0 : i32, i32
  }
  func.func @transform_4(%arg0: i32) -> (i32, i32) {
    %c0_i32 = arith.constant 0 : i32
    %c0_i32_0 = arith.constant 0 : i32
    return %arg0, %c0_i32 : i32, i32
  }
}

module attributes {stable_mosaic.version = 14 : i64} {
  func.func @_stage2_body(%arg0: i32, %arg1: memref<16x100000xf32, #tpu.memory_space<vmem>>, %arg2: memref<16x1024xf32, #tpu.memory_space<vmem>>, %arg3: memref<1024x1xf32, #tpu.memory_space<vmem>>, %arg4: memref<1x1xf32, #tpu.memory_space<vmem>>, %arg5: memref<16x100096xf32, #tpu.memory_space<vmem>>) attributes {dimension_semantics = [#tpu.dimension_semantics<arbitrary>], iteration_bounds = array<i64: 4>, scalar_prefetch = 0 : i64, scratch_operands = 0 : i64, tpu.core_type = #tpu.core_type<tc>, window_params = [{transform_indices = @transform_0, window_bounds = array<i64: 16, 100000>}, {transform_indices = @transform_1, window_bounds = array<i64: 16, 1024>}, {pipeline_mode = #tpu.pipeline_mode<synchronous>, transform_indices = @transform_2, window_bounds = array<i64: 1024, 1>}, {pipeline_mode = #tpu.pipeline_mode<synchronous>, transform_indices = @transform_3, window_bounds = array<i64: 1, 1>}, {transform_indices = @transform_4, window_bounds = array<i64: 16, 100096>}]} {
    %get3A = arith.constant 0 : index
    %get3A_0 = arith.constant 0 : index
    %get3A_1 = vector.load %arg2[%get3A, %get3A_0] : memref<16x1024xf32, #tpu.memory_space<vmem>>, vector<16x1024xf32>
    %get3A_2 = arith.constant 0 : index
    %get3A_3 = arith.constant 0 : index
    %get3A_4 = vector.load %arg3[%get3A_2, %get3A_3] : memref<1024x1xf32, #tpu.memory_space<vmem>>, vector<1024x1xf32>
    %dot_general3A = arith.constant dense<0.000000e+00> : vector<16x1xf32>
    %dot_general3A_5 = tpu.matmul %get3A_1, %get3A_4, %dot_general3A {dimension_numbers = #tpu.dot_dimension_numbers<[1], [0], [0], [1], [0, 0, 1, 1], [], []>, transpose_lhs_hint = false} : vector<16x1024xf32>, vector<1024x1xf32>, vector<16x1xf32> -> vector<16x1xf32>
    %get3A_6 = arith.constant 0 : index
    %get3A_7 = arith.constant 0 : index
    %get3A_8 = vector.load %arg4[%get3A_6, %get3A_7] : memref<1x1xf32, #tpu.memory_space<vmem>>, vector<1x1xf32>
    %get3A_9 = vector.extract %get3A_8[0, 0] : f32 from vector<1x1xf32>
    %add3A = vector.broadcast %get3A_9 : f32 to vector<16x1xf32>
    %add3A_10 = arith.addf %dot_general3A_5, %add3A : vector<16x1xf32>
    %logistic3A = arith.negf %add3A_10 : vector<16x1xf32>
    %logistic3A_11 = math.exp %logistic3A : vector<16x1xf32>
    %logistic3A_12 = arith.constant 1.000000e+00 : f32
    %logistic3A_13 = vector.broadcast %logistic3A_12 : f32 to vector<16x1xf32>
    %logistic3A_14 = arith.addf %logistic3A_13, %logistic3A_11 : vector<16x1xf32>
    %logistic3A_15 = arith.divf %logistic3A_13, %logistic3A_14 : vector<16x1xf32>
    %get3A_16 = arith.constant 0 : index
    %get3A_17 = arith.constant 0 : index
    %get3A_18 = vector.load %arg1[%get3A_16, %get3A_17] : memref<16x100000xf32, #tpu.memory_space<vmem>>, vector<16x100000xf32>
    %reduce_max3A = arith.constant dense<0xFF800000> : vector<16xf32>
    %reduce_max3A_19 = vector.multi_reduction <maximumf>, %get3A_18, %reduce_max3A [1] : vector<16x100000xf32> to vector<16xf32>
    %broadcast_in_dim3A = vector.shape_cast %reduce_max3A_19 : vector<16xf32> to vector<16x1xf32>
    %sub3A = vector.broadcast %broadcast_in_dim3A : vector<16x1xf32> to vector<16x100000xf32>
    %sub3A_20 = arith.subf %get3A_18, %sub3A : vector<16x100000xf32>
    %exp3A = math.exp %sub3A_20 : vector<16x100000xf32>
    %reduce_sum3A = arith.constant dense<0.000000e+00> : vector<16xf32>
    %reduce_sum3A_21 = vector.multi_reduction <add>, %exp3A, %reduce_sum3A [1] : vector<16x100000xf32> to vector<16xf32>
    %broadcast_in_dim3A_22 = vector.shape_cast %reduce_sum3A_21 : vector<16xf32> to vector<16x1xf32>
    %div3A = arith.divf %logistic3A_15, %broadcast_in_dim3A_22 : vector<16x1xf32>
    %mul3A = vector.broadcast %div3A : vector<16x1xf32> to vector<16x100000xf32>
    %mul3A_23 = arith.mulf %exp3A, %mul3A : vector<16x100000xf32>
    %swap3A = arith.constant 0 : index
    %swap3A_24 = arith.constant 0 : index
    %swap3A_25 = vector.load %arg5[%swap3A, %swap3A_24] : memref<16x100096xf32, #tpu.memory_space<vmem>>, vector<16x100000xf32>
    tpu.vector_store %arg5[%swap3A, %swap3A_24], %mul3A_23 {strides = array<i32>} : memref<16x100096xf32, #tpu.memory_space<vmem>>, vector<16x100000xf32>,
    %broadcast_in_dim3A_26 = arith.constant 1.000000e+00 : f32
    %broadcast_in_dim3A_27 = vector.broadcast %broadcast_in_dim3A_26 : f32 to vector<16x96xf32>
    %swap3A_28 = arith.constant 0 : index
    %swap3A_29 = arith.constant 100000 : index
    %swap3A_30 = vector.load %arg5[%swap3A_28, %swap3A_29] : memref<16x100096xf32, #tpu.memory_space<vmem>>, vector<16x96xf32>
    tpu.vector_store %arg5[%swap3A_28, %swap3A_29], %broadcast_in_dim3A_27 {strides = array<i32>} : memref<16x100096xf32, #tpu.memory_space<vmem>>, vector<16x96xf32>,
    return
  }
  func.func @transform_0(%arg0: i32) -> (i32, i32) {
    %add3A = arith.constant 4 : i32
    %add3A_0 = arith.addi %add3A, %arg0 : i32
    %c0_i32 = arith.constant 0 : i32
    %c0_i32_1 = arith.constant 0 : i32
    return %add3A_0, %c0_i32 : i32, i32
  }
  func.func @transform_1(%arg0: i32) -> (i32, i32) {
    %add3A = arith.constant 4 : i32
    %add3A_0 = arith.addi %add3A, %arg0 : i32
    %c0_i32 = arith.constant 0 : i32
    %c0_i32_1 = arith.constant 0 : i32
    return %add3A_0, %c0_i32 : i32, i32
  }
  func.func @transform_2(%arg0: i32) -> (i32, i32) {
    %c0_i32 = arith.constant 0 : i32
    %c0_i32_0 = arith.constant 0 : i32
    %c0_i32_1 = arith.constant 0 : i32
    return %c0_i32, %c0_i32_0 : i32, i32
  }
  func.func @transform_3(%arg0: i32) -> (i32, i32) {
    %c0_i32 = arith.constant 0 : i32
    %c0_i32_0 = arith.constant 0 : i32
    %c0_i32_1 = arith.constant 0 : i32
    return %c0_i32, %c0_i32_0 : i32, i32
  }
  func.func @transform_4(%arg0: i32) -> (i32, i32) {
    %c0_i32 = arith.constant 0 : i32
    %c0_i32_0 = arith.constant 0 : i32
    return %arg0, %c0_i32 : i32, i32
  }
}

module attributes {stable_mosaic.version = 14 : i64} {
  func.func @_stage2_body(%arg0: i32, %arg1: memref<16x100000xf32, #tpu.memory_space<vmem>>, %arg2: memref<16x1024xf32, #tpu.memory_space<vmem>>, %arg3: memref<1024x1xf32, #tpu.memory_space<vmem>>, %arg4: memref<1x1xf32, #tpu.memory_space<vmem>>, %arg5: memref<16x100096xf32, #tpu.memory_space<vmem>>) attributes {dimension_semantics = [#tpu.dimension_semantics<arbitrary>], iteration_bounds = array<i64: 4>, scalar_prefetch = 0 : i64, scratch_operands = 0 : i64, tpu.core_type = #tpu.core_type<tc>, window_params = [{transform_indices = @transform_0, window_bounds = array<i64: 16, 100000>}, {transform_indices = @transform_1, window_bounds = array<i64: 16, 1024>}, {pipeline_mode = #tpu.pipeline_mode<synchronous>, transform_indices = @transform_2, window_bounds = array<i64: 1024, 1>}, {pipeline_mode = #tpu.pipeline_mode<synchronous>, transform_indices = @transform_3, window_bounds = array<i64: 1, 1>}, {transform_indices = @transform_4, window_bounds = array<i64: 16, 100096>}]} {
    %get3A = arith.constant 0 : index
    %get3A_0 = arith.constant 0 : index
    %get3A_1 = vector.load %arg2[%get3A, %get3A_0] : memref<16x1024xf32, #tpu.memory_space<vmem>>, vector<16x1024xf32>
    %get3A_2 = arith.constant 0 : index
    %get3A_3 = arith.constant 0 : index
    %get3A_4 = vector.load %arg3[%get3A_2, %get3A_3] : memref<1024x1xf32, #tpu.memory_space<vmem>>, vector<1024x1xf32>
    %dot_general3A = arith.constant dense<0.000000e+00> : vector<16x1xf32>
    %dot_general3A_5 = tpu.matmul %get3A_1, %get3A_4, %dot_general3A {dimension_numbers = #tpu.dot_dimension_numbers<[1], [0], [0], [1], [0, 0, 1, 1], [], []>, transpose_lhs_hint = false} : vector<16x1024xf32>, vector<1024x1xf32>, vector<16x1xf32> -> vector<16x1xf32>
    %get3A_6 = arith.constant 0 : index
    %get3A_7 = arith.constant 0 : index
    %get3A_8 = vector.load %arg4[%get3A_6, %get3A_7] : memref<1x1xf32, #tpu.memory_space<vmem>>, vector<1x1xf32>
    %get3A_9 = vector.extract %get3A_8[0, 0] : f32 from vector<1x1xf32>
    %add3A = vector.broadcast %get3A_9 : f32 to vector<16x1xf32>
    %add3A_10 = arith.addf %dot_general3A_5, %add3A : vector<16x1xf32>
    %logistic3A = arith.negf %add3A_10 : vector<16x1xf32>
    %logistic3A_11 = math.exp %logistic3A : vector<16x1xf32>
    %logistic3A_12 = arith.constant 1.000000e+00 : f32
    %logistic3A_13 = vector.broadcast %logistic3A_12 : f32 to vector<16x1xf32>
    %logistic3A_14 = arith.addf %logistic3A_13, %logistic3A_11 : vector<16x1xf32>
    %logistic3A_15 = arith.divf %logistic3A_13, %logistic3A_14 : vector<16x1xf32>
    %get3A_16 = arith.constant 0 : index
    %get3A_17 = arith.constant 0 : index
    %get3A_18 = vector.load %arg1[%get3A_16, %get3A_17] : memref<16x100000xf32, #tpu.memory_space<vmem>>, vector<16x100000xf32>
    %reduce_max3A = arith.constant dense<0xFF800000> : vector<16xf32>
    %reduce_max3A_19 = vector.multi_reduction <maximumf>, %get3A_18, %reduce_max3A [1] : vector<16x100000xf32> to vector<16xf32>
    %broadcast_in_dim3A = vector.shape_cast %reduce_max3A_19 : vector<16xf32> to vector<16x1xf32>
    %sub3A = vector.broadcast %broadcast_in_dim3A : vector<16x1xf32> to vector<16x100000xf32>
    %sub3A_20 = arith.subf %get3A_18, %sub3A : vector<16x100000xf32>
    %exp3A = math.exp %sub3A_20 : vector<16x100000xf32>
    %reduce_sum3A = arith.constant dense<0.000000e+00> : vector<16xf32>
    %reduce_sum3A_21 = vector.multi_reduction <add>, %exp3A, %reduce_sum3A [1] : vector<16x100000xf32> to vector<16xf32>
    %broadcast_in_dim3A_22 = vector.shape_cast %reduce_sum3A_21 : vector<16xf32> to vector<16x1xf32>
    %div3A = arith.divf %logistic3A_15, %broadcast_in_dim3A_22 : vector<16x1xf32>
    %mul3A = vector.broadcast %div3A : vector<16x1xf32> to vector<16x100000xf32>
    %mul3A_23 = arith.mulf %exp3A, %mul3A : vector<16x100000xf32>
    %swap3A = arith.constant 0 : index
    %swap3A_24 = arith.constant 0 : index
    %swap3A_25 = vector.load %arg5[%swap3A, %swap3A_24] : memref<16x100096xf32, #tpu.memory_space<vmem>>, vector<16x100000xf32>
    tpu.vector_store %arg5[%swap3A, %swap3A_24], %mul3A_23 {strides = array<i32>} : memref<16x100096xf32, #tpu.memory_space<vmem>>, vector<16x100000xf32>,
    %broadcast_in_dim3A_26 = arith.constant 1.000000e+00 : f32
    %broadcast_in_dim3A_27 = vector.broadcast %broadcast_in_dim3A_26 : f32 to vector<16x96xf32>
    %swap3A_28 = arith.constant 0 : index
    %swap3A_29 = arith.constant 100000 : index
    %swap3A_30 = vector.load %arg5[%swap3A_28, %swap3A_29] : memref<16x100096xf32, #tpu.memory_space<vmem>>, vector<16x96xf32>
    tpu.vector_store %arg5[%swap3A_28, %swap3A_29], %broadcast_in_dim3A_27 {strides = array<i32>} : memref<16x100096xf32, #tpu.memory_space<vmem>>, vector<16x96xf32>,
    return
  }
  func.func @transform_0(%arg0: i32) -> (i32, i32) {
    %add3A = arith.constant 8 : i32
    %add3A_0 = arith.addi %add3A, %arg0 : i32
    %c0_i32 = arith.constant 0 : i32
    %c0_i32_1 = arith.constant 0 : i32
    return %add3A_0, %c0_i32 : i32, i32
  }
  func.func @transform_1(%arg0: i32) -> (i32, i32) {
    %add3A = arith.constant 8 : i32
    %add3A_0 = arith.addi %add3A, %arg0 : i32
    %c0_i32 = arith.constant 0 : i32
    %c0_i32_1 = arith.constant 0 : i32
    return %add3A_0, %c0_i32 : i32, i32
  }
  func.func @transform_2(%arg0: i32) -> (i32, i32) {
    %c0_i32 = arith.constant 0 : i32
    %c0_i32_0 = arith.constant 0 : i32
    %c0_i32_1 = arith.constant 0 : i32
    return %c0_i32, %c0_i32_0 : i32, i32
  }
  func.func @transform_3(%arg0: i32) -> (i32, i32) {
    %c0_i32 = arith.constant 0 : i32
    %c0_i32_0 = arith.constant 0 : i32
    %c0_i32_1 = arith.constant 0 : i32
    return %c0_i32, %c0_i32_0 : i32, i32
  }
  func.func @transform_4(%arg0: i32) -> (i32, i32) {
    %c0_i32 = arith.constant 0 : i32
    %c0_i32_0 = arith.constant 0 : i32
    return %arg0, %c0_i32 : i32, i32
  }
}

module attributes {stable_mosaic.version = 14 : i64} {
  func.func @_stage2_body(%arg0: i32, %arg1: memref<16x100000xf32, #tpu.memory_space<vmem>>, %arg2: memref<16x1024xf32, #tpu.memory_space<vmem>>, %arg3: memref<1024x1xf32, #tpu.memory_space<vmem>>, %arg4: memref<1x1xf32, #tpu.memory_space<vmem>>, %arg5: memref<16x100096xf32, #tpu.memory_space<vmem>>) attributes {dimension_semantics = [#tpu.dimension_semantics<arbitrary>], iteration_bounds = array<i64: 4>, scalar_prefetch = 0 : i64, scratch_operands = 0 : i64, tpu.core_type = #tpu.core_type<tc>, window_params = [{transform_indices = @transform_0, window_bounds = array<i64: 16, 100000>}, {transform_indices = @transform_1, window_bounds = array<i64: 16, 1024>}, {pipeline_mode = #tpu.pipeline_mode<synchronous>, transform_indices = @transform_2, window_bounds = array<i64: 1024, 1>}, {pipeline_mode = #tpu.pipeline_mode<synchronous>, transform_indices = @transform_3, window_bounds = array<i64: 1, 1>}, {transform_indices = @transform_4, window_bounds = array<i64: 16, 100096>}]} {
    %get3A = arith.constant 0 : index
    %get3A_0 = arith.constant 0 : index
    %get3A_1 = vector.load %arg2[%get3A, %get3A_0] : memref<16x1024xf32, #tpu.memory_space<vmem>>, vector<16x1024xf32>
    %get3A_2 = arith.constant 0 : index
    %get3A_3 = arith.constant 0 : index
    %get3A_4 = vector.load %arg3[%get3A_2, %get3A_3] : memref<1024x1xf32, #tpu.memory_space<vmem>>, vector<1024x1xf32>
    %dot_general3A = arith.constant dense<0.000000e+00> : vector<16x1xf32>
    %dot_general3A_5 = tpu.matmul %get3A_1, %get3A_4, %dot_general3A {dimension_numbers = #tpu.dot_dimension_numbers<[1], [0], [0], [1], [0, 0, 1, 1], [], []>, transpose_lhs_hint = false} : vector<16x1024xf32>, vector<1024x1xf32>, vector<16x1xf32> -> vector<16x1xf32>
    %get3A_6 = arith.constant 0 : index
    %get3A_7 = arith.constant 0 : index
    %get3A_8 = vector.load %arg4[%get3A_6, %get3A_7] : memref<1x1xf32, #tpu.memory_space<vmem>>, vector<1x1xf32>
    %get3A_9 = vector.extract %get3A_8[0, 0] : f32 from vector<1x1xf32>
    %add3A = vector.broadcast %get3A_9 : f32 to vector<16x1xf32>
    %add3A_10 = arith.addf %dot_general3A_5, %add3A : vector<16x1xf32>
    %logistic3A = arith.negf %add3A_10 : vector<16x1xf32>
    %logistic3A_11 = math.exp %logistic3A : vector<16x1xf32>
    %logistic3A_12 = arith.constant 1.000000e+00 : f32
    %logistic3A_13 = vector.broadcast %logistic3A_12 : f32 to vector<16x1xf32>
    %logistic3A_14 = arith.addf %logistic3A_13, %logistic3A_11 : vector<16x1xf32>
    %logistic3A_15 = arith.divf %logistic3A_13, %logistic3A_14 : vector<16x1xf32>
    %get3A_16 = arith.constant 0 : index
    %get3A_17 = arith.constant 0 : index
    %get3A_18 = vector.load %arg1[%get3A_16, %get3A_17] : memref<16x100000xf32, #tpu.memory_space<vmem>>, vector<16x100000xf32>
    %reduce_max3A = arith.constant dense<0xFF800000> : vector<16xf32>
    %reduce_max3A_19 = vector.multi_reduction <maximumf>, %get3A_18, %reduce_max3A [1] : vector<16x100000xf32> to vector<16xf32>
    %broadcast_in_dim3A = vector.shape_cast %reduce_max3A_19 : vector<16xf32> to vector<16x1xf32>
    %sub3A = vector.broadcast %broadcast_in_dim3A : vector<16x1xf32> to vector<16x100000xf32>
    %sub3A_20 = arith.subf %get3A_18, %sub3A : vector<16x100000xf32>
    %exp3A = math.exp %sub3A_20 : vector<16x100000xf32>
    %reduce_sum3A = arith.constant dense<0.000000e+00> : vector<16xf32>
    %reduce_sum3A_21 = vector.multi_reduction <add>, %exp3A, %reduce_sum3A [1] : vector<16x100000xf32> to vector<16xf32>
    %broadcast_in_dim3A_22 = vector.shape_cast %reduce_sum3A_21 : vector<16xf32> to vector<16x1xf32>
    %div3A = arith.divf %logistic3A_15, %broadcast_in_dim3A_22 : vector<16x1xf32>
    %mul3A = vector.broadcast %div3A : vector<16x1xf32> to vector<16x100000xf32>
    %mul3A_23 = arith.mulf %exp3A, %mul3A : vector<16x100000xf32>
    %swap3A = arith.constant 0 : index
    %swap3A_24 = arith.constant 0 : index
    %swap3A_25 = vector.load %arg5[%swap3A, %swap3A_24] : memref<16x100096xf32, #tpu.memory_space<vmem>>, vector<16x100000xf32>
    tpu.vector_store %arg5[%swap3A, %swap3A_24], %mul3A_23 {strides = array<i32>} : memref<16x100096xf32, #tpu.memory_space<vmem>>, vector<16x100000xf32>,
    %broadcast_in_dim3A_26 = arith.constant 1.000000e+00 : f32
    %broadcast_in_dim3A_27 = vector.broadcast %broadcast_in_dim3A_26 : f32 to vector<16x96xf32>
    %swap3A_28 = arith.constant 0 : index
    %swap3A_29 = arith.constant 100000 : index
    %swap3A_30 = vector.load %arg5[%swap3A_28, %swap3A_29] : memref<16x100096xf32, #tpu.memory_space<vmem>>, vector<16x96xf32>
    tpu.vector_store %arg5[%swap3A_28, %swap3A_29], %broadcast_in_dim3A_27 {strides = array<i32>} : memref<16x100096xf32, #tpu.memory_space<vmem>>, vector<16x96xf32>,
    return
  }
  func.func @transform_0(%arg0: i32) -> (i32, i32) {
    %add3A = arith.constant 12 : i32
    %add3A_0 = arith.addi %add3A, %arg0 : i32
    %c0_i32 = arith.constant 0 : i32
    %c0_i32_1 = arith.constant 0 : i32
    return %add3A_0, %c0_i32 : i32, i32
  }
  func.func @transform_1(%arg0: i32) -> (i32, i32) {
    %add3A = arith.constant 12 : i32
    %add3A_0 = arith.addi %add3A, %arg0 : i32
    %c0_i32 = arith.constant 0 : i32
    %c0_i32_1 = arith.constant 0 : i32
    return %add3A_0, %c0_i32 : i32, i32
  }
  func.func @transform_2(%arg0: i32) -> (i32, i32) {
    %c0_i32 = arith.constant 0 : i32
    %c0_i32_0 = arith.constant 0 : i32
    %c0_i32_1 = arith.constant 0 : i32
    return %c0_i32, %c0_i32_0 : i32, i32
  }
  func.func @transform_3(%arg0: i32) -> (i32, i32) {
    %c0_i32 = arith.constant 0 : i32
    %c0_i32_0 = arith.constant 0 : i32
    %c0_i32_1 = arith.constant 0 : i32
    return %c0_i32, %c0_i32_0 : i32, i32
  }
  func.func @transform_4(%arg0: i32) -> (i32, i32) {
    %c0_i32 = arith.constant 0 : i32
    %c0_i32_0 = arith.constant 0 : i32
    return %arg0, %c0_i32 : i32, i32
  }
}

module attributes {stable_mosaic.version = 14 : i64} {
  func.func @_stage4_body(%arg0: i32, %arg1: memref<16x100096xf32, #tpu.memory_space<vmem>>, %arg2: memref<1x1xf32, #tpu.memory_space<vmem>>, %arg3: memref<1x16x100000xf32, #tpu.memory_space<vmem>>) attributes {dimension_semantics = [#tpu.dimension_semantics<arbitrary>], iteration_bounds = array<i64: 4>, scalar_prefetch = 0 : i64, scratch_operands = 0 : i64, tpu.core_type = #tpu.core_type<tc>, window_params = [{transform_indices = @transform_0, window_bounds = array<i64: 16, 100096>}, {pipeline_mode = #tpu.pipeline_mode<synchronous>, transform_indices = @transform_1, window_bounds = array<i64: 1, 1>}, {transform_indices = @transform_2, window_bounds = array<i64: 1, 16, 100000>}]} {
    %get3A = arith.constant 0 : index
    %get3A_0 = arith.constant 0 : index
    %get3A_1 = vector.load %arg1[%get3A, %get3A_0] : memref<16x100096xf32, #tpu.memory_space<vmem>>, vector<16x100000xf32>
    %log3A = math.log %get3A_1 : vector<16x100000xf32>
    %swap3A = arith.constant 0 : index
    %swap3A_2 = arith.constant 0 : index
    %swap3A_3 = arith.constant 0 : index
    %swap3A_4 = vector.load %arg3[%swap3A, %swap3A_2, %swap3A_3] : memref<1x16x100000xf32, #tpu.memory_space<vmem>>, vector<1x16x100000xf32>
    %swap3A_5 = vector.shape_cast %swap3A_4 : vector<1x16x100000xf32> to vector<16x100000xf32>
    %swap3A_6 = vector.shape_cast %log3A : vector<16x100000xf32> to vector<1x16x100000xf32>
    tpu.vector_store %arg3[%swap3A, %swap3A_2, %swap3A_3], %swap3A_6 {strides = array<i32>} : memref<1x16x100000xf32, #tpu.memory_space<vmem>>, vector<1x16x100000xf32>,
    return
  }
  func.func @transform_0(%arg0: i32) -> (i32, i32) {
    %c0_i32 = arith.constant 0 : i32
    %c0_i32_0 = arith.constant 0 : i32
    return %arg0, %c0_i32 : i32, i32
  }
  func.func @transform_1(%arg0: i32) -> (i32, i32) {
    %c0_i32 = arith.constant 0 : i32
    %c0_i32_0 = arith.constant 0 : i32
    %c0_i32_1 = arith.constant 0 : i32
    return %c0_i32, %c0_i32_0 : i32, i32
  }
  func.func @transform_2(%arg0: i32) -> (i32, i32, i32) {
    %jit3A = arith.constant 2 : i32
    %div3A = arith.divsi %arg0, %jit3A : i32
    %sign3A = arith.constant 0 : i32
    %sign3A_0 = arith.cmpi sgt, %arg0, %sign3A : i32
    %sign3A_1 = arith.extui %sign3A_0 : i1 to i32
    %sign3A_2 = arith.constant 0 : i32
    %sign3A_3 = arith.cmpi slt, %arg0, %sign3A_2 : i32
    %sign3A_4 = arith.extui %sign3A_3 : i1 to i32
    %sign3A_5 = arith.subi %sign3A_1, %sign3A_4 : i32
    %sign3A_6 = arith.constant 0 : i32
    %sign3A_7 = arith.cmpi sgt, %jit3A, %sign3A_6 : i32
    %sign3A_8 = arith.extui %sign3A_7 : i1 to i32
    %sign3A_9 = arith.constant 0 : i32
    %sign3A_10 = arith.cmpi slt, %jit3A, %sign3A_9 : i32
    %sign3A_11 = arith.extui %sign3A_10 : i1 to i32
    %sign3A_12 = arith.subi %sign3A_8, %sign3A_11 : i32
    %ne3A = arith.cmpi ne, %sign3A_5, %sign3A_12 : i32
    %rem3A = arith.remsi %arg0, %jit3A : i32
    %ne3A_13 = arith.constant 0 : i32
    %ne3A_14 = arith.cmpi ne, %rem3A, %ne3A_13 : i32
    %and3A = arith.andi %ne3A, %ne3A_14 : i1
    %sub3A = arith.constant 1 : i32
    %sub3A_15 = arith.subi %div3A, %sub3A : i32
    %select_n3A = arith.select %and3A, %sub3A_15, %div3A : i32
    %add3A = arith.constant 0 : i32
    %add3A_16 = arith.addi %add3A, %select_n3A : i32
    %jit3A_17 = arith.constant 2 : i32
    %eq3A = arith.constant 0 : i32
    %eq3A_18 = arith.cmpi eq, %jit3A_17, %eq3A : i32
    %jit3A_19 = arith.constant 1 : i32
    %select_n3A_20 = arith.select %eq3A_18, %jit3A_19, %jit3A_17 : i32
    %rem3A_21 = arith.remsi %arg0, %select_n3A_20 : i32
    %ne3A_22 = arith.constant 0 : i32
    %ne3A_23 = arith.cmpi ne, %rem3A_21, %ne3A_22 : i32
    %lt3A = arith.constant 0 : i32
    %lt3A_24 = arith.cmpi slt, %rem3A_21, %lt3A : i32
    %lt3A_25 = arith.constant 0 : i32
    %lt3A_26 = arith.cmpi slt, %select_n3A_20, %lt3A_25 : i32
    %ne3A_27 = arith.xori %lt3A_24, %lt3A_26 : i1
    %and3A_28 = arith.andi %ne3A_27, %ne3A_23 : i1
    %add3A_29 = arith.addi %rem3A_21, %select_n3A_20 : i32
    %select_n3A_30 = arith.select %and3A_28, %add3A_29, %rem3A_21 : i32
    %c0_i32 = arith.constant 0 : i32
    %c0_i32_31 = arith.constant 0 : i32
    return %add3A_16, %select_n3A_30, %c0_i32 : i32, i32, i32
  }
}

module attributes {stable_mosaic.version = 14 : i64} {
  func.func @_stage4_body(%arg0: i32, %arg1: memref<16x100096xf32, #tpu.memory_space<vmem>>, %arg2: memref<8x32x100000xf32, #tpu.memory_space<any>>, %arg3: memref<1x16x100000xf32, #tpu.memory_space<vmem>>) attributes {dimension_semantics = [#tpu.dimension_semantics<arbitrary>], iteration_bounds = array<i64: 4>, scalar_prefetch = 0 : i64, scratch_operands = 0 : i64, tpu.core_type = #tpu.core_type<tc>, window_params = [{transform_indices = @transform_0, window_bounds = array<i64: 16, 100096>}, {}, {transform_indices = @transform_2, window_bounds = array<i64: 1, 16, 100000>}]} {
    %get3A = arith.constant 0 : index
    %get3A_0 = arith.constant 0 : index
    %get3A_1 = vector.load %arg1[%get3A, %get3A_0] : memref<16x100096xf32, #tpu.memory_space<vmem>>, vector<16x100000xf32>
    %log3A = math.log %get3A_1 : vector<16x100000xf32>
    %swap3A = arith.constant 0 : index
    %swap3A_2 = arith.constant 0 : index
    %swap3A_3 = arith.constant 0 : index
    %swap3A_4 = vector.load %arg3[%swap3A, %swap3A_2, %swap3A_3] : memref<1x16x100000xf32, #tpu.memory_space<vmem>>, vector<1x16x100000xf32>
    %swap3A_5 = vector.shape_cast %swap3A_4 : vector<1x16x100000xf32> to vector<16x100000xf32>
    %swap3A_6 = vector.shape_cast %log3A : vector<16x100000xf32> to vector<1x16x100000xf32>
    tpu.vector_store %arg3[%swap3A, %swap3A_2, %swap3A_3], %swap3A_6 {strides = array<i32>} : memref<1x16x100000xf32, #tpu.memory_space<vmem>>, vector<1x16x100000xf32>,
    return
  }
  func.func @transform_0(%arg0: i32) -> (i32, i32) {
    %c0_i32 = arith.constant 0 : i32
    %c0_i32_0 = arith.constant 0 : i32
    return %arg0, %c0_i32 : i32, i32
  }
  func.func @transform_2(%arg0: i32) -> (i32, i32, i32) {
    %jit3A = arith.constant 2 : i32
    %div3A = arith.divsi %arg0, %jit3A : i32
    %sign3A = arith.constant 0 : i32
    %sign3A_0 = arith.cmpi sgt, %arg0, %sign3A : i32
    %sign3A_1 = arith.extui %sign3A_0 : i1 to i32
    %sign3A_2 = arith.constant 0 : i32
    %sign3A_3 = arith.cmpi slt, %arg0, %sign3A_2 : i32
    %sign3A_4 = arith.extui %sign3A_3 : i1 to i32
    %sign3A_5 = arith.subi %sign3A_1, %sign3A_4 : i32
    %sign3A_6 = arith.constant 0 : i32
    %sign3A_7 = arith.cmpi sgt, %jit3A, %sign3A_6 : i32
    %sign3A_8 = arith.extui %sign3A_7 : i1 to i32
    %sign3A_9 = arith.constant 0 : i32
    %sign3A_10 = arith.cmpi slt, %jit3A, %sign3A_9 : i32
    %sign3A_11 = arith.extui %sign3A_10 : i1 to i32
    %sign3A_12 = arith.subi %sign3A_8, %sign3A_11 : i32
    %ne3A = arith.cmpi ne, %sign3A_5, %sign3A_12 : i32
    %rem3A = arith.remsi %arg0, %jit3A : i32
    %ne3A_13 = arith.constant 0 : i32
    %ne3A_14 = arith.cmpi ne, %rem3A, %ne3A_13 : i32
    %and3A = arith.andi %ne3A, %ne3A_14 : i1
    %sub3A = arith.constant 1 : i32
    %sub3A_15 = arith.subi %div3A, %sub3A : i32
    %select_n3A = arith.select %and3A, %sub3A_15, %div3A : i32
    %add3A = arith.constant 2 : i32
    %add3A_16 = arith.addi %add3A, %select_n3A : i32
    %jit3A_17 = arith.constant 2 : i32
    %eq3A = arith.constant 0 : i32
    %eq3A_18 = arith.cmpi eq, %jit3A_17, %eq3A : i32
    %jit3A_19 = arith.constant 1 : i32
    %select_n3A_20 = arith.select %eq3A_18, %jit3A_19, %jit3A_17 : i32
    %rem3A_21 = arith.remsi %arg0, %select_n3A_20 : i32
    %ne3A_22 = arith.constant 0 : i32
    %ne3A_23 = arith.cmpi ne, %rem3A_21, %ne3A_22 : i32
    %lt3A = arith.constant 0 : i32
    %lt3A_24 = arith.cmpi slt, %rem3A_21, %lt3A : i32
    %lt3A_25 = arith.constant 0 : i32
    %lt3A_26 = arith.cmpi slt, %select_n3A_20, %lt3A_25 : i32
    %ne3A_27 = arith.xori %lt3A_24, %lt3A_26 : i1
    %and3A_28 = arith.andi %ne3A_27, %ne3A_23 : i1
    %add3A_29 = arith.addi %rem3A_21, %select_n3A_20 : i32
    %select_n3A_30 = arith.select %and3A_28, %add3A_29, %rem3A_21 : i32
    %c0_i32 = arith.constant 0 : i32
    %c0_i32_31 = arith.constant 0 : i32
    return %add3A_16, %select_n3A_30, %c0_i32 : i32, i32, i32
  }
}

module attributes {stable_mosaic.version = 14 : i64} {
  func.func @_stage4_body(%arg0: i32, %arg1: memref<16x100096xf32, #tpu.memory_space<vmem>>, %arg2: memref<8x32x100000xf32, #tpu.memory_space<any>>, %arg3: memref<1x16x100000xf32, #tpu.memory_space<vmem>>) attributes {dimension_semantics = [#tpu.dimension_semantics<arbitrary>], iteration_bounds = array<i64: 4>, scalar_prefetch = 0 : i64, scratch_operands = 0 : i64, tpu.core_type = #tpu.core_type<tc>, window_params = [{transform_indices = @transform_0, window_bounds = array<i64: 16, 100096>}, {}, {transform_indices = @transform_2, window_bounds = array<i64: 1, 16, 100000>}]} {
    %get3A = arith.constant 0 : index
    %get3A_0 = arith.constant 0 : index
    %get3A_1 = vector.load %arg1[%get3A, %get3A_0] : memref<16x100096xf32, #tpu.memory_space<vmem>>, vector<16x100000xf32>
    %log3A = math.log %get3A_1 : vector<16x100000xf32>
    %swap3A = arith.constant 0 : index
    %swap3A_2 = arith.constant 0 : index
    %swap3A_3 = arith.constant 0 : index
    %swap3A_4 = vector.load %arg3[%swap3A, %swap3A_2, %swap3A_3] : memref<1x16x100000xf32, #tpu.memory_space<vmem>>, vector<1x16x100000xf32>
    %swap3A_5 = vector.shape_cast %swap3A_4 : vector<1x16x100000xf32> to vector<16x100000xf32>
    %swap3A_6 = vector.shape_cast %log3A : vector<16x100000xf32> to vector<1x16x100000xf32>
    tpu.vector_store %arg3[%swap3A, %swap3A_2, %swap3A_3], %swap3A_6 {strides = array<i32>} : memref<1x16x100000xf32, #tpu.memory_space<vmem>>, vector<1x16x100000xf32>,
    return
  }
  func.func @transform_0(%arg0: i32) -> (i32, i32) {
    %c0_i32 = arith.constant 0 : i32
    %c0_i32_0 = arith.constant 0 : i32
    return %arg0, %c0_i32 : i32, i32
  }
  func.func @transform_2(%arg0: i32) -> (i32, i32, i32) {
    %jit3A = arith.constant 2 : i32
    %div3A = arith.divsi %arg0, %jit3A : i32
    %sign3A = arith.constant 0 : i32
    %sign3A_0 = arith.cmpi sgt, %arg0, %sign3A : i32
    %sign3A_1 = arith.extui %sign3A_0 : i1 to i32
    %sign3A_2 = arith.constant 0 : i32
    %sign3A_3 = arith.cmpi slt, %arg0, %sign3A_2 : i32
    %sign3A_4 = arith.extui %sign3A_3 : i1 to i32
    %sign3A_5 = arith.subi %sign3A_1, %sign3A_4 : i32
    %sign3A_6 = arith.constant 0 : i32
    %sign3A_7 = arith.cmpi sgt, %jit3A, %sign3A_6 : i32
    %sign3A_8 = arith.extui %sign3A_7 : i1 to i32
    %sign3A_9 = arith.constant 0 : i32
    %sign3A_10 = arith.cmpi slt, %jit3A, %sign3A_9 : i32
    %sign3A_11 = arith.extui %sign3A_10 : i1 to i32
    %sign3A_12 = arith.subi %sign3A_8, %sign3A_11 : i32
    %ne3A = arith.cmpi ne, %sign3A_5, %sign3A_12 : i32
    %rem3A = arith.remsi %arg0, %jit3A : i32
    %ne3A_13 = arith.constant 0 : i32
    %ne3A_14 = arith.cmpi ne, %rem3A, %ne3A_13 : i32
    %and3A = arith.andi %ne3A, %ne3A_14 : i1
    %sub3A = arith.constant 1 : i32
    %sub3A_15 = arith.subi %div3A, %sub3A : i32
    %select_n3A = arith.select %and3A, %sub3A_15, %div3A : i32
    %add3A = arith.constant 4 : i32
    %add3A_16 = arith.addi %add3A, %select_n3A : i32
    %jit3A_17 = arith.constant 2 : i32
    %eq3A = arith.constant 0 : i32
    %eq3A_18 = arith.cmpi eq, %jit3A_17, %eq3A : i32
    %jit3A_19 = arith.constant 1 : i32
    %select_n3A_20 = arith.select %eq3A_18, %jit3A_19, %jit3A_17 : i32
    %rem3A_21 = arith.remsi %arg0, %select_n3A_20 : i32
    %ne3A_22 = arith.constant 0 : i32
    %ne3A_23 = arith.cmpi ne, %rem3A_21, %ne3A_22 : i32
    %lt3A = arith.constant 0 : i32
    %lt3A_24 = arith.cmpi slt, %rem3A_21, %lt3A : i32
    %lt3A_25 = arith.constant 0 : i32
    %lt3A_26 = arith.cmpi slt, %select_n3A_20, %lt3A_25 : i32
    %ne3A_27 = arith.xori %lt3A_24, %lt3A_26 : i1
    %and3A_28 = arith.andi %ne3A_27, %ne3A_23 : i1
    %add3A_29 = arith.addi %rem3A_21, %select_n3A_20 : i32
    %select_n3A_30 = arith.select %and3A_28, %add3A_29, %rem3A_21 : i32
    %c0_i32 = arith.constant 0 : i32
    %c0_i32_31 = arith.constant 0 : i32
    return %add3A_16, %select_n3A_30, %c0_i32 : i32, i32, i32
  }
}

module attributes {stable_mosaic.version = 14 : i64} {
  func.func @_stage4_body(%arg0: i32, %arg1: memref<16x100096xf32, #tpu.memory_space<vmem>>, %arg2: memref<8x32x100000xf32, #tpu.memory_space<any>>, %arg3: memref<1x16x100000xf32, #tpu.memory_space<vmem>>) attributes {dimension_semantics = [#tpu.dimension_semantics<arbitrary>], iteration_bounds = array<i64: 4>, scalar_prefetch = 0 : i64, scratch_operands = 0 : i64, tpu.core_type = #tpu.core_type<tc>, window_params = [{transform_indices = @transform_0, window_bounds = array<i64: 16, 100096>}, {}, {transform_indices = @transform_2, window_bounds = array<i64: 1, 16, 100000>}]} {
    %get3A = arith.constant 0 : index
    %get3A_0 = arith.constant 0 : index
    %get3A_1 = vector.load %arg1[%get3A, %get3A_0] : memref<16x100096xf32, #tpu.memory_space<vmem>>, vector<16x100000xf32>
    %log3A = math.log %get3A_1 : vector<16x100000xf32>
    %swap3A = arith.constant 0 : index
    %swap3A_2 = arith.constant 0 : index
    %swap3A_3 = arith.constant 0 : index
    %swap3A_4 = vector.load %arg3[%swap3A, %swap3A_2, %swap3A_3] : memref<1x16x100000xf32, #tpu.memory_space<vmem>>, vector<1x16x100000xf32>
    %swap3A_5 = vector.shape_cast %swap3A_4 : vector<1x16x100000xf32> to vector<16x100000xf32>
    %swap3A_6 = vector.shape_cast %log3A : vector<16x100000xf32> to vector<1x16x100000xf32>
    tpu.vector_store %arg3[%swap3A, %swap3A_2, %swap3A_3], %swap3A_6 {strides = array<i32>} : memref<1x16x100000xf32, #tpu.memory_space<vmem>>, vector<1x16x100000xf32>,
    return
  }
  func.func @transform_0(%arg0: i32) -> (i32, i32) {
    %c0_i32 = arith.constant 0 : i32
    %c0_i32_0 = arith.constant 0 : i32
    return %arg0, %c0_i32 : i32, i32
  }
  func.func @transform_2(%arg0: i32) -> (i32, i32, i32) {
    %jit3A = arith.constant 2 : i32
    %div3A = arith.divsi %arg0, %jit3A : i32
    %sign3A = arith.constant 0 : i32
    %sign3A_0 = arith.cmpi sgt, %arg0, %sign3A : i32
    %sign3A_1 = arith.extui %sign3A_0 : i1 to i32
    %sign3A_2 = arith.constant 0 : i32
    %sign3A_3 = arith.cmpi slt, %arg0, %sign3A_2 : i32
    %sign3A_4 = arith.extui %sign3A_3 : i1 to i32
    %sign3A_5 = arith.subi %sign3A_1, %sign3A_4 : i32
    %sign3A_6 = arith.constant 0 : i32
    %sign3A_7 = arith.cmpi sgt, %jit3A, %sign3A_6 : i32
    %sign3A_8 = arith.extui %sign3A_7 : i1 to i32
    %sign3A_9 = arith.constant 0 : i32
    %sign3A_10 = arith.cmpi slt, %jit3A, %sign3A_9 : i32
    %sign3A_11 = arith.extui %sign3A_10 : i1 to i32
    %sign3A_12 = arith.subi %sign3A_8, %sign3A_11 : i32
    %ne3A = arith.cmpi ne, %sign3A_5, %sign3A_12 : i32
    %rem3A = arith.remsi %arg0, %jit3A : i32
    %ne3A_13 = arith.constant 0 : i32
    %ne3A_14 = arith.cmpi ne, %rem3A, %ne3A_13 : i32
    %and3A = arith.andi %ne3A, %ne3A_14 : i1
    %sub3A = arith.constant 1 : i32
    %sub3A_15 = arith.subi %div3A, %sub3A : i32
    %select_n3A = arith.select %and3A, %sub3A_15, %div3A : i32
    %add3A = arith.constant 6 : i32
    %add3A_16 = arith.addi %add3A, %select_n3A : i32
    %jit3A_17 = arith.constant 2 : i32
    %eq3A = arith.constant 0 : i32
    %eq3A_18 = arith.cmpi eq, %jit3A_17, %eq3A : i32
    %jit3A_19 = arith.constant 1 : i32
    %select_n3A_20 = arith.select %eq3A_18, %jit3A_19, %jit3A_17 : i32
    %rem3A_21 = arith.remsi %arg0, %select_n3A_20 : i32
    %ne3A_22 = arith.constant 0 : i32
    %ne3A_23 = arith.cmpi ne, %rem3A_21, %ne3A_22 : i32
    %lt3A = arith.constant 0 : i32
    %lt3A_24 = arith.cmpi slt, %rem3A_21, %lt3A : i32
    %lt3A_25 = arith.constant 0 : i32
    %lt3A_26 = arith.cmpi slt, %select_n3A_20, %lt3A_25 : i32
    %ne3A_27 = arith.xori %lt3A_24, %lt3A_26 : i1
    %and3A_28 = arith.andi %ne3A_27, %ne3A_23 : i1
    %add3A_29 = arith.addi %rem3A_21, %select_n3A_20 : i32
    %select_n3A_30 = arith.select %and3A_28, %add3A_29, %rem3A_21 : i32
    %c0_i32 = arith.constant 0 : i32
    %c0_i32_31 = arith.constant 0 : i32
    return %add3A_16, %select_n3A_30, %c0_i32 : i32, i32, i32
  }
}

</mosaic_0001>

<sc_bundles>
// kernel: kernel.15.cloned.1.call-start
scs
__scs_entry_jumppad:
0x0: {  	(pc) =	sbr.rel $0x88, $3  }
0x1: {  	(tag) =	ssettag $0x0;
	lr =	simm.s32 $0x1  }
0x2: {  	[smem:$0x3F9B] =	sst lr;
	_ =	strace $0xD0000000  }
0x3: {  	_ = 	snop  }
0x4: {  	_ = 	snop  }
0x5: {  	_ = 	snop  }
0x6: {  	_ = 	snop  }
0x7: {  	_ = 	snop  }
__scs_overlays_trampoline_lowered:
0x8: {  	[smem:$0x3FAA] =	sst s0  }
0x9: {  	[smem:$0x3FAB] =	sst s1  }
0xa: {  	[smem:$0x3FAC] =	sst s2  }
0xb: {  	[smem:$0x3FAD] =	sst s3  }
0xc: {  	[smem:$0x3FAE] =	sst s4  }
0xd: {  	[smem:$0x3FAF] =	sst s5  }
0xe: {  	[smem:$0x3FB0] =	sst s6  }
0xf: {  	[smem:$0x3FB1] =	sst s7  }
0x10: {  	[smem:$0x3FB2] =	sst s8  }
0x11: {  	[smem:$0x3FB3] =	sst s9;
	s0 =	simm.s32 @!p0 $0x0  }
0x12: {  	s1 =	sld [smem:$0x3F99];
	s0 =	simm.s32 @p0 $0x1  }
0x13: {  	[smem:$0x3FB4] =	sst s0;
	s0 =	simm.s32 @!p1 $0x0  }
0x14: {  	s2 =	sld [smem:$0x3F98];
	s0 =	simm.s32 @p1 $0x1  }
0x15: {  	[smem:$0x3FB5] =	sst s0;
	s0 =	simm.s32 @!p2 $0x0  }
0x16: {  	s3 =	sld [smem:$0x3FDB];
	s0 =	simm.s32 @p2 $0x1  }
0x17: {  	s4 =	simm.s32 $0x1BF5;
	[smem:$0x3FB7] =	sst s0  }
0x18: {  	s0 =	sld [smem:$0x3F9A];
	_ =	swait.ge [sflag:s4], $0x0  }
0x19: {  	s7 =	sld [smem:$0x3F9B]  }
0x1a: {  	s8 =	sadd.s32 $0xFFFFE003, lr  }
0x1b: {  	s9 =	sadd.s32 $0xFFFFFEF7, lr;
	s5 =	simm.s32 $0xFFFFFFFF;
	p2 =	slt.u32 s8, $0xFFFFF086  }
0x1c: {  	p1 =	slt.u32 s9, $0xF7A;
	s5 =	simm.s32 @!p2 $0x0  }
0x1d: {  	s5 =	simm.s32 @p1 $0x1;
	p0 =	seq.s32 s7, s2  }
0x1e: {  	s7 =	smul.u32 @!p0 $0xF7A, s2;
	p2 =	seq.s32 @!p0 s5, $0x0  }
0x1f: {  	s9 =	smul.u32 $0xF7A, s1;
	s8 =	simm.s32 @!p0 $0x1BF5;
	p2 =	por !p2, p0  }
0x20: {  	[sflag:s8] =	ssyncset.s32 @!p0 $0xFFFFF086;
	s6 =	sadd.s32 @!p0 s3, s7;
	s7 =	simm.s32 @!p0 $0x108  }
0x21: {  	s3 =	sadd.s32 s3, s9;
	s6 =	sadd.s32 @!p0 $0x88, s6;
	s7 =	simm.s32 @p2 $0x1082  }
0x22: {  	[simem:s7], [sflag:s8] =	dma.local @!p0 [hbm:s6], $0xF7A  }
0x23: {  	s9 =	sor.u32 $0xD0000000, s2;
	s6 =	simm.s32 $0x108;
	_ =	swait.ge @!p0 [sflag:s8], $0x0  }
0x24: {  	s3 =	sadd.s32 $0x88, s3;
	s6 =	simm.s32 @!p1 $0x1082;
	[sflag:s4] =	ssyncset.s32 $0xFFFFF086  }
0x25: {  	[simem:s6], [sflag:s4] =	dma.local [hbm:s3], $0xF7A  }
0x26: {  	[smem:$0x3F9B] =	sst s1;
	(tag) =	ssettag s2;
	_ =	strace s9  }
0x27: {  	s1 =	sld [smem:$0x3FAB]  }
0x28: {  	s2 =	sld [smem:$0x3FAC]  }
0x29: {  	s4 =	sld [smem:$0x3FAE]  }
0x2a: {  	p0 =	seq.s32 s5, $0x0;
	s5 =	sld [smem:$0x3FAF]  }
0x2b: {  	s6 =	sld [smem:$0x3FB0]  }
0x2c: {  	s7 =	sld [smem:$0x3FB1]  }
0x2d: {  	s3 =	simm.s32 $0x108;
	s8 =	sld [smem:$0x3FB2]  }
0x2e: {  	s3 =	simm.s32 @!p0 $0x1082;
	s9 =	sld [smem:$0x3FB3]  }
0x2f: {  	lr =	sadd.s32 s0, s3;
	s0 =	sld [smem:$0x3FAA]  }
0x30: {  	s3 =	sld [smem:$0x3FAD]  }
0x31: {  	[smem:$0x3FB6] =	sst s10  }
0x32: {  	s10 =	sld [smem:$0x3FB4];
	_ =	sdelay $0x3  }
0x33: {  	p0 =	seq.s32 s10, $0x1;
	s10 =	sld [smem:$0x3FB6];
	_ =	sdelay $0x3  }
0x34: {  	[smem:$0x3FB6] =	sst s10  }
0x35: {  	s10 =	sld [smem:$0x3FB5];
	_ =	sdelay $0x3  }
0x36: {  	p1 =	seq.s32 s10, $0x1;
	s10 =	sld [smem:$0x3FB6];
	_ =	sdelay $0x3  }
0x37: {  	[smem:$0x3FB6] =	sst s10  }
0x38: {  	s10 =	sld [smem:$0x3FB7]  }
0x39: {  	_ = 	snop;
	(pc) =	sbr.ind lr, $3  }
0x3a: {  	_ = 	snop  }
0x3b: {  	_ = 	snop  }
0x3c: {  	p2 =	seq.s32 s10, $0x1;
	s10 =	sld [smem:$0x3FB6]  }
0x3d: {  	_ =	shalt  }
0x3e: {  	_ =	shalt  }
0x3f: {  	_ =	shalt  }
0x40: {  	_ =	shalt  }
0x41: {  	_ =	shalt  }
0x42: {  	_ =	shalt  }
0x43: {  	_ =	shalt  }
0x44: {  	_ =	shalt  }
0x45: {  	_ =	shalt  }
0x46: {  	_ =	shalt  }
0x47: {  	_ =	shalt  }
0x48: {  	_ =	shalt  }
0x49: {  	_ =	shalt  }
0x4a: {  	_ =	shalt  }
0x4b: {  	_ =	shalt  }
0x4c: {  	_ =	shalt  }
0x4d: {  	_ =	shalt  }
0x4e: {  	_ =	shalt  }
0x4f: {  	_ =	shalt  }
0x50: {  	_ =	shalt  }
0x51: {  	_ =	shalt  }
0x52: {  	_ =	shalt  }
0x53: {  	_ =	shalt  }
0x54: {  	_ =	shalt  }
0x55: {  	_ =	shalt  }
0x56: {  	_ =	shalt  }
0x57: {  	_ =	shalt  }
0x58: {  	_ =	shalt  }
0x59: {  	_ =	shalt  }
0x5a: {  	_ =	shalt  }
0x5b: {  	_ =	shalt  }
0x5c: {  	_ =	shalt  }
0x5d: {  	_ =	shalt  }
0x5e: {  	_ =	shalt  }
0x5f: {  	_ =	shalt  }
0x60: {  	_ =	shalt  }
0x61: {  	_ =	shalt  }
0x62: {  	_ =	shalt  }
0x63: {  	_ =	shalt  }
0x64: {  	_ =	shalt  }
0x65: {  	_ =	shalt  }
0x66: {  	_ =	shalt  }
0x67: {  	_ =	shalt  }
0x68: {  	_ =	shalt  }
0x69: {  	_ =	shalt  }
0x6a: {  	_ =	shalt  }
0x6b: {  	_ =	shalt  }
0x6c: {  	_ =	shalt  }
0x6d: {  	_ =	shalt  }
0x6e: {  	_ =	shalt  }
0x6f: {  	_ =	shalt  }
0x70: {  	_ =	shalt  }
0x71: {  	_ =	shalt  }
0x72: {  	_ =	shalt  }
0x73: {  	_ =	shalt  }
0x74: {  	_ =	shalt  }
0x75: {  	_ =	shalt  }
0x76: {  	_ =	shalt  }
0x77: {  	_ =	shalt  }
0x78: {  	_ =	shalt  }
0x79: {  	_ =	shalt  }
0x7a: {  	_ =	shalt  }
0x7b: {  	_ =	shalt  }
0x7c: {  	_ =	shalt  }
0x7d: {  	_ =	shalt  }
0x7e: {  	_ =	shalt  }
0x7f: {  	_ =	shalt  }
0x80: {  	_ =	shalt  }
0x81: {  	_ =	shalt  }
0x82: {  	_ =	shalt  }
0x83: {  	_ =	shalt  }
0x84: {  	_ =	shalt  }
0x85: {  	_ =	shalt  }
0x86: {  	_ =	shalt  }
0x87: {  	_ =	shalt  }
.Lfunc_end0:
.L_simem_size_0:
called_computation_lowered:
.L_overlay_start_0:
0x88: {  	s2 =	sld [smem:$0x3FD9]  }
0x89: {  	s3 =	sld [smem:$0x3FFE];
	_ =	sdelay $0x1  }
0x8a: {  	s1 =	srdreg.scid  }
0x8b: {  	s0 =	sand.u32 $0x1, s1  }
0x8c: {  	s17 =	sshll.u32 s0, $0xA;
	s2 =	sadd.s32 s3, s2  }
0x8d: {  	s2 =	sadd.s32 s2, s17  }
0x8e: {  	[smem:$0x3FC2] =	sst s2  }
0x8f: {  	_ = 	snop  }
0x90: {  	s2 =	sld [smem:$0x3FC6];
	(tm) =	ssettm $0x1  }
0x91: {  	s18 =	sld [smem:$0x3FFB];
	_ =	sdelay $0x3  }
0x92: {  	_ =	strace s18  }
0x93: {  	s3 =	sld [smem:$0x3FFC];
	_ =	sdelay $0x3  }
0x94: {  	_ =	strace s3  }
0x95: {  	s3 =	sld [smem:$0x3FFD];
	_ =	sdelay $0x3  }
0x96: {  	_ =	strace s3  }
0x97: {  	_ =	strace $0x8FFFFFFF  }
0x98: {  	s19 =	sld [smem:$0x3FDB];
	_ =	sdelay $0x1  }
0x99: {  	s4 =	simm.s32 $_scs_section_size  }
0x9a: {  	s5 =	simm.s32 $_size__tile_overlayer_lowered;
	s6 =	simm.s32 $_tile_overlayer_lowered  }
0x9b: {  	s22 =	simm.s32 $0x1BFF;
	s21 =	sshll.u32 s6, $0x1;
	s3 =	sadd.s32 s4, s19  }
0x9c: {  	s7 =	simm.s32 $0x0;
	s20 =	sshll.u32 s5, $0x1;
	s5 =	sadd.s32 s21, s3  }
0x9d: {  	[timem:s7], [sflag:s22] =	dma.local [hbm:s5], s20  }
0x9e: {  	_ =	swait.ge [sflag:s22], s20  }
0x9f: {  	s4 =	ssub.s32 $0x0, s20;
	[sflag:s22] =	ssyncset.done $0x0  }
0xa0: {  	[sflag:s22] =	ssyncadd.s32 s4;
	_ =	sdelay $0x1  }
0xa1: {  	s23 =	simm.s32 $0x1B8B  }
0xa2: {  	_ =	swait.ge [sflag:s23], $0x1  }
0xa3: {  	[sflag:s23] =	ssyncset.done $0x0  }
0xa4: {  	s25 =	simm.s32 $0x1B8E;
	s24 =	sld [smem:$0x3FFE];
	[sflag:s23] =	ssyncadd.s32 $0xFFFFFFFF  }
0xa5: {  	s26 =	simm.s32 $execute0_lowered;
	[smem:$0x3FD2] =	sst s25  }
0xa6: {  	s5 =	sshll.u32 s26, $0x1;
	_ =	strace $0x80000046;
	[dreg:$0x1] =	wrdreg $0xFFFFFFFF  }
0xa7: {  	s28 =	simm.s32 $_size_execute0_lowered;
	s3 =	sadd.s32 s3, s5;
	[dreg:$0x0] =	wrdreg $0x0  }
0xa8: {  	s5 =	sshll.u32 s28, $0x1;
	[dreg:$0x2] =	wrdreg s3  }
0xa9: {  	[dreg:$0x3] =	wrdreg s5  }
0xaa: {  	[dreg:$0x4] =	wrdreg $0xC0  }
0xab: {  	_ =	task [dreg:s7], $0x5FFFF  }
0xac: {  	[dreg:$0x1] =	wrdreg $0xFFFFFFFF  }
0xad: {  	[dreg:$0x0] =	wrdreg $0x60  }
0xae: {  	[dreg:$0x2] =	wrdreg s2  }
0xaf: {  	[dreg:$0x3] =	wrdreg s24  }
0xb0: {  	[dreg:$0x4] =	wrdreg $0x9  }
0xb1: {  	_ =	task.clear_ibuf [dreg:s7], $0x5FFFF;
	_ =	strace $0x90000046  }
0xb2: {  	s29 =	simm.s32 $0x9;
	_ =	strace $0x80000048  }
0xb3: {  	_ =	swait.ge [sflag:s29], $0x1  }
0xb4: {  	[sflag:s29] =	ssyncadd.s32 $0xFFFFFFFF  }
0xb5: {  	_ =	strace $0x90000048  }
0xb6: {  	_ =	sfence  }
0xb7: {  	s30 =	sld [smem:$0x0];
	_ =	sdelay $0x2  }
0xb8: {  	s31 =	sshll.u32 s1, $0xD;
	s1 =	sshrl.u32 s1, $0x2  }
0xb9: {  	s3 =	sand.u32 $0x4000, s31;
	s1 =	sadd.s32 s1, s30  }
0xba: {  	s0 =	sor.u32 s3, s0;
	s1 =	sshll.u32 s1, $0x11  }
0xbb: {  	s0 =	sor.u32 s1, s0  }
0xbc: {  	s0 =	sadd.s32 $0x8F2B, s0  }
0xbd: {  	[sflag:s0] =	ssyncadd.remote.s32 $0x1  }
0xbe: {  	_ =	sfence.sel $0xFFFF  }
0xbf: {  	[dreg:$0x0] =	wrdreg $0xFFFFFFFF;
	(pc) =	sbr.abs _section_cstart, $3  }
0xc0: {  	[dreg:$0x1] =	wrdreg $0xFFFFFFFF  }
0xc1: {  	_ =	task.clear_ibuf [dreg:s7], $0x2FFFF;
	_ =	strace $0x9FFFFFFF  }
0xc2: {  	(tm) =	ssettm $0x7FFFFFFF  }
0xc3: {  	_ =	shalt  }
tec
execute0_lowered:
.L_overlay_start_1:
0x0: {  	(tag) =	ssettag $0x1  }
0x1: {  	s4 =	rddreg [dreg:$0x0]  }
0x2: {  	s3 =	rddreg [dreg:$0x1];
	s2 =	srdreg.scid  }
0x3: {  	s1 =	stileid.u32;
	s0 =	rddreg [dreg:$0x2];
	s13 =	simm.s32 $0x5  }
0x4: {  	s14 =	simm.s32 $0x80;
	s15 =	simm.s32 $0x6;
	s16 =	simm.s32 $0xC380  }
0x5: {  	s17 =	simm.s32 $0x1;
	s18 =	simm.s32 $0x3;
	s19 =	simm.s32 $0x2  }
0x6: {  	s20 =	simm.s32 $0x4;
	s21 =	simm.s32 $0x0;
	s5 =	sand.u32 $0x1, s2  }
0x7: {  	s23 =	sshll.u32 s1, $0x9;
	s6 =	sshrl.u32 s1, $0x1;
	s2 =	simm.s32 $0x0  }
0x8: {  	s10 =	sadd.s32 $0x11400, s3;
	s25 =	sshll.u32 s1, $0x1;
	s7 =	sshll.u32 s5, $0x8  }
0x9: {  	s8 =	sand.u32 $0x200, s23;
	s24 =	sshll.u32 s6, $0xE;
	[smem:$0x7FF] =	sst s2  }
0xa: {  	s5 =	ssub.s32 $0x2, s5;
	s6 =	smul.u32 $0xC3800, s6;
	s7 =	sor.u32 s7, s8  }
0xb: {  	_ =	strace $0x80000047;
	s9 =	sshrl.u32 s5, $0x1;
	s8 =	sor.u32 s24, s7  }
0xc: {  	s9 =	ssub.s32 s5, s9;
	s5 =	sand.u32 $0x10, s25;
	s26 =	sor.u32 s6, s7  }
0xd: {  	s29 =	sadd.s32 $0x61C00, s6;
	s8 =	sshrl.u32 s8, $0x3;
	s4 =	sadd.s32 s4, s5  }
0xe: {  	s28 =	sshrl.u32 s26, $0x3;
	s11 =	sor.u32 s7, s29;
	s7 =	sor.u32 $0x80, s7  }
0xf: {  	s9 =	smax.u32 s9, $0x1;
	s8 =	sadd.s32 s8, s3;
	s5 =	sadd.s32 s10, s28  }
0x10: {  	s11 =	sshrl.u32 s11, $0x3;
	s12 =	sor.u32 s6, s7;
	s7 =	sor.u32 s29, s7  }
0x11: {  	s3 =	sadd.s32 $0x1400, s8;
	s6 =	sadd.s32 s10, s11;
	s30 =	sshrl.u32 s12, $0x3  }
0x12: {  	s31 =	sshrl.u32 s7, $0x3;
	s11 =	simm.s32 $0x400;
	s12 =	simm.s32 $0x18F00  }
0x13: {  	s7 =	sadd.s32 s10, s30;
	s8 =	sadd.s32 s10, s31;
	s10 =	simm.s32 $0x100  }
.LBB2_1:
0x14: {  	[tilespmem:s12], [sflag:$0x5] =	stream.strided.gather [hbm4b:s3+s10], $0x1000, s11, s10, $0x38;
	[tilespmem:$0x19F00] =	vst v63  }
0x15: {  	_ =	swait.ge [sflag:s13], $0x1000  }
0x16: {  	[sflag:s13] =	ssyncset.done $0x0  }
0x17: {  	s22 =	simm.s32 $0x18700;
	[sflag:s13] =	ssyncadd.s32 $0xFFFFF000  }
0x18: {  	[tilespmem:s22], [sflag:$0x6] =	stream.strided.gather [hbm4b:s4+s14], $0x800, s11, s14, $0x38;
	[tilespmem:$0x19F00] =	vst v63  }
0x19: {  	_ =	swait.ge [sflag:s15], $0x800  }
0x1a: {  	[sflag:s15] =	ssyncset.done $0x0  }
0x1b: {  	[sflag:s15] =	ssyncadd.s32 $0xFFFFF800  }
0x1c: {  	[tilespmem:s2], [sflag:$0x1] =	stream.strided.gather [hbm4b:s5+s14], $0xC380, s11, s14, $0x38;
	[tilespmem:$0x19F00] =	vst v63  }
0x1d: {  	_ = 	snop  }
0x1e: {  	[tilespmem:s16], [sflag:$0x2] =	stream.strided.gather [hbm4b:s6+s14], $0xC380, s11, s14, $0x38;
	[tilespmem:$0x19F00] =	vst v63  }
0x1f: {  	_ =	swait.ge [sflag:s17], $0xC380  }
0x20: {  	[sflag:s17] =	ssyncset.done $0x0  }
0x21: {  	[sflag:s17] =	ssyncadd.s32 $0xFFFF3C80  }
0x22: {  	v0 =	vld [tilespmem:s22+$0x0];
	_ =	sdelay $0x3  }
0x23: {  	s31 =	sand.u32 $0x70, s2;
	s23 =	sand.u32 $0xF00, s2  }
0x24: {  	s22 =	sor.u32 s31, s23;
	vm0 =	vlt.u32 v0, $0xC380  }
0x25: {  	v1 =	vld [tilespmem:s22+$0x18F00];
	v0 =	vnsel vm0, $0x0, v0;
	_ =	sdelay $0x4  }
0x26: {  	s22 =	simm.s32 $0x18710;
	[tilespmem:v0+s2+$0x0] =	vst.idx.add.f32.msk vm0, v1  }
0x27: {  	s25 =	simm.s32 $0x20;
	s24 =	simm.s32 $0x0;
	s23 =	simm.s32 $0x10;
	v0 =	vld [tilespmem:s22+$0x0]  }
.LBB2_2:
0x28: {  	p0 =	sne.s32 s25, $0x7F0;
	_ =	sdelay $0x1  }
0x29: {  	s24 =	sadd.s32 $0x20, s24  }
0x2a: {  	s26 =	sand.u32 $0x70, s23;
	s23 =	smov.u32 s25;
	s28 =	sand.u32 $0xF00, s24  }
0x2b: {  	s26 =	sor.u32 s26, s28;
	vm0 =	vlt.u32 v0, $0xC380  }
0x2c: {  	v1 =	vld [tilespmem:s26+$0x18F00];
	v0 =	vnsel vm0, $0x0, v0;
	_ =	sdelay $0x1  }
.Ltmp0:
0x2d: {  	(pc) =	sbr.rel @p0 .LBB2_2-.Ltmp0, $3  }
0x2e: {  	_ =	sdelay $0x1  }
0x2f: {  	s22 =	sadd.s32 $0x10, s22;
	[tilespmem:v0+s2+$0x0] =	vst.idx.add.f32.msk vm0, v1  }
0x30: {  	s25 =	sadd.s32 $0x10, s25;
	v0 =	vld [tilespmem:s22+$0x0]  }
0x31: {  	_ =	sdelay $0x1  }
0x32: {  	s22 =	sadd.s32 $0x20, s24  }
0x33: {  	s23 =	sand.u32 $0x70, s23;
	s22 =	sand.u32 $0xF00, s22  }
0x34: {  	s22 =	sor.u32 s23, s22;
	vm0 =	vlt.u32 v0, $0xC380  }
0x35: {  	v1 =	vld [tilespmem:s22+$0x18F00];
	v0 =	vnsel vm0, $0x0, v0;
	_ =	sdelay $0x4  }
0x36: {  	s22 =	simm.s32 $0x0;
	[tilespmem:v0+s2+$0x0] =	vst.idx.add.f32.msk vm0, v1  }
0x37: {  	[hbm4b:s5+s14] =	stream.strided.scatter [tilespmem:s22], [sflag:$0x3], $0xC380, s11, s14, $0x38;
	[tilespmem:$0x19F00] =	vst v63  }
0x38: {  	_ =	swait.ge [sflag:s18], $0xC380  }
0x39: {  	[sflag:s18] =	ssyncset.done $0x0  }
0x3a: {  	[sflag:s18] =	ssyncadd.s32 $0xFFFF3C80  }
0x3b: {  	[tilespmem:s22], [sflag:$0x1] =	stream.strided.gather [hbm4b:s7+s14], $0xC380, s11, s14, $0x38;
	[tilespmem:$0x19F00] =	vst v63  }
0x3c: {  	_ =	swait.ge [sflag:s19], $0xC380  }
0x3d: {  	[sflag:s19] =	ssyncset.done $0x0  }
0x3e: {  	s29 =	simm.s32 $0x18700;
	[sflag:s19] =	ssyncadd.s32 $0xFFFF3C80  }
0x3f: {  	v0 =	vld [tilespmem:s29+$0x0];
	_ =	sdelay $0x4  }
0x40: {  	s30 =	sand.u32 $0x70, s22;
	s31 =	sand.u32 $0xF00, s22;
	v0 =	vadd.s32 $0xFFFF3C80, v0  }
0x41: {  	s23 =	sor.u32 s30, s31;
	vm15 =	vlt.u32 v0, $0xC380  }
0x42: {  	v1 =	vld [tilespmem:s23+$0x18F00];
	v0 =	vnsel vm15, $0x0, v0;
	_ =	sdelay $0x4  }
0x43: {  	s23 =	simm.s32 $0x18710;
	[tilespmem:v0+s16+$0x0] =	vst.idx.add.f32.msk vm15, v1  }
0x44: {  	s24 =	simm.s32 $0x10;
	s25 =	simm.s32 $0x20;
	v0 =	vld [tilespmem:s23+$0x0]  }
.LBB2_4:
0x45: {  	p0 =	sne.s32 s25, $0x7F0;
	_ =	sdelay $0x2  }
0x46: {  	s22 =	sadd.s32 $0x20, s22  }
0x47: {  	s26 =	sand.u32 $0x70, s24;
	s24 =	smov.u32 s25;
	s28 =	sand.u32 $0xF00, s22;
	v0 =	vadd.s32 $0xFFFF3C80, v0  }
0x48: {  	s26 =	sor.u32 s26, s28;
	vm0 =	vlt.u32 v0, $0xC380  }
0x49: {  	v1 =	vld [tilespmem:s26+$0x18F00];
	v0 =	vnsel vm0, $0x0, v0;
	_ =	sdelay $0x1  }
.Ltmp1:
0x4a: {  	(pc) =	sbr.rel @p0 .LBB2_4-.Ltmp1, $3  }
0x4b: {  	_ =	sdelay $0x1  }
0x4c: {  	s23 =	sadd.s32 $0x10, s23;
	[tilespmem:v0+s16+$0x0] =	vst.idx.add.f32.msk vm0, v1  }
0x4d: {  	s25 =	sadd.s32 $0x10, s25;
	v0 =	vld [tilespmem:s23+$0x0]  }
0x4e: {  	_ =	sdelay $0x2  }
0x4f: {  	s22 =	sadd.s32 $0x20, s22  }
0x50: {  	s23 =	sand.u32 $0x70, s24;
	s22 =	sand.u32 $0xF00, s22;
	v0 =	vadd.s32 $0xFFFF3C80, v0  }
0x51: {  	s22 =	sor.u32 s23, s22;
	vm0 =	vlt.u32 v0, $0xC380  }
0x52: {  	v1 =	vld [tilespmem:s22+$0x18F00];
	v0 =	vnsel vm0, $0x0, v0;
	_ =	sdelay $0x4  }
0x53: {  	[tilespmem:v0+s16+$0x0] =	vst.idx.add.f32.msk vm0, v1  }
0x54: {  	[hbm4b:s6+s14] =	stream.strided.scatter [tilespmem:s16], [sflag:$0x4], $0xC380, s11, s14, $0x38;
	[tilespmem:$0x19F00] =	vst v63  }
0x55: {  	_ =	swait.ge [sflag:s20], $0xC380  }
0x56: {  	[sflag:s20] =	ssyncset.done $0x0  }
0x57: {  	[sflag:s20] =	ssyncadd.s32 $0xFFFF3C80  }
0x58: {  	[tilespmem:s16], [sflag:$0x2] =	stream.strided.gather [hbm4b:s8+s14], $0xC380, s11, s14, $0x38;
	[tilespmem:$0x19F00] =	vst v63  }
0x59: {  	_ =	swait.ge [sflag:s17], $0xC380  }
0x5a: {  	[sflag:s17] =	ssyncset.done $0x0  }
0x5b: {  	s29 =	simm.s32 $0x18700;
	[sflag:s17] =	ssyncadd.s32 $0xFFFF3C80  }
0x5c: {  	v0 =	vld [tilespmem:s29+$0x0];
	_ =	sdelay $0x2  }
0x5d: {  	s22 =	simm.s32 $0x0  }
0x5e: {  	s30 =	sand.u32 $0x70, s22;
	s31 =	sand.u32 $0xF00, s22  }
0x5f: {  	s23 =	sor.u32 s30, s31;
	vm15 =	vlt.u32 v0, $0xC380  }
0x60: {  	v1 =	vld [tilespmem:s23+$0x18F80];
	v0 =	vnsel vm15, $0x0, v0;
	_ =	sdelay $0x4  }
0x61: {  	s23 =	simm.s32 $0x18710;
	[tilespmem:v0+s2+$0x0] =	vst.idx.add.f32.msk vm15, v1  }
0x62: {  	s24 =	simm.s32 $0x10;
	s25 =	simm.s32 $0x20;
	v0 =	vld [tilespmem:s23+$0x0]  }
.LBB2_6:
0x63: {  	p0 =	sne.s32 s25, $0x7F0;
	_ =	sdelay $0x1  }
0x64: {  	s22 =	sadd.s32 $0x20, s22  }
0x65: {  	s26 =	sand.u32 $0x70, s24;
	s24 =	smov.u32 s25;
	s28 =	sand.u32 $0xF00, s22  }
0x66: {  	s26 =	sor.u32 s26, s28;
	vm0 =	vlt.u32 v0, $0xC380  }
0x67: {  	v1 =	vld [tilespmem:s26+$0x18F80];
	v0 =	vnsel vm0, $0x0, v0;
	_ =	sdelay $0x1  }
.Ltmp2:
0x68: {  	(pc) =	sbr.rel @p0 .LBB2_6-.Ltmp2, $3  }
0x69: {  	_ =	sdelay $0x1  }
0x6a: {  	s23 =	sadd.s32 $0x10, s23;
	[tilespmem:v0+s2+$0x0] =	vst.idx.add.f32.msk vm0, v1  }
0x6b: {  	s25 =	sadd.s32 $0x10, s25;
	v0 =	vld [tilespmem:s23+$0x0]  }
0x6c: {  	_ =	sdelay $0x1  }
0x6d: {  	s22 =	sadd.s32 $0x20, s22  }
0x6e: {  	s23 =	sand.u32 $0x70, s24;
	s22 =	sand.u32 $0xF00, s22  }
0x6f: {  	s22 =	sor.u32 s23, s22;
	vm0 =	vlt.u32 v0, $0xC380  }
0x70: {  	v1 =	vld [tilespmem:s22+$0x18F80];
	v0 =	vnsel vm0, $0x0, v0;
	_ =	sdelay $0x4  }
0x71: {  	s22 =	simm.s32 $0x0;
	[tilespmem:v0+s2+$0x0] =	vst.idx.add.f32.msk vm0, v1  }
0x72: {  	[hbm4b:s7+s14] =	stream.strided.scatter [tilespmem:s22], [sflag:$0x3], $0xC380, s11, s14, $0x38;
	[tilespmem:$0x19F00] =	vst v63  }
0x73: {  	_ =	swait.ge [sflag:s19], $0xC380  }
0x74: {  	[sflag:s19] =	ssyncset.done $0x0  }
0x75: {  	s29 =	simm.s32 $0x18700;
	[sflag:s19] =	ssyncadd.s32 $0xFFFF3C80  }
0x76: {  	v0 =	vld [tilespmem:s29+$0x0];
	_ =	sdelay $0x4  }
0x77: {  	s30 =	sand.u32 $0x70, s22;
	s31 =	sand.u32 $0xF00, s22;
	v0 =	vadd.s32 $0xFFFF3C80, v0  }
0x78: {  	s23 =	sor.u32 s30, s31;
	vm15 =	vlt.u32 v0, $0xC380  }
0x79: {  	v1 =	vld [tilespmem:s23+$0x18F80];
	v0 =	vnsel vm15, $0x0, v0;
	_ =	sdelay $0x4  }
0x7a: {  	s23 =	simm.s32 $0x18710;
	[tilespmem:v0+s16+$0x0] =	vst.idx.add.f32.msk vm15, v1  }
0x7b: {  	s24 =	simm.s32 $0x10;
	s25 =	simm.s32 $0x20;
	v0 =	vld [tilespmem:s23+$0x0]  }
.LBB2_8:
0x7c: {  	p0 =	sne.s32 s25, $0x7F0;
	_ =	sdelay $0x2  }
0x7d: {  	s22 =	sadd.s32 $0x20, s22  }
0x7e: {  	s26 =	sand.u32 $0x70, s24;
	s24 =	smov.u32 s25;
	s28 =	sand.u32 $0xF00, s22;
	v0 =	vadd.s32 $0xFFFF3C80, v0  }
0x7f: {  	s26 =	sor.u32 s26, s28;
	vm0 =	vlt.u32 v0, $0xC380  }
0x80: {  	v1 =	vld [tilespmem:s26+$0x18F80];
	v0 =	vnsel vm0, $0x0, v0;
	_ =	sdelay $0x1  }
.Ltmp3:
0x81: {  	(pc) =	sbr.rel @p0 .LBB2_8-.Ltmp3, $3  }
0x82: {  	_ =	sdelay $0x1  }
0x83: {  	s23 =	sadd.s32 $0x10, s23;
	[tilespmem:v0+s16+$0x0] =	vst.idx.add.f32.msk vm0, v1  }
0x84: {  	s25 =	sadd.s32 $0x10, s25;
	v0 =	vld [tilespmem:s23+$0x0]  }
0x85: {  	_ =	sdelay $0x2  }
0x86: {  	s22 =	sadd.s32 $0x20, s22  }
0x87: {  	s23 =	sand.u32 $0x70, s24;
	s22 =	sand.u32 $0xF00, s22;
	v0 =	vadd.s32 $0xFFFF3C80, v0  }
0x88: {  	s22 =	sor.u32 s23, s22;
	vm0 =	vlt.u32 v0, $0xC380  }
0x89: {  	v1 =	vld [tilespmem:s22+$0x18F80];
	v0 =	vnsel vm0, $0x0, v0;
	_ =	sdelay $0x4  }
0x8a: {  	s21 =	sadd.s32 $0x1, s21;
	[tilespmem:v0+s16+$0x0] =	vst.idx.add.f32.msk vm0, v1  }
0x8b: {  	[hbm4b:s8+s14] =	stream.strided.scatter [tilespmem:s16], [sflag:$0x4], $0xC380, s11, s14, $0x38;
	[tilespmem:$0x19F00] =	vst v63  }
0x8c: {  	p0 =	sne.s32 s21, s9;
	_ =	swait.ge [sflag:s18], $0xC380  }
.Ltmp4:
0x8d: {  	[sflag:s18] =	ssyncset.done $0x0;
	(pc) =	sbr.rel @p0 .LBB2_1-.Ltmp4, $4  }
0x8e: {  	[sflag:s18] =	ssyncadd.s32 $0xFFFF3C80  }
0x8f: {  	_ =	swait.ge [sflag:s20], $0xC380  }
0x90: {  	[sflag:s20] =	ssyncset.done $0x0  }
0x91: {  	[sflag:s20] =	ssyncadd.s32 $0xFFFF3C80  }
0x92: {  	_ =	sfence.sel $0x180000  }
0x93: {  	[bflag:$0x0] =	sbarrier.arrive $0xFFFF  }
0x94: {  	p0 =	sne.s32 s1, $0x0;
	_ =	strace $0x90000047  }
0x95: {  	s0 =	sadd.s32 @!p0 $0x100000, s0;
	[bflag:$0x2] =	sbarrier.arrive $0xFFFF  }
0x96: {  	[sflag:s0] =	ssyncadd.tile.s32 @!p0 $0x1;
	_ =	shalt  }
.Lfunc_end2:
_tile_overlayer_lowered:
.L_overlay_start_2:
0x97: {  	(tag) =	ssettag $0x2  }
0x98: {  	s0 =	rddreg [dreg:$0x0];
	s2 =	stileid.u32  }
0x99: {  	s1 =	rddreg [dreg:$0x1];
	p0 =	sne.s32 s2, $0x0  }
0x9a: {  	s3 =	rddreg [dreg:$0x2];
	[bflag:$0x3] =	sbarrier.arrive $0xFFFF;
	s2 =	simm.s32 @!p0 $0x1C06  }
0x9b: {  	[timem:s3], [sflag:s2] =	dma.local @!p0 [hbm:s0], s1  }
0x9c: {  	s0 =	simm.s32 @!p0 $0x6  }
0x9d: {  	_ =	swait.ge @!p0 [sflag:s0], s1  }
0x9e: {  	s1 =	ssub.s32 @!p0 $0x0, s1;
	[sflag:s0] =	ssyncset.done @!p0 $0x0  }
0x9f: {  	[sflag:s0] =	ssyncadd.s32 @!p0 s1  }
0xa0: {  	[bflag:$0x3] =	sbarrier.arrive $0xFFFF  }
0xa1: {  	_ =	shalt  }

// kernel: kernel.18.cloned.1.call-start
scs
__scs_entry_jumppad:
0x0: {  	(pc) =	sbr.rel $0x88, $3  }
0x1: {  	(tag) =	ssettag $0x0;
	lr =	simm.s32 $0x1  }
0x2: {  	[smem:$0x3F9B] =	sst lr;
	_ =	strace $0xD0000000  }
0x3: {  	_ = 	snop  }
0x4: {  	_ = 	snop  }
0x5: {  	_ = 	snop  }
0x6: {  	_ = 	snop  }
0x7: {  	_ = 	snop  }
__scs_overlays_trampoline_lowered:
0x8: {  	[smem:$0x3FAA] =	sst s0  }
0x9: {  	[smem:$0x3FAB] =	sst s1  }
0xa: {  	[smem:$0x3FAC] =	sst s2  }
0xb: {  	[smem:$0x3FAD] =	sst s3  }
0xc: {  	[smem:$0x3FAE] =	sst s4  }
0xd: {  	[smem:$0x3FAF] =	sst s5  }
0xe: {  	[smem:$0x3FB0] =	sst s6  }
0xf: {  	[smem:$0x3FB1] =	sst s7  }
0x10: {  	[smem:$0x3FB2] =	sst s8  }
0x11: {  	[smem:$0x3FB3] =	sst s9;
	s0 =	simm.s32 @!p0 $0x0  }
0x12: {  	s1 =	sld [smem:$0x3F99];
	s0 =	simm.s32 @p0 $0x1  }
0x13: {  	[smem:$0x3FB4] =	sst s0;
	s0 =	simm.s32 @!p1 $0x0  }
0x14: {  	s2 =	sld [smem:$0x3F98];
	s0 =	simm.s32 @p1 $0x1  }
0x15: {  	[smem:$0x3FB5] =	sst s0;
	s0 =	simm.s32 @!p2 $0x0  }
0x16: {  	s3 =	sld [smem:$0x3FDB];
	s0 =	simm.s32 @p2 $0x1  }
0x17: {  	s4 =	simm.s32 $0x1BF5;
	[smem:$0x3FB7] =	sst s0  }
0x18: {  	s0 =	sld [smem:$0x3F9A];
	_ =	swait.ge [sflag:s4], $0x0  }
0x19: {  	s7 =	sld [smem:$0x3F9B]  }
0x1a: {  	s8 =	sadd.s32 $0xFFFFE003, lr  }
0x1b: {  	s9 =	sadd.s32 $0xFFFFFEF7, lr;
	s5 =	simm.s32 $0xFFFFFFFF;
	p2 =	slt.u32 s8, $0xFFFFF086  }
0x1c: {  	p1 =	slt.u32 s9, $0xF7A;
	s5 =	simm.s32 @!p2 $0x0  }
0x1d: {  	s5 =	simm.s32 @p1 $0x1;
	p0 =	seq.s32 s7, s2  }
0x1e: {  	s7 =	smul.u32 @!p0 $0xF7A, s2;
	p2 =	seq.s32 @!p0 s5, $0x0  }
0x1f: {  	s9 =	smul.u32 $0xF7A, s1;
	s8 =	simm.s32 @!p0 $0x1BF5;
	p2 =	por !p2, p0  }
0x20: {  	[sflag:s8] =	ssyncset.s32 @!p0 $0xFFFFF086;
	s6 =	sadd.s32 @!p0 s3, s7;
	s7 =	simm.s32 @!p0 $0x108  }
0x21: {  	s3 =	sadd.s32 s3, s9;
	s6 =	sadd.s32 @!p0 $0x88, s6;
	s7 =	simm.s32 @p2 $0x1082  }
0x22: {  	[simem:s7], [sflag:s8] =	dma.local @!p0 [hbm:s6], $0xF7A  }
0x23: {  	s9 =	sor.u32 $0xD0000000, s2;
	s6 =	simm.s32 $0x108;
	_ =	swait.ge @!p0 [sflag:s8], $0x0  }
0x24: {  	s3 =	sadd.s32 $0x88, s3;
	s6 =	simm.s32 @!p1 $0x1082;
	[sflag:s4] =	ssyncset.s32 $0xFFFFF086  }
0x25: {  	[simem:s6], [sflag:s4] =	dma.local [hbm:s3], $0xF7A  }
0x26: {  	[smem:$0x3F9B] =	sst s1;
	(tag) =	ssettag s2;
	_ =	strace s9  }
0x27: {  	s1 =	sld [smem:$0x3FAB]  }
0x28: {  	s2 =	sld [smem:$0x3FAC]  }
0x29: {  	s4 =	sld [smem:$0x3FAE]  }
0x2a: {  	p0 =	seq.s32 s5, $0x0;
	s5 =	sld [smem:$0x3FAF]  }
0x2b: {  	s6 =	sld [smem:$0x3FB0]  }
0x2c: {  	s7 =	sld [smem:$0x3FB1]  }
0x2d: {  	s3 =	simm.s32 $0x108;
	s8 =	sld [smem:$0x3FB2]  }
0x2e: {  	s3 =	simm.s32 @!p0 $0x1082;
	s9 =	sld [smem:$0x3FB3]  }
0x2f: {  	lr =	sadd.s32 s0, s3;
	s0 =	sld [smem:$0x3FAA]  }
0x30: {  	s3 =	sld [smem:$0x3FAD]  }
0x31: {  	[smem:$0x3FB6] =	sst s10  }
0x32: {  	s10 =	sld [smem:$0x3FB4];
	_ =	sdelay $0x3  }
0x33: {  	p0 =	seq.s32 s10, $0x1;
	s10 =	sld [smem:$0x3FB6];
	_ =	sdelay $0x3  }
0x34: {  	[smem:$0x3FB6] =	sst s10  }
0x35: {  	s10 =	sld [smem:$0x3FB5];
	_ =	sdelay $0x3  }
0x36: {  	p1 =	seq.s32 s10, $0x1;
	s10 =	sld [smem:$0x3FB6];
	_ =	sdelay $0x3  }
0x37: {  	[smem:$0x3FB6] =	sst s10  }
0x38: {  	s10 =	sld [smem:$0x3FB7]  }
0x39: {  	_ = 	snop;
	(pc) =	sbr.ind lr, $3  }
0x3a: {  	_ = 	snop  }
0x3b: {  	_ = 	snop  }
0x3c: {  	p2 =	seq.s32 s10, $0x1;
	s10 =	sld [smem:$0x3FB6]  }
0x3d: {  	_ =	shalt  }
0x3e: {  	_ =	shalt  }
0x3f: {  	_ =	shalt  }
0x40: {  	_ =	shalt  }
0x41: {  	_ =	shalt  }
0x42: {  	_ =	shalt  }
0x43: {  	_ =	shalt  }
0x44: {  	_ =	shalt  }
0x45: {  	_ =	shalt  }
0x46: {  	_ =	shalt  }
0x47: {  	_ =	shalt  }
0x48: {  	_ =	shalt  }
0x49: {  	_ =	shalt  }
0x4a: {  	_ =	shalt  }
0x4b: {  	_ =	shalt  }
0x4c: {  	_ =	shalt  }
0x4d: {  	_ =	shalt  }
0x4e: {  	_ =	shalt  }
0x4f: {  	_ =	shalt  }
0x50: {  	_ =	shalt  }
0x51: {  	_ =	shalt  }
0x52: {  	_ =	shalt  }
0x53: {  	_ =	shalt  }
0x54: {  	_ =	shalt  }
0x55: {  	_ =	shalt  }
0x56: {  	_ =	shalt  }
0x57: {  	_ =	shalt  }
0x58: {  	_ =	shalt  }
0x59: {  	_ =	shalt  }
0x5a: {  	_ =	shalt  }
0x5b: {  	_ =	shalt  }
0x5c: {  	_ =	shalt  }
0x5d: {  	_ =	shalt  }
0x5e: {  	_ =	shalt  }
0x5f: {  	_ =	shalt  }
0x60: {  	_ =	shalt  }
0x61: {  	_ =	shalt  }
0x62: {  	_ =	shalt  }
0x63: {  	_ =	shalt  }
0x64: {  	_ =	shalt  }
0x65: {  	_ =	shalt  }
0x66: {  	_ =	shalt  }
0x67: {  	_ =	shalt  }
0x68: {  	_ =	shalt  }
0x69: {  	_ =	shalt  }
0x6a: {  	_ =	shalt  }
0x6b: {  	_ =	shalt  }
0x6c: {  	_ =	shalt  }
0x6d: {  	_ =	shalt  }
0x6e: {  	_ =	shalt  }
0x6f: {  	_ =	shalt  }
0x70: {  	_ =	shalt  }
0x71: {  	_ =	shalt  }
0x72: {  	_ =	shalt  }
0x73: {  	_ =	shalt  }
0x74: {  	_ =	shalt  }
0x75: {  	_ =	shalt  }
0x76: {  	_ =	shalt  }
0x77: {  	_ =	shalt  }
0x78: {  	_ =	shalt  }
0x79: {  	_ =	shalt  }
0x7a: {  	_ =	shalt  }
0x7b: {  	_ =	shalt  }
0x7c: {  	_ =	shalt  }
0x7d: {  	_ =	shalt  }
0x7e: {  	_ =	shalt  }
0x7f: {  	_ =	shalt  }
0x80: {  	_ =	shalt  }
0x81: {  	_ =	shalt  }
0x82: {  	_ =	shalt  }
0x83: {  	_ =	shalt  }
0x84: {  	_ =	shalt  }
0x85: {  	_ =	shalt  }
0x86: {  	_ =	shalt  }
0x87: {  	_ =	shalt  }
.Lfunc_end0:
.L_simem_size_0:
called_computation.1_lowered:
.L_overlay_start_0:
0x88: {  	s2 =	sld [smem:$0x3FD9]  }
0x89: {  	s3 =	sld [smem:$0x3FFE];
	_ =	sdelay $0x1  }
0x8a: {  	s1 =	srdreg.scid  }
0x8b: {  	s0 =	sand.u32 $0x1, s1  }
0x8c: {  	s17 =	sshll.u32 s0, $0xA;
	s2 =	sadd.s32 s3, s2  }
0x8d: {  	s2 =	sadd.s32 s2, s17  }
0x8e: {  	[smem:$0x3FC2] =	sst s2  }
0x8f: {  	_ = 	snop  }
0x90: {  	s18 =	sld [smem:$0x3FC6];
	(tm) =	ssettm $0x1  }
0x91: {  	s19 =	sld [smem:$0x3FFB];
	_ =	sdelay $0x3  }
0x92: {  	_ =	strace s19  }
0x93: {  	s2 =	sld [smem:$0x3FFC];
	_ =	sdelay $0x3  }
0x94: {  	_ =	strace s2  }
0x95: {  	s2 =	sld [smem:$0x3FFD];
	_ =	sdelay $0x3  }
0x96: {  	_ =	strace s2  }
0x97: {  	_ =	strace $0x8FFFFFFF  }
0x98: {  	s20 =	sld [smem:$0x3FDB];
	_ =	sdelay $0x1  }
0x99: {  	s4 =	simm.s32 $_scs_section_size  }
0x9a: {  	s5 =	simm.s32 $_size__tile_overlayer_lowered;
	s6 =	simm.s32 $_tile_overlayer_lowered  }
0x9b: {  	s7 =	simm.s32 $0x1BFF;
	s21 =	sshll.u32 s6, $0x1;
	s4 =	sadd.s32 s4, s20  }
0x9c: {  	s22 =	simm.s32 $0x0;
	s5 =	sshll.u32 s5, $0x1;
	s6 =	sadd.s32 s21, s4  }
0x9d: {  	[timem:s22], [sflag:s7] =	dma.local [hbm:s6], s5  }
0x9e: {  	_ =	swait.ge [sflag:s7], s5  }
0x9f: {  	s5 =	ssub.s32 $0x0, s5;
	[sflag:s7] =	ssyncset.done $0x0  }
0xa0: {  	[sflag:s7] =	ssyncadd.s32 s5;
	_ =	sdelay $0x1  }
0xa1: {  	s23 =	simm.s32 $0x1B8B  }
0xa2: {  	_ =	swait.ge [sflag:s23], $0x1  }
0xa3: {  	[sflag:s23] =	ssyncset.done $0x0  }
0xa4: {  	[sflag:s23] =	ssyncadd.s32 $0xFFFFFFFF  }
0xa5: {  	s5 =	sld [smem:$0x0]  }
0xa6: {  	s6 =	sand.u32 $0xFFFFFFFE, s1  }
0xa7: {  	p0 =	sne.s32 s1, s6  }
0xa8: {  	s6 =	sshll.u32 @p0 s6, $0xE  }
0xa9: {  	s6 =	sadd.s32 @p0 $0x11B8D, s6;
	s7 =	sshll.u32 @p0 s5, $0x11  }
0xaa: {  	s6 =	sor.u32 @p0 s7, s6  }
0xab: {  	[sflag:s6] =	ssyncadd.remote.s32 @p0 $0x1;
	_ =	sdelay $0x1  }
0xac: {  	s6 =	simm.s32 @p0 $0x1B8D  }
0xad: {  	_ =	swait.eq @p0 [sflag:s6], $0x1  }
0xae: {  	[sflag:s6] =	ssyncadd.s32 @p0 $0xFFFFFFFF  }
0xaf: {  	s7 =	sshll.u32 @!p0 s1, $0xE  }
0xb0: {  	s7 =	sor.u32 @!p0 $0x4000, s7;
	s6 =	simm.s32 @!p0 $0x1B8D  }
0xb1: {  	s5 =	sshll.u32 @!p0 s5, $0x11;
	s7 =	sadd.s32 @!p0 $0x11B8D, s7;
	_ =	swait.eq @!p0 [sflag:s6], $0x1  }
0xb2: {  	s5 =	sor.u32 @!p0 s5, s7;
	[sflag:s6] =	ssyncadd.s32 @!p0 $0xFFFFFFFF  }
0xb3: {  	s25 =	simm.s32 $0x1B8E;
	s24 =	sld [smem:$0x3FFE];
	[sflag:s5] =	ssyncadd.remote.s32 @!p0 $0x1  }
0xb4: {  	s26 =	simm.s32 $execute0_lowered;
	[smem:$0x3FD2] =	sst s25  }
0xb5: {  	s6 =	sshll.u32 s26, $0x1;
	_ =	strace $0x80000049;
	[dreg:$0x1] =	wrdreg $0xFFFFFFFF  }
0xb6: {  	s28 =	simm.s32 $_size_execute0_lowered;
	s4 =	sadd.s32 s4, s6;
	[dreg:$0x0] =	wrdreg $0x0  }
0xb7: {  	s6 =	sshll.u32 s28, $0x1;
	[dreg:$0x2] =	wrdreg s4  }
0xb8: {  	[dreg:$0x3] =	wrdreg s6  }
0xb9: {  	[dreg:$0x4] =	wrdreg $0xC0  }
0xba: {  	_ =	task [dreg:s22], $0x5FFFF  }
0xbb: {  	[dreg:$0x1] =	wrdreg $0xFFFFFFFF  }
0xbc: {  	[dreg:$0x0] =	wrdreg $0x60  }
0xbd: {  	[dreg:$0x2] =	wrdreg s18  }
0xbe: {  	[dreg:$0x3] =	wrdreg s24  }
0xbf: {  	[dreg:$0x4] =	wrdreg $0xA  }
0xc0: {  	_ =	task.clear_ibuf [dreg:s22], $0x5FFFF;
	_ =	strace $0x90000049  }
0xc1: {  	s29 =	simm.s32 $0xA;
	_ =	strace $0x8000004B  }
0xc2: {  	_ =	swait.ge [sflag:s29], $0x1  }
0xc3: {  	[sflag:s29] =	ssyncadd.s32 $0xFFFFFFFF  }
0xc4: {  	_ =	strace $0x9000004B  }
0xc5: {  	_ =	sfence  }
0xc6: {  	s30 =	sld [smem:$0x0];
	_ =	sdelay $0x2  }
0xc7: {  	s31 =	sshll.u32 s1, $0xD;
	s1 =	sshrl.u32 s1, $0x2  }
0xc8: {  	s4 =	sand.u32 $0x4000, s31;
	s1 =	sadd.s32 s1, s30  }
0xc9: {  	s0 =	sor.u32 s4, s0;
	s1 =	sshll.u32 s1, $0x11  }
0xca: {  	s0 =	sor.u32 s1, s0  }
0xcb: {  	s0 =	sadd.s32 $0x8F2B, s0  }
0xcc: {  	[sflag:s0] =	ssyncadd.remote.s32 $0x1  }
0xcd: {  	_ =	sfence.sel $0xFFFF  }
0xce: {  	[dreg:$0x0] =	wrdreg $0xFFFFFFFF;
	(pc) =	sbr.abs _section_cstart, $3  }
0xcf: {  	[dreg:$0x1] =	wrdreg $0xFFFFFFFF  }
0xd0: {  	_ =	task.clear_ibuf [dreg:s22], $0x2FFFF;
	_ =	strace $0x9FFFFFFF  }
0xd1: {  	(tm) =	ssettm $0x7FFFFFFF  }
tec
execute0_lowered:
.L_overlay_start_1:
0x0: {  	(tag) =	ssettag $0x1  }
0x1: {  	s1 =	srdreg.scid  }
0x2: {  	s0 =	stileid.u32;
	s4 =	rddreg [dreg:$0x0]  }
0x3: {  	s6 =	rddreg [dreg:$0x1];
	s12 =	simm.s32 $0x18F00;
	s13 =	simm.s32 $0x5  }
0x4: {  	s14 =	simm.s32 $0x80;
	s15 =	simm.s32 $0x6;
	s16 =	simm.s32 $0xC380  }
0x5: {  	s17 =	simm.s32 $0x1;
	s18 =	simm.s32 $0x3;
	s19 =	simm.s32 $0x2  }
0x6: {  	s20 =	simm.s32 $0x4;
	s21 =	simm.s32 $0x0;
	s3 =	sand.u32 $0x1, s1  }
0x7: {  	s23 =	sshll.u32 s0, $0x2;
	s9 =	sshrl.u32 s0, $0x1;
	s10 =	sadd.s32 $0xD4C00, s6  }
0x8: {  	s2 =	sshll.u32 s3, $0x1;
	s3 =	ssub.s32 $0x2, s3;
	s9 =	smul.u32 $0xC3800, s9  }
0x9: {  	s1 =	sor.u32 s2, s23;
	s2 =	simm.s32 $0x0;
	s24 =	sshrl.u32 s3, $0x1  }
0xa: {  	s5 =	sor.u32 $0x40, s1;
	s8 =	sshll.u32 s1, $0x7;
	s1 =	rddreg [dreg:$0x2]  }
0xb: {  	[smem:$0x7FF] =	sst s2;
	s11 =	ssub.s32 s3, s24;
	s29 =	sadd.s32 $0x61C00, s9  }
0xc: {  	s7 =	sshll.u32 s5, $0xB;
	_ =	strace $0x8000004A;
	s5 =	sshrl.u32 s5, $0x1  }
0xd: {  	s25 =	sand.u32 $0x300, s8;
	s7 =	sor.u32 s8, s7;
	s5 =	sand.u32 $0x30, s5  }
0xe: {  	s26 =	sor.u32 s9, s25;
	s8 =	sor.u32 s29, s25;
	s7 =	sand.u32 $0x3C300, s7  }
0xf: {  	s4 =	sadd.s32 s4, s5;
	s28 =	sshrl.u32 s26, $0x3;
	s7 =	sshrl.u32 s7, $0x3  }
0x10: {  	s8 =	sshrl.u32 s8, $0x3;
	s7 =	sadd.s32 s7, s6;
	s6 =	sor.u32 $0x80, s25  }
0x11: {  	s5 =	sadd.s32 s10, s28;
	s3 =	sadd.s32 $0x1400, s7;
	s9 =	sor.u32 s9, s6  }
0x12: {  	s7 =	sor.u32 s29, s6;
	s6 =	sadd.s32 s10, s8;
	s30 =	sshrl.u32 s9, $0x3  }
0x13: {  	s31 =	sshrl.u32 s7, $0x3;
	s9 =	smax.u32 s11, $0x1;
	s11 =	simm.s32 $0x400  }
0x14: {  	s7 =	sadd.s32 s10, s30;
	s8 =	sadd.s32 s10, s31;
	s10 =	simm.s32 $0x100  }
.LBB2_1:
0x15: {  	[tilespmem:s12], [sflag:$0x5] =	stream.strided.gather [hbm4b:s3+s10], $0x1000, s11, s10, $0x38;
	[tilespmem:$0x19F00] =	vst v63  }
0x16: {  	_ =	swait.ge [sflag:s13], $0x1000  }
0x17: {  	[sflag:s13] =	ssyncset.done $0x0  }
0x18: {  	s22 =	simm.s32 $0x18700;
	[sflag:s13] =	ssyncadd.s32 $0xFFFFF000  }
0x19: {  	[tilespmem:s22], [sflag:$0x6] =	stream.strided.gather [hbm4b:s4+s14], $0x800, s11, s14, $0x38;
	[tilespmem:$0x19F00] =	vst v63  }
0x1a: {  	_ =	swait.ge [sflag:s15], $0x800  }
0x1b: {  	[sflag:s15] =	ssyncset.done $0x0  }
0x1c: {  	[sflag:s15] =	ssyncadd.s32 $0xFFFFF800  }
0x1d: {  	[tilespmem:s2], [sflag:$0x1] =	stream.strided.gather [hbm4b:s5+s14], $0xC380, s11, s14, $0x38;
	[tilespmem:$0x19F00] =	vst v63  }
0x1e: {  	_ = 	snop  }
0x1f: {  	[tilespmem:s16], [sflag:$0x2] =	stream.strided.gather [hbm4b:s6+s14], $0xC380, s11, s14, $0x38;
	[tilespmem:$0x19F00] =	vst v63  }
0x20: {  	_ =	swait.ge [sflag:s17], $0xC380  }
0x21: {  	[sflag:s17] =	ssyncset.done $0x0  }
0x22: {  	[sflag:s17] =	ssyncadd.s32 $0xFFFF3C80  }
0x23: {  	v0 =	vld [tilespmem:s22+$0x0];
	_ =	sdelay $0x3  }
0x24: {  	s31 =	sand.u32 $0x70, s2;
	s23 =	sand.u32 $0xF00, s2  }
0x25: {  	s22 =	sor.u32 s31, s23;
	vm0 =	vlt.u32 v0, $0xC380  }
0x26: {  	v1 =	vld [tilespmem:s22+$0x18F00];
	v0 =	vnsel vm0, $0x0, v0;
	_ =	sdelay $0x4  }
0x27: {  	s22 =	simm.s32 $0x18710;
	[tilespmem:v0+s2+$0x0] =	vst.idx.add.f32.msk vm0, v1  }
0x28: {  	s25 =	simm.s32 $0x20;
	s24 =	simm.s32 $0x0;
	s23 =	simm.s32 $0x10;
	v0 =	vld [tilespmem:s22+$0x0]  }
.LBB2_2:
0x29: {  	p0 =	sne.s32 s25, $0x7F0;
	_ =	sdelay $0x1  }
0x2a: {  	s24 =	sadd.s32 $0x20, s24  }
0x2b: {  	s26 =	sand.u32 $0x70, s23;
	s23 =	smov.u32 s25;
	s28 =	sand.u32 $0xF00, s24  }
0x2c: {  	s26 =	sor.u32 s26, s28;
	vm0 =	vlt.u32 v0, $0xC380  }
0x2d: {  	v1 =	vld [tilespmem:s26+$0x18F00];
	v0 =	vnsel vm0, $0x0, v0;
	_ =	sdelay $0x1  }
.Ltmp0:
0x2e: {  	(pc) =	sbr.rel @p0 .LBB2_2-.Ltmp0, $3  }
0x2f: {  	_ =	sdelay $0x1  }
0x30: {  	s22 =	sadd.s32 $0x10, s22;
	[tilespmem:v0+s2+$0x0] =	vst.idx.add.f32.msk vm0, v1  }
0x31: {  	s25 =	sadd.s32 $0x10, s25;
	v0 =	vld [tilespmem:s22+$0x0]  }
0x32: {  	_ =	sdelay $0x1  }
0x33: {  	s22 =	sadd.s32 $0x20, s24  }
0x34: {  	s23 =	sand.u32 $0x70, s23;
	s22 =	sand.u32 $0xF00, s22  }
0x35: {  	s22 =	sor.u32 s23, s22;
	vm0 =	vlt.u32 v0, $0xC380  }
0x36: {  	v1 =	vld [tilespmem:s22+$0x18F00];
	v0 =	vnsel vm0, $0x0, v0;
	_ =	sdelay $0x4  }
0x37: {  	s22 =	simm.s32 $0x0;
	[tilespmem:v0+s2+$0x0] =	vst.idx.add.f32.msk vm0, v1  }
0x38: {  	[hbm4b:s5+s14] =	stream.strided.scatter [tilespmem:s22], [sflag:$0x3], $0xC380, s11, s14, $0x38;
	[tilespmem:$0x19F00] =	vst v63  }
0x39: {  	_ =	swait.ge [sflag:s18], $0xC380  }
0x3a: {  	[sflag:s18] =	ssyncset.done $0x0  }
0x3b: {  	[sflag:s18] =	ssyncadd.s32 $0xFFFF3C80  }
0x3c: {  	[tilespmem:s22], [sflag:$0x1] =	stream.strided.gather [hbm4b:s7+s14], $0xC380, s11, s14, $0x38;
	[tilespmem:$0x19F00] =	vst v63  }
0x3d: {  	_ =	swait.ge [sflag:s19], $0xC380  }
0x3e: {  	[sflag:s19] =	ssyncset.done $0x0  }
0x3f: {  	s29 =	simm.s32 $0x18700;
	[sflag:s19] =	ssyncadd.s32 $0xFFFF3C80  }
0x40: {  	v0 =	vld [tilespmem:s29+$0x0];
	_ =	sdelay $0x4  }
0x41: {  	s30 =	sand.u32 $0x70, s22;
	s31 =	sand.u32 $0xF00, s22;
	v0 =	vadd.s32 $0xFFFF3C80, v0  }
0x42: {  	s23 =	sor.u32 s30, s31;
	vm15 =	vlt.u32 v0, $0xC380  }
0x43: {  	v1 =	vld [tilespmem:s23+$0x18F00];
	v0 =	vnsel vm15, $0x0, v0;
	_ =	sdelay $0x4  }
0x44: {  	s23 =	simm.s32 $0x18710;
	[tilespmem:v0+s16+$0x0] =	vst.idx.add.f32.msk vm15, v1  }
0x45: {  	s24 =	simm.s32 $0x10;
	s25 =	simm.s32 $0x20;
	v0 =	vld [tilespmem:s23+$0x0]  }
.LBB2_4:
0x46: {  	p0 =	sne.s32 s25, $0x7F0;
	_ =	sdelay $0x2  }
0x47: {  	s22 =	sadd.s32 $0x20, s22  }
0x48: {  	s26 =	sand.u32 $0x70, s24;
	s24 =	smov.u32 s25;
	s28 =	sand.u32 $0xF00, s22;
	v0 =	vadd.s32 $0xFFFF3C80, v0  }
0x49: {  	s26 =	sor.u32 s26, s28;
	vm0 =	vlt.u32 v0, $0xC380  }
0x4a: {  	v1 =	vld [tilespmem:s26+$0x18F00];
	v0 =	vnsel vm0, $0x0, v0;
	_ =	sdelay $0x1  }
.Ltmp1:
0x4b: {  	(pc) =	sbr.rel @p0 .LBB2_4-.Ltmp1, $3  }
0x4c: {  	_ =	sdelay $0x1  }
0x4d: {  	s23 =	sadd.s32 $0x10, s23;
	[tilespmem:v0+s16+$0x0] =	vst.idx.add.f32.msk vm0, v1  }
0x4e: {  	s25 =	sadd.s32 $0x10, s25;
	v0 =	vld [tilespmem:s23+$0x0]  }
0x4f: {  	_ =	sdelay $0x2  }
0x50: {  	s22 =	sadd.s32 $0x20, s22  }
0x51: {  	s23 =	sand.u32 $0x70, s24;
	s22 =	sand.u32 $0xF00, s22;
	v0 =	vadd.s32 $0xFFFF3C80, v0  }
0x52: {  	s22 =	sor.u32 s23, s22;
	vm0 =	vlt.u32 v0, $0xC380  }
0x53: {  	v1 =	vld [tilespmem:s22+$0x18F00];
	v0 =	vnsel vm0, $0x0, v0;
	_ =	sdelay $0x4  }
0x54: {  	[tilespmem:v0+s16+$0x0] =	vst.idx.add.f32.msk vm0, v1  }
0x55: {  	[hbm4b:s6+s14] =	stream.strided.scatter [tilespmem:s16], [sflag:$0x4], $0xC380, s11, s14, $0x38;
	[tilespmem:$0x19F00] =	vst v63  }
0x56: {  	_ =	swait.ge [sflag:s20], $0xC380  }
0x57: {  	[sflag:s20] =	ssyncset.done $0x0  }
0x58: {  	[sflag:s20] =	ssyncadd.s32 $0xFFFF3C80  }
0x59: {  	[tilespmem:s16], [sflag:$0x2] =	stream.strided.gather [hbm4b:s8+s14], $0xC380, s11, s14, $0x38;
	[tilespmem:$0x19F00] =	vst v63  }
0x5a: {  	_ =	swait.ge [sflag:s17], $0xC380  }
0x5b: {  	[sflag:s17] =	ssyncset.done $0x0  }
0x5c: {  	s29 =	simm.s32 $0x18700;
	[sflag:s17] =	ssyncadd.s32 $0xFFFF3C80  }
0x5d: {  	v0 =	vld [tilespmem:s29+$0x0];
	_ =	sdelay $0x2  }
0x5e: {  	s22 =	simm.s32 $0x0  }
0x5f: {  	s30 =	sand.u32 $0x70, s22;
	s31 =	sand.u32 $0xF00, s22  }
0x60: {  	s23 =	sor.u32 s30, s31;
	vm15 =	vlt.u32 v0, $0xC380  }
0x61: {  	v1 =	vld [tilespmem:s23+$0x18F80];
	v0 =	vnsel vm15, $0x0, v0;
	_ =	sdelay $0x4  }
0x62: {  	s23 =	simm.s32 $0x18710;
	[tilespmem:v0+s2+$0x0] =	vst.idx.add.f32.msk vm15, v1  }
0x63: {  	s24 =	simm.s32 $0x10;
	s25 =	simm.s32 $0x20;
	v0 =	vld [tilespmem:s23+$0x0]  }
.LBB2_6:
0x64: {  	p0 =	sne.s32 s25, $0x7F0;
	_ =	sdelay $0x1  }
0x65: {  	s22 =	sadd.s32 $0x20, s22  }
0x66: {  	s26 =	sand.u32 $0x70, s24;
	s24 =	smov.u32 s25;
	s28 =	sand.u32 $0xF00, s22  }
0x67: {  	s26 =	sor.u32 s26, s28;
	vm0 =	vlt.u32 v0, $0xC380  }
0x68: {  	v1 =	vld [tilespmem:s26+$0x18F80];
	v0 =	vnsel vm0, $0x0, v0;
	_ =	sdelay $0x1  }
.Ltmp2:
0x69: {  	(pc) =	sbr.rel @p0 .LBB2_6-.Ltmp2, $3  }
0x6a: {  	_ =	sdelay $0x1  }
0x6b: {  	s23 =	sadd.s32 $0x10, s23;
	[tilespmem:v0+s2+$0x0] =	vst.idx.add.f32.msk vm0, v1  }
0x6c: {  	s25 =	sadd.s32 $0x10, s25;
	v0 =	vld [tilespmem:s23+$0x0]  }
0x6d: {  	_ =	sdelay $0x1  }
0x6e: {  	s22 =	sadd.s32 $0x20, s22  }
0x6f: {  	s23 =	sand.u32 $0x70, s24;
	s22 =	sand.u32 $0xF00, s22  }
0x70: {  	s22 =	sor.u32 s23, s22;
	vm0 =	vlt.u32 v0, $0xC380  }
0x71: {  	v1 =	vld [tilespmem:s22+$0x18F80];
	v0 =	vnsel vm0, $0x0, v0;
	_ =	sdelay $0x4  }
0x72: {  	s22 =	simm.s32 $0x0;
	[tilespmem:v0+s2+$0x0] =	vst.idx.add.f32.msk vm0, v1  }
0x73: {  	[hbm4b:s7+s14] =	stream.strided.scatter [tilespmem:s22], [sflag:$0x3], $0xC380, s11, s14, $0x38;
	[tilespmem:$0x19F00] =	vst v63  }
0x74: {  	_ =	swait.ge [sflag:s19], $0xC380  }
0x75: {  	[sflag:s19] =	ssyncset.done $0x0  }
0x76: {  	s29 =	simm.s32 $0x18700;
	[sflag:s19] =	ssyncadd.s32 $0xFFFF3C80  }
0x77: {  	v0 =	vld [tilespmem:s29+$0x0];
	_ =	sdelay $0x4  }
0x78: {  	s30 =	sand.u32 $0x70, s22;
	s31 =	sand.u32 $0xF00, s22;
	v0 =	vadd.s32 $0xFFFF3C80, v0  }
0x79: {  	s23 =	sor.u32 s30, s31;
	vm15 =	vlt.u32 v0, $0xC380  }
0x7a: {  	v1 =	vld [tilespmem:s23+$0x18F80];
	v0 =	vnsel vm15, $0x0, v0;
	_ =	sdelay $0x4  }
0x7b: {  	s23 =	simm.s32 $0x18710;
	[tilespmem:v0+s16+$0x0] =	vst.idx.add.f32.msk vm15, v1  }
0x7c: {  	s24 =	simm.s32 $0x10;
	s25 =	simm.s32 $0x20;
	v0 =	vld [tilespmem:s23+$0x0]  }
.LBB2_8:
0x7d: {  	p0 =	sne.s32 s25, $0x7F0;
	_ =	sdelay $0x2  }
0x7e: {  	s22 =	sadd.s32 $0x20, s22  }
0x7f: {  	s26 =	sand.u32 $0x70, s24;
	s24 =	smov.u32 s25;
	s28 =	sand.u32 $0xF00, s22;
	v0 =	vadd.s32 $0xFFFF3C80, v0  }
0x80: {  	s26 =	sor.u32 s26, s28;
	vm0 =	vlt.u32 v0, $0xC380  }
0x81: {  	v1 =	vld [tilespmem:s26+$0x18F80];
	v0 =	vnsel vm0, $0x0, v0;
	_ =	sdelay $0x1  }
.Ltmp3:
0x82: {  	(pc) =	sbr.rel @p0 .LBB2_8-.Ltmp3, $3  }
0x83: {  	_ =	sdelay $0x1  }
0x84: {  	s23 =	sadd.s32 $0x10, s23;
	[tilespmem:v0+s16+$0x0] =	vst.idx.add.f32.msk vm0, v1  }
0x85: {  	s25 =	sadd.s32 $0x10, s25;
	v0 =	vld [tilespmem:s23+$0x0]  }
0x86: {  	_ =	sdelay $0x2  }
0x87: {  	s22 =	sadd.s32 $0x20, s22  }
0x88: {  	s23 =	sand.u32 $0x70, s24;
	s22 =	sand.u32 $0xF00, s22;
	v0 =	vadd.s32 $0xFFFF3C80, v0  }
0x89: {  	s22 =	sor.u32 s23, s22;
	vm0 =	vlt.u32 v0, $0xC380  }
0x8a: {  	v1 =	vld [tilespmem:s22+$0x18F80];
	v0 =	vnsel vm0, $0x0, v0;
	_ =	sdelay $0x4  }
0x8b: {  	s21 =	sadd.s32 $0x1, s21;
	[tilespmem:v0+s16+$0x0] =	vst.idx.add.f32.msk vm0, v1  }
0x8c: {  	[hbm4b:s8+s14] =	stream.strided.scatter [tilespmem:s16], [sflag:$0x4], $0xC380, s11, s14, $0x38;
	[tilespmem:$0x19F00] =	vst v63  }
0x8d: {  	p0 =	sne.s32 s21, s9;
	_ =	swait.ge [sflag:s18], $0xC380  }
.Ltmp4:
0x8e: {  	[sflag:s18] =	ssyncset.done $0x0;
	(pc) =	sbr.rel @p0 .LBB2_1-.Ltmp4, $4  }
0x8f: {  	[sflag:s18] =	ssyncadd.s32 $0xFFFF3C80  }
0x90: {  	_ =	swait.ge [sflag:s20], $0xC380  }
0x91: {  	[sflag:s20] =	ssyncset.done $0x0  }
0x92: {  	[sflag:s20] =	ssyncadd.s32 $0xFFFF3C80  }
0x93: {  	_ =	sfence.sel $0x180000  }
0x94: {  	[bflag:$0x0] =	sbarrier.arrive $0xFFFF  }
0x95: {  	p0 =	sne.s32 s0, $0x0;
	_ =	strace $0x9000004A  }
0x96: {  	s0 =	sadd.s32 @!p0 $0x100000, s1;
	[bflag:$0x2] =	sbarrier.arrive $0xFFFF  }
0x97: {  	[sflag:s0] =	ssyncadd.tile.s32 @!p0 $0x1;
	_ =	shalt  }
.Lfunc_end2:
_tile_overlayer_lowered:
.L_overlay_start_2:
0x98: {  	(tag) =	ssettag $0x2  }
0x99: {  	s0 =	rddreg [dreg:$0x0];
	s2 =	stileid.u32  }
0x9a: {  	s1 =	rddreg [dreg:$0x1];
	p0 =	sne.s32 s2, $0x0  }
0x9b: {  	s3 =	rddreg [dreg:$0x2];
	[bflag:$0x3] =	sbarrier.arrive $0xFFFF;
	s2 =	simm.s32 @!p0 $0x1C06  }
0x9c: {  	[timem:s3], [sflag:s2] =	dma.local @!p0 [hbm:s0], s1  }
0x9d: {  	s0 =	simm.s32 @!p0 $0x6  }
0x9e: {  	_ =	swait.ge @!p0 [sflag:s0], s1  }
0x9f: {  	s1 =	ssub.s32 @!p0 $0x0, s1;
	[sflag:s0] =	ssyncset.done @!p0 $0x0  }
0xa0: {  	[sflag:s0] =	ssyncadd.s32 @!p0 s1  }
0xa1: {  	[bflag:$0x3] =	sbarrier.arrive $0xFFFF  }
0xa2: {  	_ =	shalt  }

// kernel: kernel.21.cloned.1.call-start
scs
__scs_entry_jumppad:
0x0: {  	(pc) =	sbr.rel $0x88, $3  }
0x1: {  	(tag) =	ssettag $0x0;
	lr =	simm.s32 $0x1  }
0x2: {  	[smem:$0x3F9B] =	sst lr;
	_ =	strace $0xD0000000  }
0x3: {  	_ = 	snop  }
0x4: {  	_ = 	snop  }
0x5: {  	_ = 	snop  }
0x6: {  	_ = 	snop  }
0x7: {  	_ = 	snop  }
__scs_overlays_trampoline_lowered:
0x8: {  	[smem:$0x3FAA] =	sst s0  }
0x9: {  	[smem:$0x3FAB] =	sst s1  }
0xa: {  	[smem:$0x3FAC] =	sst s2  }
0xb: {  	[smem:$0x3FAD] =	sst s3  }
0xc: {  	[smem:$0x3FAE] =	sst s4  }
0xd: {  	[smem:$0x3FAF] =	sst s5  }
0xe: {  	[smem:$0x3FB0] =	sst s6  }
0xf: {  	[smem:$0x3FB1] =	sst s7  }
0x10: {  	[smem:$0x3FB2] =	sst s8  }
0x11: {  	[smem:$0x3FB3] =	sst s9;
	s0 =	simm.s32 @!p0 $0x0  }
0x12: {  	s1 =	sld [smem:$0x3F99];
	s0 =	simm.s32 @p0 $0x1  }
0x13: {  	[smem:$0x3FB4] =	sst s0;
	s0 =	simm.s32 @!p1 $0x0  }
0x14: {  	s2 =	sld [smem:$0x3F98];
	s0 =	simm.s32 @p1 $0x1  }
0x15: {  	[smem:$0x3FB5] =	sst s0;
	s0 =	simm.s32 @!p2 $0x0  }
0x16: {  	s3 =	sld [smem:$0x3FDB];
	s0 =	simm.s32 @p2 $0x1  }
0x17: {  	s4 =	simm.s32 $0x1BF5;
	[smem:$0x3FB7] =	sst s0  }
0x18: {  	s0 =	sld [smem:$0x3F9A];
	_ =	swait.ge [sflag:s4], $0x0  }
0x19: {  	s7 =	sld [smem:$0x3F9B]  }
0x1a: {  	s8 =	sadd.s32 $0xFFFFE003, lr  }
0x1b: {  	s9 =	sadd.s32 $0xFFFFFEF7, lr;
	s5 =	simm.s32 $0xFFFFFFFF;
	p2 =	slt.u32 s8, $0xFFFFF086  }
0x1c: {  	p1 =	slt.u32 s9, $0xF7A;
	s5 =	simm.s32 @!p2 $0x0  }
0x1d: {  	s5 =	simm.s32 @p1 $0x1;
	p0 =	seq.s32 s7, s2  }
0x1e: {  	s7 =	smul.u32 @!p0 $0xF7A, s2;
	p2 =	seq.s32 @!p0 s5, $0x0  }
0x1f: {  	s9 =	smul.u32 $0xF7A, s1;
	s8 =	simm.s32 @!p0 $0x1BF5;
	p2 =	por !p2, p0  }
0x20: {  	[sflag:s8] =	ssyncset.s32 @!p0 $0xFFFFF086;
	s6 =	sadd.s32 @!p0 s3, s7;
	s7 =	simm.s32 @!p0 $0x108  }
0x21: {  	s3 =	sadd.s32 s3, s9;
	s6 =	sadd.s32 @!p0 $0x88, s6;
	s7 =	simm.s32 @p2 $0x1082  }
0x22: {  	[simem:s7], [sflag:s8] =	dma.local @!p0 [hbm:s6], $0xF7A  }
0x23: {  	s9 =	sor.u32 $0xD0000000, s2;
	s6 =	simm.s32 $0x108;
	_ =	swait.ge @!p0 [sflag:s8], $0x0  }
0x24: {  	s3 =	sadd.s32 $0x88, s3;
	s6 =	simm.s32 @!p1 $0x1082;
	[sflag:s4] =	ssyncset.s32 $0xFFFFF086  }
0x25: {  	[simem:s6], [sflag:s4] =	dma.local [hbm:s3], $0xF7A  }
0x26: {  	[smem:$0x3F9B] =	sst s1;
	(tag) =	ssettag s2;
	_ =	strace s9  }
0x27: {  	s1 =	sld [smem:$0x3FAB]  }
0x28: {  	s2 =	sld [smem:$0x3FAC]  }
0x29: {  	s4 =	sld [smem:$0x3FAE]  }
0x2a: {  	p0 =	seq.s32 s5, $0x0;
	s5 =	sld [smem:$0x3FAF]  }
0x2b: {  	s6 =	sld [smem:$0x3FB0]  }
0x2c: {  	s7 =	sld [smem:$0x3FB1]  }
0x2d: {  	s3 =	simm.s32 $0x108;
	s8 =	sld [smem:$0x3FB2]  }
0x2e: {  	s3 =	simm.s32 @!p0 $0x1082;
	s9 =	sld [smem:$0x3FB3]  }
0x2f: {  	lr =	sadd.s32 s0, s3;
	s0 =	sld [smem:$0x3FAA]  }
0x30: {  	s3 =	sld [smem:$0x3FAD]  }
0x31: {  	[smem:$0x3FB6] =	sst s10  }
0x32: {  	s10 =	sld [smem:$0x3FB4];
	_ =	sdelay $0x3  }
0x33: {  	p0 =	seq.s32 s10, $0x1;
	s10 =	sld [smem:$0x3FB6];
	_ =	sdelay $0x3  }
0x34: {  	[smem:$0x3FB6] =	sst s10  }
0x35: {  	s10 =	sld [smem:$0x3FB5];
	_ =	sdelay $0x3  }
0x36: {  	p1 =	seq.s32 s10, $0x1;
	s10 =	sld [smem:$0x3FB6];
	_ =	sdelay $0x3  }
0x37: {  	[smem:$0x3FB6] =	sst s10  }
0x38: {  	s10 =	sld [smem:$0x3FB7]  }
0x39: {  	_ = 	snop;
	(pc) =	sbr.ind lr, $3  }
0x3a: {  	_ = 	snop  }
0x3b: {  	_ = 	snop  }
0x3c: {  	p2 =	seq.s32 s10, $0x1;
	s10 =	sld [smem:$0x3FB6]  }
0x3d: {  	_ =	shalt  }
0x3e: {  	_ =	shalt  }
0x3f: {  	_ =	shalt  }
0x40: {  	_ =	shalt  }
0x41: {  	_ =	shalt  }
0x42: {  	_ =	shalt  }
0x43: {  	_ =	shalt  }
0x44: {  	_ =	shalt  }
0x45: {  	_ =	shalt  }
0x46: {  	_ =	shalt  }
0x47: {  	_ =	shalt  }
0x48: {  	_ =	shalt  }
0x49: {  	_ =	shalt  }
0x4a: {  	_ =	shalt  }
0x4b: {  	_ =	shalt  }
0x4c: {  	_ =	shalt  }
0x4d: {  	_ =	shalt  }
0x4e: {  	_ =	shalt  }
0x4f: {  	_ =	shalt  }
0x50: {  	_ =	shalt  }
0x51: {  	_ =	shalt  }
0x52: {  	_ =	shalt  }
0x53: {  	_ =	shalt  }
0x54: {  	_ =	shalt  }
0x55: {  	_ =	shalt  }
0x56: {  	_ =	shalt  }
0x57: {  	_ =	shalt  }
0x58: {  	_ =	shalt  }
0x59: {  	_ =	shalt  }
0x5a: {  	_ =	shalt  }
0x5b: {  	_ =	shalt  }
0x5c: {  	_ =	shalt  }
0x5d: {  	_ =	shalt  }
0x5e: {  	_ =	shalt  }
0x5f: {  	_ =	shalt  }
0x60: {  	_ =	shalt  }
0x61: {  	_ =	shalt  }
0x62: {  	_ =	shalt  }
0x63: {  	_ =	shalt  }
0x64: {  	_ =	shalt  }
0x65: {  	_ =	shalt  }
0x66: {  	_ =	shalt  }
0x67: {  	_ =	shalt  }
0x68: {  	_ =	shalt  }
0x69: {  	_ =	shalt  }
0x6a: {  	_ =	shalt  }
0x6b: {  	_ =	shalt  }
0x6c: {  	_ =	shalt  }
0x6d: {  	_ =	shalt  }
0x6e: {  	_ =	shalt  }
0x6f: {  	_ =	shalt  }
0x70: {  	_ =	shalt  }
0x71: {  	_ =	shalt  }
0x72: {  	_ =	shalt  }
0x73: {  	_ =	shalt  }
0x74: {  	_ =	shalt  }
0x75: {  	_ =	shalt  }
0x76: {  	_ =	shalt  }
0x77: {  	_ =	shalt  }
0x78: {  	_ =	shalt  }
0x79: {  	_ =	shalt  }
0x7a: {  	_ =	shalt  }
0x7b: {  	_ =	shalt  }
0x7c: {  	_ =	shalt  }
0x7d: {  	_ =	shalt  }
0x7e: {  	_ =	shalt  }
0x7f: {  	_ =	shalt  }
0x80: {  	_ =	shalt  }
0x81: {  	_ =	shalt  }
0x82: {  	_ =	shalt  }
0x83: {  	_ =	shalt  }
0x84: {  	_ =	shalt  }
0x85: {  	_ =	shalt  }
0x86: {  	_ =	shalt  }
0x87: {  	_ =	shalt  }
.Lfunc_end0:
.L_simem_size_0:
called_computation.2_lowered:
.L_overlay_start_0:
0x88: {  	s2 =	sld [smem:$0x3FD9]  }
0x89: {  	s3 =	sld [smem:$0x3FFE];
	_ =	sdelay $0x1  }
0x8a: {  	s1 =	srdreg.scid  }
0x8b: {  	s0 =	sand.u32 $0x1, s1  }
0x8c: {  	s17 =	sshll.u32 s0, $0xA;
	s2 =	sadd.s32 s3, s2  }
0x8d: {  	s2 =	sadd.s32 s2, s17  }
0x8e: {  	[smem:$0x3FC2] =	sst s2  }
0x8f: {  	_ = 	snop  }
0x90: {  	s18 =	sld [smem:$0x3FC6];
	(tm) =	ssettm $0x1  }
0x91: {  	s19 =	sld [smem:$0x3FFB];
	_ =	sdelay $0x3  }
0x92: {  	_ =	strace s19  }
0x93: {  	s2 =	sld [smem:$0x3FFC];
	_ =	sdelay $0x3  }
0x94: {  	_ =	strace s2  }
0x95: {  	s2 =	sld [smem:$0x3FFD];
	_ =	sdelay $0x3  }
0x96: {  	_ =	strace s2  }
0x97: {  	_ =	strace $0x8FFFFFFF  }
0x98: {  	s20 =	sld [smem:$0x3FDB];
	_ =	sdelay $0x1  }
0x99: {  	s4 =	simm.s32 $_scs_section_size  }
0x9a: {  	s5 =	simm.s32 $_size__tile_overlayer_lowered;
	s6 =	simm.s32 $_tile_overlayer_lowered  }
0x9b: {  	s7 =	simm.s32 $0x1BFF;
	s21 =	sshll.u32 s6, $0x1;
	s4 =	sadd.s32 s4, s20  }
0x9c: {  	s22 =	simm.s32 $0x0;
	s5 =	sshll.u32 s5, $0x1;
	s6 =	sadd.s32 s21, s4  }
0x9d: {  	[timem:s22], [sflag:s7] =	dma.local [hbm:s6], s5  }
0x9e: {  	_ =	swait.ge [sflag:s7], s5  }
0x9f: {  	s5 =	ssub.s32 $0x0, s5;
	[sflag:s7] =	ssyncset.done $0x0  }
0xa0: {  	[sflag:s7] =	ssyncadd.s32 s5;
	_ =	sdelay $0x1  }
0xa1: {  	s23 =	simm.s32 $0x1B8B  }
0xa2: {  	_ =	swait.ge [sflag:s23], $0x1  }
0xa3: {  	[sflag:s23] =	ssyncset.done $0x0  }
0xa4: {  	[sflag:s23] =	ssyncadd.s32 $0xFFFFFFFF  }
0xa5: {  	s5 =	sld [smem:$0x0]  }
0xa6: {  	s6 =	sand.u32 $0xFFFFFFFE, s1  }
0xa7: {  	p0 =	sne.s32 s1, s6  }
0xa8: {  	s6 =	sshll.u32 @p0 s6, $0xE  }
0xa9: {  	s6 =	sadd.s32 @p0 $0x11B8D, s6;
	s7 =	sshll.u32 @p0 s5, $0x11  }
0xaa: {  	s6 =	sor.u32 @p0 s7, s6  }
0xab: {  	[sflag:s6] =	ssyncadd.remote.s32 @p0 $0x1;
	_ =	sdelay $0x1  }
0xac: {  	s6 =	simm.s32 @p0 $0x1B8D  }
0xad: {  	_ =	swait.eq @p0 [sflag:s6], $0x1  }
0xae: {  	[sflag:s6] =	ssyncadd.s32 @p0 $0xFFFFFFFF  }
0xaf: {  	s7 =	sshll.u32 @!p0 s1, $0xE  }
0xb0: {  	s7 =	sor.u32 @!p0 $0x4000, s7;
	s6 =	simm.s32 @!p0 $0x1B8D  }
0xb1: {  	s5 =	sshll.u32 @!p0 s5, $0x11;
	s7 =	sadd.s32 @!p0 $0x11B8D, s7;
	_ =	swait.eq @!p0 [sflag:s6], $0x1  }
0xb2: {  	s5 =	sor.u32 @!p0 s5, s7;
	[sflag:s6] =	ssyncadd.s32 @!p0 $0xFFFFFFFF  }
0xb3: {  	s25 =	simm.s32 $0x1B8E;
	s24 =	sld [smem:$0x3FFE];
	[sflag:s5] =	ssyncadd.remote.s32 @!p0 $0x1  }
0xb4: {  	s26 =	simm.s32 $execute0_lowered;
	[smem:$0x3FD2] =	sst s25  }
0xb5: {  	s6 =	sshll.u32 s26, $0x1;
	_ =	strace $0x8000004C;
	[dreg:$0x1] =	wrdreg $0xFFFFFFFF  }
0xb6: {  	s28 =	simm.s32 $_size_execute0_lowered;
	s4 =	sadd.s32 s4, s6;
	[dreg:$0x0] =	wrdreg $0x0  }
0xb7: {  	s6 =	sshll.u32 s28, $0x1;
	[dreg:$0x2] =	wrdreg s4  }
0xb8: {  	[dreg:$0x3] =	wrdreg s6  }
0xb9: {  	[dreg:$0x4] =	wrdreg $0xC0  }
0xba: {  	_ =	task [dreg:s22], $0x5FFFF  }
0xbb: {  	[dreg:$0x1] =	wrdreg $0xFFFFFFFF  }
0xbc: {  	[dreg:$0x0] =	wrdreg $0x60  }
0xbd: {  	[dreg:$0x2] =	wrdreg s18  }
0xbe: {  	[dreg:$0x3] =	wrdreg s24  }
0xbf: {  	[dreg:$0x4] =	wrdreg $0xB  }
0xc0: {  	_ =	task.clear_ibuf [dreg:s22], $0x5FFFF;
	_ =	strace $0x9000004C  }
0xc1: {  	s29 =	simm.s32 $0xB;
	_ =	strace $0x8000004E  }
0xc2: {  	_ =	swait.ge [sflag:s29], $0x1  }
0xc3: {  	[sflag:s29] =	ssyncadd.s32 $0xFFFFFFFF  }
0xc4: {  	_ =	strace $0x9000004E  }
0xc5: {  	_ =	sfence  }
0xc6: {  	s30 =	sld [smem:$0x0];
	_ =	sdelay $0x2  }
0xc7: {  	s31 =	sshll.u32 s1, $0xD;
	s1 =	sshrl.u32 s1, $0x2  }
0xc8: {  	s4 =	sand.u32 $0x4000, s31;
	s1 =	sadd.s32 s1, s30  }
0xc9: {  	s0 =	sor.u32 s4, s0;
	s1 =	sshll.u32 s1, $0x11  }
0xca: {  	s0 =	sor.u32 s1, s0  }
0xcb: {  	s0 =	sadd.s32 $0x8F2B, s0  }
0xcc: {  	[sflag:s0] =	ssyncadd.remote.s32 $0x1  }
0xcd: {  	_ =	sfence.sel $0xFFFF  }
0xce: {  	[dreg:$0x0] =	wrdreg $0xFFFFFFFF;
	(pc) =	sbr.abs _section_cstart, $3  }
0xcf: {  	[dreg:$0x1] =	wrdreg $0xFFFFFFFF  }
0xd0: {  	_ =	task.clear_ibuf [dreg:s22], $0x2FFFF;
	_ =	strace $0x9FFFFFFF  }
0xd1: {  	(tm) =	ssettm $0x7FFFFFFF  }
tec
execute0_lowered:
.L_overlay_start_1:
0x0: {  	(tag) =	ssettag $0x1  }
0x1: {  	s1 =	srdreg.scid  }
0x2: {  	s0 =	stileid.u32;
	s4 =	rddreg [dreg:$0x0]  }
0x3: {  	s6 =	rddreg [dreg:$0x1];
	s12 =	simm.s32 $0x18F00;
	s13 =	simm.s32 $0x5  }
0x4: {  	s14 =	simm.s32 $0x80;
	s15 =	simm.s32 $0x6;
	s16 =	simm.s32 $0xC380  }
0x5: {  	s17 =	simm.s32 $0x1;
	s18 =	simm.s32 $0x3;
	s19 =	simm.s32 $0x2  }
0x6: {  	s20 =	simm.s32 $0x4;
	s21 =	simm.s32 $0x0;
	s3 =	sand.u32 $0x1, s1  }
0x7: {  	s23 =	sshll.u32 s0, $0x2;
	s9 =	sshrl.u32 s0, $0x1;
	s10 =	sadd.s32 $0x198400, s6  }
0x8: {  	s2 =	sshll.u32 s3, $0x1;
	s3 =	ssub.s32 $0x2, s3;
	s9 =	smul.u32 $0xC3800, s9  }
0x9: {  	s1 =	sor.u32 s2, s23;
	s2 =	simm.s32 $0x0;
	s24 =	sshrl.u32 s3, $0x1  }
0xa: {  	s5 =	sor.u32 $0x80, s1;
	s8 =	sshll.u32 s1, $0x7;
	s1 =	rddreg [dreg:$0x2]  }
0xb: {  	[smem:$0x7FF] =	sst s2;
	s11 =	ssub.s32 s3, s24;
	s29 =	sadd.s32 $0x61C00, s9  }
0xc: {  	s7 =	sshll.u32 s5, $0xB;
	_ =	strace $0x8000004D;
	s5 =	sshrl.u32 s5, $0x1  }
0xd: {  	s25 =	sand.u32 $0x300, s8;
	s7 =	sor.u32 s8, s7;
	s5 =	sand.u32 $0x50, s5  }
0xe: {  	s26 =	sor.u32 s9, s25;
	s8 =	sor.u32 s29, s25;
	s7 =	sand.u32 $0x5C300, s7  }
0xf: {  	s4 =	sadd.s32 s4, s5;
	s28 =	sshrl.u32 s26, $0x3;
	s7 =	sshrl.u32 s7, $0x3  }
0x10: {  	s8 =	sshrl.u32 s8, $0x3;
	s7 =	sadd.s32 s7, s6;
	s6 =	sor.u32 $0x80, s25  }
0x11: {  	s5 =	sadd.s32 s10, s28;
	s3 =	sadd.s32 $0x1400, s7;
	s9 =	sor.u32 s9, s6  }
0x12: {  	s7 =	sor.u32 s29, s6;
	s6 =	sadd.s32 s10, s8;
	s30 =	sshrl.u32 s9, $0x3  }
0x13: {  	s31 =	sshrl.u32 s7, $0x3;
	s9 =	smax.u32 s11, $0x1;
	s11 =	simm.s32 $0x400  }
0x14: {  	s7 =	sadd.s32 s10, s30;
	s8 =	sadd.s32 s10, s31;
	s10 =	simm.s32 $0x100  }
.LBB2_1:
0x15: {  	[tilespmem:s12], [sflag:$0x5] =	stream.strided.gather [hbm4b:s3+s10], $0x1000, s11, s10, $0x38;
	[tilespmem:$0x19F00] =	vst v63  }
0x16: {  	_ =	swait.ge [sflag:s13], $0x1000  }
0x17: {  	[sflag:s13] =	ssyncset.done $0x0  }
0x18: {  	s22 =	simm.s32 $0x18700;
	[sflag:s13] =	ssyncadd.s32 $0xFFFFF000  }
0x19: {  	[tilespmem:s22], [sflag:$0x6] =	stream.strided.gather [hbm4b:s4+s14], $0x800, s11, s14, $0x38;
	[tilespmem:$0x19F00] =	vst v63  }
0x1a: {  	_ =	swait.ge [sflag:s15], $0x800  }
0x1b: {  	[sflag:s15] =	ssyncset.done $0x0  }
0x1c: {  	[sflag:s15] =	ssyncadd.s32 $0xFFFFF800  }
0x1d: {  	[tilespmem:s2], [sflag:$0x1] =	stream.strided.gather [hbm4b:s5+s14], $0xC380, s11, s14, $0x38;
	[tilespmem:$0x19F00] =	vst v63  }
0x1e: {  	_ = 	snop  }
0x1f: {  	[tilespmem:s16], [sflag:$0x2] =	stream.strided.gather [hbm4b:s6+s14], $0xC380, s11, s14, $0x38;
	[tilespmem:$0x19F00] =	vst v63  }
0x20: {  	_ =	swait.ge [sflag:s17], $0xC380  }
0x21: {  	[sflag:s17] =	ssyncset.done $0x0  }
0x22: {  	[sflag:s17] =	ssyncadd.s32 $0xFFFF3C80  }
0x23: {  	v0 =	vld [tilespmem:s22+$0x0];
	_ =	sdelay $0x3  }
0x24: {  	s31 =	sand.u32 $0x70, s2;
	s23 =	sand.u32 $0xF00, s2  }
0x25: {  	s22 =	sor.u32 s31, s23;
	vm0 =	vlt.u32 v0, $0xC380  }
0x26: {  	v1 =	vld [tilespmem:s22+$0x18F00];
	v0 =	vnsel vm0, $0x0, v0;
	_ =	sdelay $0x4  }
0x27: {  	s22 =	simm.s32 $0x18710;
	[tilespmem:v0+s2+$0x0] =	vst.idx.add.f32.msk vm0, v1  }
0x28: {  	s25 =	simm.s32 $0x20;
	s24 =	simm.s32 $0x0;
	s23 =	simm.s32 $0x10;
	v0 =	vld [tilespmem:s22+$0x0]  }
.LBB2_2:
0x29: {  	p0 =	sne.s32 s25, $0x7F0;
	_ =	sdelay $0x1  }
0x2a: {  	s24 =	sadd.s32 $0x20, s24  }
0x2b: {  	s26 =	sand.u32 $0x70, s23;
	s23 =	smov.u32 s25;
	s28 =	sand.u32 $0xF00, s24  }
0x2c: {  	s26 =	sor.u32 s26, s28;
	vm0 =	vlt.u32 v0, $0xC380  }
0x2d: {  	v1 =	vld [tilespmem:s26+$0x18F00];
	v0 =	vnsel vm0, $0x0, v0;
	_ =	sdelay $0x1  }
.Ltmp0:
0x2e: {  	(pc) =	sbr.rel @p0 .LBB2_2-.Ltmp0, $3  }
0x2f: {  	_ =	sdelay $0x1  }
0x30: {  	s22 =	sadd.s32 $0x10, s22;
	[tilespmem:v0+s2+$0x0] =	vst.idx.add.f32.msk vm0, v1  }
0x31: {  	s25 =	sadd.s32 $0x10, s25;
	v0 =	vld [tilespmem:s22+$0x0]  }
0x32: {  	_ =	sdelay $0x1  }
0x33: {  	s22 =	sadd.s32 $0x20, s24  }
0x34: {  	s23 =	sand.u32 $0x70, s23;
	s22 =	sand.u32 $0xF00, s22  }
0x35: {  	s22 =	sor.u32 s23, s22;
	vm0 =	vlt.u32 v0, $0xC380  }
0x36: {  	v1 =	vld [tilespmem:s22+$0x18F00];
	v0 =	vnsel vm0, $0x0, v0;
	_ =	sdelay $0x4  }
0x37: {  	s22 =	simm.s32 $0x0;
	[tilespmem:v0+s2+$0x0] =	vst.idx.add.f32.msk vm0, v1  }
0x38: {  	[hbm4b:s5+s14] =	stream.strided.scatter [tilespmem:s22], [sflag:$0x3], $0xC380, s11, s14, $0x38;
	[tilespmem:$0x19F00] =	vst v63  }
0x39: {  	_ =	swait.ge [sflag:s18], $0xC380  }
0x3a: {  	[sflag:s18] =	ssyncset.done $0x0  }
0x3b: {  	[sflag:s18] =	ssyncadd.s32 $0xFFFF3C80  }
0x3c: {  	[tilespmem:s22], [sflag:$0x1] =	stream.strided.gather [hbm4b:s7+s14], $0xC380, s11, s14, $0x38;
	[tilespmem:$0x19F00] =	vst v63  }
0x3d: {  	_ =	swait.ge [sflag:s19], $0xC380  }
0x3e: {  	[sflag:s19] =	ssyncset.done $0x0  }
0x3f: {  	s29 =	simm.s32 $0x18700;
	[sflag:s19] =	ssyncadd.s32 $0xFFFF3C80  }
0x40: {  	v0 =	vld [tilespmem:s29+$0x0];
	_ =	sdelay $0x4  }
0x41: {  	s30 =	sand.u32 $0x70, s22;
	s31 =	sand.u32 $0xF00, s22;
	v0 =	vadd.s32 $0xFFFF3C80, v0  }
0x42: {  	s23 =	sor.u32 s30, s31;
	vm15 =	vlt.u32 v0, $0xC380  }
0x43: {  	v1 =	vld [tilespmem:s23+$0x18F00];
	v0 =	vnsel vm15, $0x0, v0;
	_ =	sdelay $0x4  }
0x44: {  	s23 =	simm.s32 $0x18710;
	[tilespmem:v0+s16+$0x0] =	vst.idx.add.f32.msk vm15, v1  }
0x45: {  	s24 =	simm.s32 $0x10;
	s25 =	simm.s32 $0x20;
	v0 =	vld [tilespmem:s23+$0x0]  }
.LBB2_4:
0x46: {  	p0 =	sne.s32 s25, $0x7F0;
	_ =	sdelay $0x2  }
0x47: {  	s22 =	sadd.s32 $0x20, s22  }
0x48: {  	s26 =	sand.u32 $0x70, s24;
	s24 =	smov.u32 s25;
	s28 =	sand.u32 $0xF00, s22;
	v0 =	vadd.s32 $0xFFFF3C80, v0  }
0x49: {  	s26 =	sor.u32 s26, s28;
	vm0 =	vlt.u32 v0, $0xC380  }
0x4a: {  	v1 =	vld [tilespmem:s26+$0x18F00];
	v0 =	vnsel vm0, $0x0, v0;
	_ =	sdelay $0x1  }
.Ltmp1:
0x4b: {  	(pc) =	sbr.rel @p0 .LBB2_4-.Ltmp1, $3  }
0x4c: {  	_ =	sdelay $0x1  }
0x4d: {  	s23 =	sadd.s32 $0x10, s23;
	[tilespmem:v0+s16+$0x0] =	vst.idx.add.f32.msk vm0, v1  }
0x4e: {  	s25 =	sadd.s32 $0x10, s25;
	v0 =	vld [tilespmem:s23+$0x0]  }
0x4f: {  	_ =	sdelay $0x2  }
0x50: {  	s22 =	sadd.s32 $0x20, s22  }
0x51: {  	s23 =	sand.u32 $0x70, s24;
	s22 =	sand.u32 $0xF00, s22;
	v0 =	vadd.s32 $0xFFFF3C80, v0  }
0x52: {  	s22 =	sor.u32 s23, s22;
	vm0 =	vlt.u32 v0, $0xC380  }
0x53: {  	v1 =	vld [tilespmem:s22+$0x18F00];
	v0 =	vnsel vm0, $0x0, v0;
	_ =	sdelay $0x4  }
0x54: {  	[tilespmem:v0+s16+$0x0] =	vst.idx.add.f32.msk vm0, v1  }
0x55: {  	[hbm4b:s6+s14] =	stream.strided.scatter [tilespmem:s16], [sflag:$0x4], $0xC380, s11, s14, $0x38;
	[tilespmem:$0x19F00] =	vst v63  }
0x56: {  	_ =	swait.ge [sflag:s20], $0xC380  }
0x57: {  	[sflag:s20] =	ssyncset.done $0x0  }
0x58: {  	[sflag:s20] =	ssyncadd.s32 $0xFFFF3C80  }
0x59: {  	[tilespmem:s16], [sflag:$0x2] =	stream.strided.gather [hbm4b:s8+s14], $0xC380, s11, s14, $0x38;
	[tilespmem:$0x19F00] =	vst v63  }
0x5a: {  	_ =	swait.ge [sflag:s17], $0xC380  }
0x5b: {  	[sflag:s17] =	ssyncset.done $0x0  }
0x5c: {  	s29 =	simm.s32 $0x18700;
	[sflag:s17] =	ssyncadd.s32 $0xFFFF3C80  }
0x5d: {  	v0 =	vld [tilespmem:s29+$0x0];
	_ =	sdelay $0x2  }
0x5e: {  	s22 =	simm.s32 $0x0  }
0x5f: {  	s30 =	sand.u32 $0x70, s22;
	s31 =	sand.u32 $0xF00, s22  }
0x60: {  	s23 =	sor.u32 s30, s31;
	vm15 =	vlt.u32 v0, $0xC380  }
0x61: {  	v1 =	vld [tilespmem:s23+$0x18F80];
	v0 =	vnsel vm15, $0x0, v0;
	_ =	sdelay $0x4  }
0x62: {  	s23 =	simm.s32 $0x18710;
	[tilespmem:v0+s2+$0x0] =	vst.idx.add.f32.msk vm15, v1  }
0x63: {  	s24 =	simm.s32 $0x10;
	s25 =	simm.s32 $0x20;
	v0 =	vld [tilespmem:s23+$0x0]  }
.LBB2_6:
0x64: {  	p0 =	sne.s32 s25, $0x7F0;
	_ =	sdelay $0x1  }
0x65: {  	s22 =	sadd.s32 $0x20, s22  }
0x66: {  	s26 =	sand.u32 $0x70, s24;
	s24 =	smov.u32 s25;
	s28 =	sand.u32 $0xF00, s22  }
0x67: {  	s26 =	sor.u32 s26, s28;
	vm0 =	vlt.u32 v0, $0xC380  }
0x68: {  	v1 =	vld [tilespmem:s26+$0x18F80];
	v0 =	vnsel vm0, $0x0, v0;
	_ =	sdelay $0x1  }
.Ltmp2:
0x69: {  	(pc) =	sbr.rel @p0 .LBB2_6-.Ltmp2, $3  }
0x6a: {  	_ =	sdelay $0x1  }
0x6b: {  	s23 =	sadd.s32 $0x10, s23;
	[tilespmem:v0+s2+$0x0] =	vst.idx.add.f32.msk vm0, v1  }
0x6c: {  	s25 =	sadd.s32 $0x10, s25;
	v0 =	vld [tilespmem:s23+$0x0]  }
0x6d: {  	_ =	sdelay $0x1  }
0x6e: {  	s22 =	sadd.s32 $0x20, s22  }
0x6f: {  	s23 =	sand.u32 $0x70, s24;
	s22 =	sand.u32 $0xF00, s22  }
0x70: {  	s22 =	sor.u32 s23, s22;
	vm0 =	vlt.u32 v0, $0xC380  }
0x71: {  	v1 =	vld [tilespmem:s22+$0x18F80];
	v0 =	vnsel vm0, $0x0, v0;
	_ =	sdelay $0x4  }
0x72: {  	s22 =	simm.s32 $0x0;
	[tilespmem:v0+s2+$0x0] =	vst.idx.add.f32.msk vm0, v1  }
0x73: {  	[hbm4b:s7+s14] =	stream.strided.scatter [tilespmem:s22], [sflag:$0x3], $0xC380, s11, s14, $0x38;
	[tilespmem:$0x19F00] =	vst v63  }
0x74: {  	_ =	swait.ge [sflag:s19], $0xC380  }
0x75: {  	[sflag:s19] =	ssyncset.done $0x0  }
0x76: {  	s29 =	simm.s32 $0x18700;
	[sflag:s19] =	ssyncadd.s32 $0xFFFF3C80  }
0x77: {  	v0 =	vld [tilespmem:s29+$0x0];
	_ =	sdelay $0x4  }
0x78: {  	s30 =	sand.u32 $0x70, s22;
	s31 =	sand.u32 $0xF00, s22;
	v0 =	vadd.s32 $0xFFFF3C80, v0  }
0x79: {  	s23 =	sor.u32 s30, s31;
	vm15 =	vlt.u32 v0, $0xC380  }
0x7a: {  	v1 =	vld [tilespmem:s23+$0x18F80];
	v0 =	vnsel vm15, $0x0, v0;
	_ =	sdelay $0x4  }
0x7b: {  	s23 =	simm.s32 $0x18710;
	[tilespmem:v0+s16+$0x0] =	vst.idx.add.f32.msk vm15, v1  }
0x7c: {  	s24 =	simm.s32 $0x10;
	s25 =	simm.s32 $0x20;
	v0 =	vld [tilespmem:s23+$0x0]  }
.LBB2_8:
0x7d: {  	p0 =	sne.s32 s25, $0x7F0;
	_ =	sdelay $0x2  }
0x7e: {  	s22 =	sadd.s32 $0x20, s22  }
0x7f: {  	s26 =	sand.u32 $0x70, s24;
	s24 =	smov.u32 s25;
	s28 =	sand.u32 $0xF00, s22;
	v0 =	vadd.s32 $0xFFFF3C80, v0  }
0x80: {  	s26 =	sor.u32 s26, s28;
	vm0 =	vlt.u32 v0, $0xC380  }
0x81: {  	v1 =	vld [tilespmem:s26+$0x18F80];
	v0 =	vnsel vm0, $0x0, v0;
	_ =	sdelay $0x1  }
.Ltmp3:
0x82: {  	(pc) =	sbr.rel @p0 .LBB2_8-.Ltmp3, $3  }
0x83: {  	_ =	sdelay $0x1  }
0x84: {  	s23 =	sadd.s32 $0x10, s23;
	[tilespmem:v0+s16+$0x0] =	vst.idx.add.f32.msk vm0, v1  }
0x85: {  	s25 =	sadd.s32 $0x10, s25;
	v0 =	vld [tilespmem:s23+$0x0]  }
0x86: {  	_ =	sdelay $0x2  }
0x87: {  	s22 =	sadd.s32 $0x20, s22  }
0x88: {  	s23 =	sand.u32 $0x70, s24;
	s22 =	sand.u32 $0xF00, s22;
	v0 =	vadd.s32 $0xFFFF3C80, v0  }
0x89: {  	s22 =	sor.u32 s23, s22;
	vm0 =	vlt.u32 v0, $0xC380  }
0x8a: {  	v1 =	vld [tilespmem:s22+$0x18F80];
	v0 =	vnsel vm0, $0x0, v0;
	_ =	sdelay $0x4  }
0x8b: {  	s21 =	sadd.s32 $0x1, s21;
	[tilespmem:v0+s16+$0x0] =	vst.idx.add.f32.msk vm0, v1  }
0x8c: {  	[hbm4b:s8+s14] =	stream.strided.scatter [tilespmem:s16], [sflag:$0x4], $0xC380, s11, s14, $0x38;
	[tilespmem:$0x19F00] =	vst v63  }
0x8d: {  	p0 =	sne.s32 s21, s9;
	_ =	swait.ge [sflag:s18], $0xC380  }
.Ltmp4:
0x8e: {  	[sflag:s18] =	ssyncset.done $0x0;
	(pc) =	sbr.rel @p0 .LBB2_1-.Ltmp4, $4  }
0x8f: {  	[sflag:s18] =	ssyncadd.s32 $0xFFFF3C80  }
0x90: {  	_ =	swait.ge [sflag:s20], $0xC380  }
0x91: {  	[sflag:s20] =	ssyncset.done $0x0  }
0x92: {  	[sflag:s20] =	ssyncadd.s32 $0xFFFF3C80  }
0x93: {  	_ =	sfence.sel $0x180000  }
0x94: {  	[bflag:$0x0] =	sbarrier.arrive $0xFFFF  }
0x95: {  	p0 =	sne.s32 s0, $0x0;
	_ =	strace $0x9000004D  }
0x96: {  	s0 =	sadd.s32 @!p0 $0x100000, s1;
	[bflag:$0x2] =	sbarrier.arrive $0xFFFF  }
0x97: {  	[sflag:s0] =	ssyncadd.tile.s32 @!p0 $0x1;
	_ =	shalt  }
.Lfunc_end2:
_tile_overlayer_lowered:
.L_overlay_start_2:
0x98: {  	(tag) =	ssettag $0x2  }
0x99: {  	s0 =	rddreg [dreg:$0x0];
	s2 =	stileid.u32  }
0x9a: {  	s1 =	rddreg [dreg:$0x1];
	p0 =	sne.s32 s2, $0x0  }
0x9b: {  	s3 =	rddreg [dreg:$0x2];
	[bflag:$0x3] =	sbarrier.arrive $0xFFFF;
	s2 =	simm.s32 @!p0 $0x1C06  }
0x9c: {  	[timem:s3], [sflag:s2] =	dma.local @!p0 [hbm:s0], s1  }
0x9d: {  	s0 =	simm.s32 @!p0 $0x6  }
0x9e: {  	_ =	swait.ge @!p0 [sflag:s0], s1  }
0x9f: {  	s1 =	ssub.s32 @!p0 $0x0, s1;
	[sflag:s0] =	ssyncset.done @!p0 $0x0  }
0xa0: {  	[sflag:s0] =	ssyncadd.s32 @!p0 s1  }
0xa1: {  	[bflag:$0x3] =	sbarrier.arrive $0xFFFF  }
0xa2: {  	_ =	shalt  }

// kernel: kernel.24.cloned.1.call-start
scs
__scs_entry_jumppad:
0x0: {  	(pc) =	sbr.rel $0x88, $3  }
0x1: {  	(tag) =	ssettag $0x0;
	lr =	simm.s32 $0x1  }
0x2: {  	[smem:$0x3F9B] =	sst lr;
	_ =	strace $0xD0000000  }
0x3: {  	_ = 	snop  }
0x4: {  	_ = 	snop  }
0x5: {  	_ = 	snop  }
0x6: {  	_ = 	snop  }
0x7: {  	_ = 	snop  }
__scs_overlays_trampoline_lowered:
0x8: {  	[smem:$0x3FAA] =	sst s0  }
0x9: {  	[smem:$0x3FAB] =	sst s1  }
0xa: {  	[smem:$0x3FAC] =	sst s2  }
0xb: {  	[smem:$0x3FAD] =	sst s3  }
0xc: {  	[smem:$0x3FAE] =	sst s4  }
0xd: {  	[smem:$0x3FAF] =	sst s5  }
0xe: {  	[smem:$0x3FB0] =	sst s6  }
0xf: {  	[smem:$0x3FB1] =	sst s7  }
0x10: {  	[smem:$0x3FB2] =	sst s8  }
0x11: {  	[smem:$0x3FB3] =	sst s9;
	s0 =	simm.s32 @!p0 $0x0  }
0x12: {  	s1 =	sld [smem:$0x3F99];
	s0 =	simm.s32 @p0 $0x1  }
0x13: {  	[smem:$0x3FB4] =	sst s0;
	s0 =	simm.s32 @!p1 $0x0  }
0x14: {  	s2 =	sld [smem:$0x3F98];
	s0 =	simm.s32 @p1 $0x1  }
0x15: {  	[smem:$0x3FB5] =	sst s0;
	s0 =	simm.s32 @!p2 $0x0  }
0x16: {  	s3 =	sld [smem:$0x3FDB];
	s0 =	simm.s32 @p2 $0x1  }
0x17: {  	s4 =	simm.s32 $0x1BF5;
	[smem:$0x3FB7] =	sst s0  }
0x18: {  	s0 =	sld [smem:$0x3F9A];
	_ =	swait.ge [sflag:s4], $0x0  }
0x19: {  	s7 =	sld [smem:$0x3F9B]  }
0x1a: {  	s8 =	sadd.s32 $0xFFFFE003, lr  }
0x1b: {  	s9 =	sadd.s32 $0xFFFFFEF7, lr;
	s5 =	simm.s32 $0xFFFFFFFF;
	p2 =	slt.u32 s8, $0xFFFFF086  }
0x1c: {  	p1 =	slt.u32 s9, $0xF7A;
	s5 =	simm.s32 @!p2 $0x0  }
0x1d: {  	s5 =	simm.s32 @p1 $0x1;
	p0 =	seq.s32 s7, s2  }
0x1e: {  	s7 =	smul.u32 @!p0 $0xF7A, s2;
	p2 =	seq.s32 @!p0 s5, $0x0  }
0x1f: {  	s9 =	smul.u32 $0xF7A, s1;
	s8 =	simm.s32 @!p0 $0x1BF5;
	p2 =	por !p2, p0  }
0x20: {  	[sflag:s8] =	ssyncset.s32 @!p0 $0xFFFFF086;
	s6 =	sadd.s32 @!p0 s3, s7;
	s7 =	simm.s32 @!p0 $0x108  }
0x21: {  	s3 =	sadd.s32 s3, s9;
	s6 =	sadd.s32 @!p0 $0x88, s6;
	s7 =	simm.s32 @p2 $0x1082  }
0x22: {  	[simem:s7], [sflag:s8] =	dma.local @!p0 [hbm:s6], $0xF7A  }
0x23: {  	s9 =	sor.u32 $0xD0000000, s2;
	s6 =	simm.s32 $0x108;
	_ =	swait.ge @!p0 [sflag:s8], $0x0  }
0x24: {  	s3 =	sadd.s32 $0x88, s3;
	s6 =	simm.s32 @!p1 $0x1082;
	[sflag:s4] =	ssyncset.s32 $0xFFFFF086  }
0x25: {  	[simem:s6], [sflag:s4] =	dma.local [hbm:s3], $0xF7A  }
0x26: {  	[smem:$0x3F9B] =	sst s1;
	(tag) =	ssettag s2;
	_ =	strace s9  }
0x27: {  	s1 =	sld [smem:$0x3FAB]  }
0x28: {  	s2 =	sld [smem:$0x3FAC]  }
0x29: {  	s4 =	sld [smem:$0x3FAE]  }
0x2a: {  	p0 =	seq.s32 s5, $0x0;
	s5 =	sld [smem:$0x3FAF]  }
0x2b: {  	s6 =	sld [smem:$0x3FB0]  }
0x2c: {  	s7 =	sld [smem:$0x3FB1]  }
0x2d: {  	s3 =	simm.s32 $0x108;
	s8 =	sld [smem:$0x3FB2]  }
0x2e: {  	s3 =	simm.s32 @!p0 $0x1082;
	s9 =	sld [smem:$0x3FB3]  }
0x2f: {  	lr =	sadd.s32 s0, s3;
	s0 =	sld [smem:$0x3FAA]  }
0x30: {  	s3 =	sld [smem:$0x3FAD]  }
0x31: {  	[smem:$0x3FB6] =	sst s10  }
0x32: {  	s10 =	sld [smem:$0x3FB4];
	_ =	sdelay $0x3  }
0x33: {  	p0 =	seq.s32 s10, $0x1;
	s10 =	sld [smem:$0x3FB6];
	_ =	sdelay $0x3  }
0x34: {  	[smem:$0x3FB6] =	sst s10  }
0x35: {  	s10 =	sld [smem:$0x3FB5];
	_ =	sdelay $0x3  }
0x36: {  	p1 =	seq.s32 s10, $0x1;
	s10 =	sld [smem:$0x3FB6];
	_ =	sdelay $0x3  }
0x37: {  	[smem:$0x3FB6] =	sst s10  }
0x38: {  	s10 =	sld [smem:$0x3FB7]  }
0x39: {  	_ = 	snop;
	(pc) =	sbr.ind lr, $3  }
0x3a: {  	_ = 	snop  }
0x3b: {  	_ = 	snop  }
0x3c: {  	p2 =	seq.s32 s10, $0x1;
	s10 =	sld [smem:$0x3FB6]  }
0x3d: {  	_ =	shalt  }
0x3e: {  	_ =	shalt  }
0x3f: {  	_ =	shalt  }
0x40: {  	_ =	shalt  }
0x41: {  	_ =	shalt  }
0x42: {  	_ =	shalt  }
0x43: {  	_ =	shalt  }
0x44: {  	_ =	shalt  }
0x45: {  	_ =	shalt  }
0x46: {  	_ =	shalt  }
0x47: {  	_ =	shalt  }
0x48: {  	_ =	shalt  }
0x49: {  	_ =	shalt  }
0x4a: {  	_ =	shalt  }
0x4b: {  	_ =	shalt  }
0x4c: {  	_ =	shalt  }
0x4d: {  	_ =	shalt  }
0x4e: {  	_ =	shalt  }
0x4f: {  	_ =	shalt  }
0x50: {  	_ =	shalt  }
0x51: {  	_ =	shalt  }
0x52: {  	_ =	shalt  }
0x53: {  	_ =	shalt  }
0x54: {  	_ =	shalt  }
0x55: {  	_ =	shalt  }
0x56: {  	_ =	shalt  }
0x57: {  	_ =	shalt  }
0x58: {  	_ =	shalt  }
0x59: {  	_ =	shalt  }
0x5a: {  	_ =	shalt  }
0x5b: {  	_ =	shalt  }
0x5c: {  	_ =	shalt  }
0x5d: {  	_ =	shalt  }
0x5e: {  	_ =	shalt  }
0x5f: {  	_ =	shalt  }
0x60: {  	_ =	shalt  }
0x61: {  	_ =	shalt  }
0x62: {  	_ =	shalt  }
0x63: {  	_ =	shalt  }
0x64: {  	_ =	shalt  }
0x65: {  	_ =	shalt  }
0x66: {  	_ =	shalt  }
0x67: {  	_ =	shalt  }
0x68: {  	_ =	shalt  }
0x69: {  	_ =	shalt  }
0x6a: {  	_ =	shalt  }
0x6b: {  	_ =	shalt  }
0x6c: {  	_ =	shalt  }
0x6d: {  	_ =	shalt  }
0x6e: {  	_ =	shalt  }
0x6f: {  	_ =	shalt  }
0x70: {  	_ =	shalt  }
0x71: {  	_ =	shalt  }
0x72: {  	_ =	shalt  }
0x73: {  	_ =	shalt  }
0x74: {  	_ =	shalt  }
0x75: {  	_ =	shalt  }
0x76: {  	_ =	shalt  }
0x77: {  	_ =	shalt  }
0x78: {  	_ =	shalt  }
0x79: {  	_ =	shalt  }
0x7a: {  	_ =	shalt  }
0x7b: {  	_ =	shalt  }
0x7c: {  	_ =	shalt  }
0x7d: {  	_ =	shalt  }
0x7e: {  	_ =	shalt  }
0x7f: {  	_ =	shalt  }
0x80: {  	_ =	shalt  }
0x81: {  	_ =	shalt  }
0x82: {  	_ =	shalt  }
0x83: {  	_ =	shalt  }
0x84: {  	_ =	shalt  }
0x85: {  	_ =	shalt  }
0x86: {  	_ =	shalt  }
0x87: {  	_ =	shalt  }
.Lfunc_end0:
.L_simem_size_0:
called_computation.3_lowered:
.L_overlay_start_0:
0x88: {  	s2 =	sld [smem:$0x3FD9]  }
0x89: {  	s3 =	sld [smem:$0x3FFE];
	_ =	sdelay $0x1  }
0x8a: {  	s1 =	srdreg.scid  }
0x8b: {  	s0 =	sand.u32 $0x1, s1  }
0x8c: {  	s17 =	sshll.u32 s0, $0xA;
	s2 =	sadd.s32 s3, s2  }
0x8d: {  	s2 =	sadd.s32 s2, s17  }
0x8e: {  	[smem:$0x3FC2] =	sst s2  }
0x8f: {  	_ = 	snop  }
0x90: {  	s18 =	sld [smem:$0x3FC6];
	(tm) =	ssettm $0x1  }
0x91: {  	s19 =	sld [smem:$0x3FFB];
	_ =	sdelay $0x3  }
0x92: {  	_ =	strace s19  }
0x93: {  	s2 =	sld [smem:$0x3FFC];
	_ =	sdelay $0x3  }
0x94: {  	_ =	strace s2  }
0x95: {  	s2 =	sld [smem:$0x3FFD];
	_ =	sdelay $0x3  }
0x96: {  	_ =	strace s2  }
0x97: {  	_ =	strace $0x8FFFFFFF  }
0x98: {  	s20 =	sld [smem:$0x3FDB];
	_ =	sdelay $0x1  }
0x99: {  	s4 =	simm.s32 $_scs_section_size  }
0x9a: {  	s5 =	simm.s32 $_size__tile_overlayer_lowered;
	s6 =	simm.s32 $_tile_overlayer_lowered  }
0x9b: {  	s7 =	simm.s32 $0x1BFF;
	s21 =	sshll.u32 s6, $0x1;
	s4 =	sadd.s32 s4, s20  }
0x9c: {  	s22 =	simm.s32 $0x0;
	s5 =	sshll.u32 s5, $0x1;
	s6 =	sadd.s32 s21, s4  }
0x9d: {  	[timem:s22], [sflag:s7] =	dma.local [hbm:s6], s5  }
0x9e: {  	_ =	swait.ge [sflag:s7], s5  }
0x9f: {  	s5 =	ssub.s32 $0x0, s5;
	[sflag:s7] =	ssyncset.done $0x0  }
0xa0: {  	[sflag:s7] =	ssyncadd.s32 s5;
	_ =	sdelay $0x1  }
0xa1: {  	s23 =	simm.s32 $0x1B8B  }
0xa2: {  	_ =	swait.ge [sflag:s23], $0x1  }
0xa3: {  	[sflag:s23] =	ssyncset.done $0x0  }
0xa4: {  	[sflag:s23] =	ssyncadd.s32 $0xFFFFFFFF  }
0xa5: {  	s5 =	sld [smem:$0x0]  }
0xa6: {  	s6 =	sand.u32 $0xFFFFFFFE, s1  }
0xa7: {  	p0 =	sne.s32 s1, s6  }
0xa8: {  	s6 =	sshll.u32 @p0 s6, $0xE  }
0xa9: {  	s6 =	sadd.s32 @p0 $0x11B8D, s6;
	s7 =	sshll.u32 @p0 s5, $0x11  }
0xaa: {  	s6 =	sor.u32 @p0 s7, s6  }
0xab: {  	[sflag:s6] =	ssyncadd.remote.s32 @p0 $0x1;
	_ =	sdelay $0x1  }
0xac: {  	s6 =	simm.s32 @p0 $0x1B8D  }
0xad: {  	_ =	swait.eq @p0 [sflag:s6], $0x1  }
0xae: {  	[sflag:s6] =	ssyncadd.s32 @p0 $0xFFFFFFFF  }
0xaf: {  	s7 =	sshll.u32 @!p0 s1, $0xE  }
0xb0: {  	s7 =	sor.u32 @!p0 $0x4000, s7;
	s6 =	simm.s32 @!p0 $0x1B8D  }
0xb1: {  	s5 =	sshll.u32 @!p0 s5, $0x11;
	s7 =	sadd.s32 @!p0 $0x11B8D, s7;
	_ =	swait.eq @!p0 [sflag:s6], $0x1  }
0xb2: {  	s5 =	sor.u32 @!p0 s5, s7;
	[sflag:s6] =	ssyncadd.s32 @!p0 $0xFFFFFFFF  }
0xb3: {  	s25 =	simm.s32 $0x1B8E;
	s24 =	sld [smem:$0x3FFE];
	[sflag:s5] =	ssyncadd.remote.s32 @!p0 $0x1  }
0xb4: {  	s26 =	simm.s32 $execute0_lowered;
	[smem:$0x3FD2] =	sst s25  }
0xb5: {  	s6 =	sshll.u32 s26, $0x1;
	_ =	strace $0x8000004F;
	[dreg:$0x1] =	wrdreg $0xFFFFFFFF  }
0xb6: {  	s28 =	simm.s32 $_size_execute0_lowered;
	s4 =	sadd.s32 s4, s6;
	[dreg:$0x0] =	wrdreg $0x0  }
0xb7: {  	s6 =	sshll.u32 s28, $0x1;
	[dreg:$0x2] =	wrdreg s4  }
0xb8: {  	[dreg:$0x3] =	wrdreg s6  }
0xb9: {  	[dreg:$0x4] =	wrdreg $0xC0  }
0xba: {  	_ =	task [dreg:s22], $0x5FFFF  }
0xbb: {  	[dreg:$0x1] =	wrdreg $0xFFFFFFFF  }
0xbc: {  	[dreg:$0x0] =	wrdreg $0x60  }
0xbd: {  	[dreg:$0x2] =	wrdreg s18  }
0xbe: {  	[dreg:$0x3] =	wrdreg s24  }
0xbf: {  	[dreg:$0x4] =	wrdreg $0xC  }
0xc0: {  	_ =	task.clear_ibuf [dreg:s22], $0x5FFFF;
	_ =	strace $0x9000004F  }
0xc1: {  	s29 =	simm.s32 $0xC;
	_ =	strace $0x80000051  }
0xc2: {  	_ =	swait.ge [sflag:s29], $0x1  }
0xc3: {  	[sflag:s29] =	ssyncadd.s32 $0xFFFFFFFF  }
0xc4: {  	_ =	strace $0x90000051  }
0xc5: {  	_ =	sfence  }
0xc6: {  	s30 =	sld [smem:$0x0];
	_ =	sdelay $0x2  }
0xc7: {  	s31 =	sshll.u32 s1, $0xD;
	s1 =	sshrl.u32 s1, $0x2  }
0xc8: {  	s4 =	sand.u32 $0x4000, s31;
	s1 =	sadd.s32 s1, s30  }
0xc9: {  	s0 =	sor.u32 s4, s0;
	s1 =	sshll.u32 s1, $0x11  }
0xca: {  	s0 =	sor.u32 s1, s0  }
0xcb: {  	s0 =	sadd.s32 $0x8F2B, s0  }
0xcc: {  	[sflag:s0] =	ssyncadd.remote.s32 $0x1  }
0xcd: {  	_ =	sfence.sel $0xFFFF  }
0xce: {  	[dreg:$0x0] =	wrdreg $0xFFFFFFFF;
	(pc) =	sbr.abs _section_cstart, $3  }
0xcf: {  	[dreg:$0x1] =	wrdreg $0xFFFFFFFF  }
0xd0: {  	_ =	task.clear_ibuf [dreg:s22], $0x2FFFF;
	_ =	strace $0x9FFFFFFF  }
0xd1: {  	(tm) =	ssettm $0x7FFFFFFF  }
tec
execute0_lowered:
.L_overlay_start_1:
0x0: {  	(tag) =	ssettag $0x1  }
0x1: {  	s1 =	srdreg.scid  }
0x2: {  	s0 =	stileid.u32;
	s4 =	rddreg [dreg:$0x0]  }
0x3: {  	s6 =	rddreg [dreg:$0x1];
	s12 =	simm.s32 $0x18F00;
	s13 =	simm.s32 $0x5  }
0x4: {  	s14 =	simm.s32 $0x80;
	s15 =	simm.s32 $0x6;
	s16 =	simm.s32 $0xC380  }
0x5: {  	s17 =	simm.s32 $0x1;
	s18 =	simm.s32 $0x3;
	s19 =	simm.s32 $0x2  }
0x6: {  	s20 =	simm.s32 $0x4;
	s21 =	simm.s32 $0x0;
	s3 =	sand.u32 $0x1, s1  }
0x7: {  	s23 =	sshll.u32 s0, $0x2;
	s9 =	sshrl.u32 s0, $0x1;
	s10 =	sadd.s32 $0x25BC00, s6  }
0x8: {  	s2 =	sshll.u32 s3, $0x1;
	s3 =	ssub.s32 $0x2, s3;
	s9 =	smul.u32 $0xC3800, s9  }
0x9: {  	s1 =	sor.u32 s2, s23;
	s2 =	simm.s32 $0x0;
	s24 =	sshrl.u32 s3, $0x1  }
0xa: {  	s5 =	sor.u32 $0xC0, s1;
	s8 =	sshll.u32 s1, $0x7;
	s1 =	rddreg [dreg:$0x2]  }
0xb: {  	[smem:$0x7FF] =	sst s2;
	s11 =	ssub.s32 s3, s24;
	s29 =	sadd.s32 $0x61C00, s9  }
0xc: {  	s7 =	sshll.u32 s5, $0xB;
	_ =	strace $0x80000050;
	s5 =	sshrl.u32 s5, $0x1  }
0xd: {  	s25 =	sand.u32 $0x300, s8;
	s7 =	sor.u32 s8, s7;
	s5 =	sand.u32 $0x70, s5  }
0xe: {  	s26 =	sor.u32 s9, s25;
	s8 =	sor.u32 s29, s25;
	s7 =	sand.u32 $0x7C300, s7  }
0xf: {  	s4 =	sadd.s32 s4, s5;
	s28 =	sshrl.u32 s26, $0x3;
	s7 =	sshrl.u32 s7, $0x3  }
0x10: {  	s8 =	sshrl.u32 s8, $0x3;
	s7 =	sadd.s32 s7, s6;
	s6 =	sor.u32 $0x80, s25  }
0x11: {  	s5 =	sadd.s32 s10, s28;
	s3 =	sadd.s32 $0x1400, s7;
	s9 =	sor.u32 s9, s6  }
0x12: {  	s7 =	sor.u32 s29, s6;
	s6 =	sadd.s32 s10, s8;
	s30 =	sshrl.u32 s9, $0x3  }
0x13: {  	s31 =	sshrl.u32 s7, $0x3;
	s9 =	smax.u32 s11, $0x1;
	s11 =	simm.s32 $0x400  }
0x14: {  	s7 =	sadd.s32 s10, s30;
	s8 =	sadd.s32 s10, s31;
	s10 =	simm.s32 $0x100  }
.LBB2_1:
0x15: {  	[tilespmem:s12], [sflag:$0x5] =	stream.strided.gather [hbm4b:s3+s10], $0x1000, s11, s10, $0x38;
	[tilespmem:$0x19F00] =	vst v63  }
0x16: {  	_ =	swait.ge [sflag:s13], $0x1000  }
0x17: {  	[sflag:s13] =	ssyncset.done $0x0  }
0x18: {  	s22 =	simm.s32 $0x18700;
	[sflag:s13] =	ssyncadd.s32 $0xFFFFF000  }
0x19: {  	[tilespmem:s22], [sflag:$0x6] =	stream.strided.gather [hbm4b:s4+s14], $0x800, s11, s14, $0x38;
	[tilespmem:$0x19F00] =	vst v63  }
0x1a: {  	_ =	swait.ge [sflag:s15], $0x800  }
0x1b: {  	[sflag:s15] =	ssyncset.done $0x0  }
0x1c: {  	[sflag:s15] =	ssyncadd.s32 $0xFFFFF800  }
0x1d: {  	[tilespmem:s2], [sflag:$0x1] =	stream.strided.gather [hbm4b:s5+s14], $0xC380, s11, s14, $0x38;
	[tilespmem:$0x19F00] =	vst v63  }
0x1e: {  	_ = 	snop  }
0x1f: {  	[tilespmem:s16], [sflag:$0x2] =	stream.strided.gather [hbm4b:s6+s14], $0xC380, s11, s14, $0x38;
	[tilespmem:$0x19F00] =	vst v63  }
0x20: {  	_ =	swait.ge [sflag:s17], $0xC380  }
0x21: {  	[sflag:s17] =	ssyncset.done $0x0  }
0x22: {  	[sflag:s17] =	ssyncadd.s32 $0xFFFF3C80  }
0x23: {  	v0 =	vld [tilespmem:s22+$0x0];
	_ =	sdelay $0x3  }
0x24: {  	s31 =	sand.u32 $0x70, s2;
	s23 =	sand.u32 $0xF00, s2  }
0x25: {  	s22 =	sor.u32 s31, s23;
	vm0 =	vlt.u32 v0, $0xC380  }
0x26: {  	v1 =	vld [tilespmem:s22+$0x18F00];
	v0 =	vnsel vm0, $0x0, v0;
	_ =	sdelay $0x4  }
0x27: {  	s22 =	simm.s32 $0x18710;
	[tilespmem:v0+s2+$0x0] =	vst.idx.add.f32.msk vm0, v1  }
0x28: {  	s25 =	simm.s32 $0x20;
	s24 =	simm.s32 $0x0;
	s23 =	simm.s32 $0x10;
	v0 =	vld [tilespmem:s22+$0x0]  }
.LBB2_2:
0x29: {  	p0 =	sne.s32 s25, $0x7F0;
	_ =	sdelay $0x1  }
0x2a: {  	s24 =	sadd.s32 $0x20, s24  }
0x2b: {  	s26 =	sand.u32 $0x70, s23;
	s23 =	smov.u32 s25;
	s28 =	sand.u32 $0xF00, s24  }
0x2c: {  	s26 =	sor.u32 s26, s28;
	vm0 =	vlt.u32 v0, $0xC380  }
0x2d: {  	v1 =	vld [tilespmem:s26+$0x18F00];
	v0 =	vnsel vm0, $0x0, v0;
	_ =	sdelay $0x1  }
.Ltmp0:
0x2e: {  	(pc) =	sbr.rel @p0 .LBB2_2-.Ltmp0, $3  }
0x2f: {  	_ =	sdelay $0x1  }
0x30: {  	s22 =	sadd.s32 $0x10, s22;
	[tilespmem:v0+s2+$0x0] =	vst.idx.add.f32.msk vm0, v1  }
0x31: {  	s25 =	sadd.s32 $0x10, s25;
	v0 =	vld [tilespmem:s22+$0x0]  }
0x32: {  	_ =	sdelay $0x1  }
0x33: {  	s22 =	sadd.s32 $0x20, s24  }
0x34: {  	s23 =	sand.u32 $0x70, s23;
	s22 =	sand.u32 $0xF00, s22  }
0x35: {  	s22 =	sor.u32 s23, s22;
	vm0 =	vlt.u32 v0, $0xC380  }
0x36: {  	v1 =	vld [tilespmem:s22+$0x18F00];
	v0 =	vnsel vm0, $0x0, v0;
	_ =	sdelay $0x4  }
0x37: {  	s22 =	simm.s32 $0x0;
	[tilespmem:v0+s2+$0x0] =	vst.idx.add.f32.msk vm0, v1  }
0x38: {  	[hbm4b:s5+s14] =	stream.strided.scatter [tilespmem:s22], [sflag:$0x3], $0xC380, s11, s14, $0x38;
	[tilespmem:$0x19F00] =	vst v63  }
0x39: {  	_ =	swait.ge [sflag:s18], $0xC380  }
0x3a: {  	[sflag:s18] =	ssyncset.done $0x0  }
0x3b: {  	[sflag:s18] =	ssyncadd.s32 $0xFFFF3C80  }
0x3c: {  	[tilespmem:s22], [sflag:$0x1] =	stream.strided.gather [hbm4b:s7+s14], $0xC380, s11, s14, $0x38;
	[tilespmem:$0x19F00] =	vst v63  }
0x3d: {  	_ =	swait.ge [sflag:s19], $0xC380  }
0x3e: {  	[sflag:s19] =	ssyncset.done $0x0  }
0x3f: {  	s29 =	simm.s32 $0x18700;
	[sflag:s19] =	ssyncadd.s32 $0xFFFF3C80  }
0x40: {  	v0 =	vld [tilespmem:s29+$0x0];
	_ =	sdelay $0x4  }
0x41: {  	s30 =	sand.u32 $0x70, s22;
	s31 =	sand.u32 $0xF00, s22;
	v0 =	vadd.s32 $0xFFFF3C80, v0  }
0x42: {  	s23 =	sor.u32 s30, s31;
	vm15 =	vlt.u32 v0, $0xC380  }
0x43: {  	v1 =	vld [tilespmem:s23+$0x18F00];
	v0 =	vnsel vm15, $0x0, v0;
	_ =	sdelay $0x4  }
0x44: {  	s23 =	simm.s32 $0x18710;
	[tilespmem:v0+s16+$0x0] =	vst.idx.add.f32.msk vm15, v1  }
0x45: {  	s24 =	simm.s32 $0x10;
	s25 =	simm.s32 $0x20;
	v0 =	vld [tilespmem:s23+$0x0]  }
.LBB2_4:
0x46: {  	p0 =	sne.s32 s25, $0x7F0;
	_ =	sdelay $0x2  }
0x47: {  	s22 =	sadd.s32 $0x20, s22  }
0x48: {  	s26 =	sand.u32 $0x70, s24;
	s24 =	smov.u32 s25;
	s28 =	sand.u32 $0xF00, s22;
	v0 =	vadd.s32 $0xFFFF3C80, v0  }
0x49: {  	s26 =	sor.u32 s26, s28;
	vm0 =	vlt.u32 v0, $0xC380  }
0x4a: {  	v1 =	vld [tilespmem:s26+$0x18F00];
	v0 =	vnsel vm0, $0x0, v0;
	_ =	sdelay $0x1  }
.Ltmp1:
0x4b: {  	(pc) =	sbr.rel @p0 .LBB2_4-.Ltmp1, $3  }
0x4c: {  	_ =	sdelay $0x1  }
0x4d: {  	s23 =	sadd.s32 $0x10, s23;
	[tilespmem:v0+s16+$0x0] =	vst.idx.add.f32.msk vm0, v1  }
0x4e: {  	s25 =	sadd.s32 $0x10, s25;
	v0 =	vld [tilespmem:s23+$0x0]  }
0x4f: {  	_ =	sdelay $0x2  }
0x50: {  	s22 =	sadd.s32 $0x20, s22  }
0x51: {  	s23 =	sand.u32 $0x70, s24;
	s22 =	sand.u32 $0xF00, s22;
	v0 =	vadd.s32 $0xFFFF3C80, v0  }
0x52: {  	s22 =	sor.u32 s23, s22;
	vm0 =	vlt.u32 v0, $0xC380  }
0x53: {  	v1 =	vld [tilespmem:s22+$0x18F00];
	v0 =	vnsel vm0, $0x0, v0;
	_ =	sdelay $0x4  }
0x54: {  	[tilespmem:v0+s16+$0x0] =	vst.idx.add.f32.msk vm0, v1  }
0x55: {  	[hbm4b:s6+s14] =	stream.strided.scatter [tilespmem:s16], [sflag:$0x4], $0xC380, s11, s14, $0x38;
	[tilespmem:$0x19F00] =	vst v63  }
0x56: {  	_ =	swait.ge [sflag:s20], $0xC380  }
0x57: {  	[sflag:s20] =	ssyncset.done $0x0  }
0x58: {  	[sflag:s20] =	ssyncadd.s32 $0xFFFF3C80  }
0x59: {  	[tilespmem:s16], [sflag:$0x2] =	stream.strided.gather [hbm4b:s8+s14], $0xC380, s11, s14, $0x38;
	[tilespmem:$0x19F00] =	vst v63  }
0x5a: {  	_ =	swait.ge [sflag:s17], $0xC380  }
0x5b: {  	[sflag:s17] =	ssyncset.done $0x0  }
0x5c: {  	s29 =	simm.s32 $0x18700;
	[sflag:s17] =	ssyncadd.s32 $0xFFFF3C80  }
0x5d: {  	v0 =	vld [tilespmem:s29+$0x0];
	_ =	sdelay $0x2  }
0x5e: {  	s22 =	simm.s32 $0x0  }
0x5f: {  	s30 =	sand.u32 $0x70, s22;
	s31 =	sand.u32 $0xF00, s22  }
0x60: {  	s23 =	sor.u32 s30, s31;
	vm15 =	vlt.u32 v0, $0xC380  }
0x61: {  	v1 =	vld [tilespmem:s23+$0x18F80];
	v0 =	vnsel vm15, $0x0, v0;
	_ =	sdelay $0x4  }
0x62: {  	s23 =	simm.s32 $0x18710;
	[tilespmem:v0+s2+$0x0] =	vst.idx.add.f32.msk vm15, v1  }
0x63: {  	s24 =	simm.s32 $0x10;
	s25 =	simm.s32 $0x20;
	v0 =	vld [tilespmem:s23+$0x0]  }
.LBB2_6:
0x64: {  	p0 =	sne.s32 s25, $0x7F0;
	_ =	sdelay $0x1  }
0x65: {  	s22 =	sadd.s32 $0x20, s22  }
0x66: {  	s26 =	sand.u32 $0x70, s24;
	s24 =	smov.u32 s25;
	s28 =	sand.u32 $0xF00, s22  }
0x67: {  	s26 =	sor.u32 s26, s28;
	vm0 =	vlt.u32 v0, $0xC380  }
0x68: {  	v1 =	vld [tilespmem:s26+$0x18F80];
	v0 =	vnsel vm0, $0x0, v0;
	_ =	sdelay $0x1  }
.Ltmp2:
0x69: {  	(pc) =	sbr.rel @p0 .LBB2_6-.Ltmp2, $3  }
0x6a: {  	_ =	sdelay $0x1  }
0x6b: {  	s23 =	sadd.s32 $0x10, s23;
	[tilespmem:v0+s2+$0x0] =	vst.idx.add.f32.msk vm0, v1  }
0x6c: {  	s25 =	sadd.s32 $0x10, s25;
	v0 =	vld [tilespmem:s23+$0x0]  }
0x6d: {  	_ =	sdelay $0x1  }
0x6e: {  	s22 =	sadd.s32 $0x20, s22  }
0x6f: {  	s23 =	sand.u32 $0x70, s24;
	s22 =	sand.u32 $0xF00, s22  }
0x70: {  	s22 =	sor.u32 s23, s22;
	vm0 =	vlt.u32 v0, $0xC380  }
0x71: {  	v1 =	vld [tilespmem:s22+$0x18F80];
	v0 =	vnsel vm0, $0x0, v0;
	_ =	sdelay $0x4  }
0x72: {  	s22 =	simm.s32 $0x0;
	[tilespmem:v0+s2+$0x0] =	vst.idx.add.f32.msk vm0, v1  }
0x73: {  	[hbm4b:s7+s14] =	stream.strided.scatter [tilespmem:s22], [sflag:$0x3], $0xC380, s11, s14, $0x38;
	[tilespmem:$0x19F00] =	vst v63  }
0x74: {  	_ =	swait.ge [sflag:s19], $0xC380  }
0x75: {  	[sflag:s19] =	ssyncset.done $0x0  }
0x76: {  	s29 =	simm.s32 $0x18700;
	[sflag:s19] =	ssyncadd.s32 $0xFFFF3C80  }
0x77: {  	v0 =	vld [tilespmem:s29+$0x0];
	_ =	sdelay $0x4  }
0x78: {  	s30 =	sand.u32 $0x70, s22;
	s31 =	sand.u32 $0xF00, s22;
	v0 =	vadd.s32 $0xFFFF3C80, v0  }
0x79: {  	s23 =	sor.u32 s30, s31;
	vm15 =	vlt.u32 v0, $0xC380  }
0x7a: {  	v1 =	vld [tilespmem:s23+$0x18F80];
	v0 =	vnsel vm15, $0x0, v0;
	_ =	sdelay $0x4  }
0x7b: {  	s23 =	simm.s32 $0x18710;
	[tilespmem:v0+s16+$0x0] =	vst.idx.add.f32.msk vm15, v1  }
0x7c: {  	s24 =	simm.s32 $0x10;
	s25 =	simm.s32 $0x20;
	v0 =	vld [tilespmem:s23+$0x0]  }
.LBB2_8:
0x7d: {  	p0 =	sne.s32 s25, $0x7F0;
	_ =	sdelay $0x2  }
0x7e: {  	s22 =	sadd.s32 $0x20, s22  }
0x7f: {  	s26 =	sand.u32 $0x70, s24;
	s24 =	smov.u32 s25;
	s28 =	sand.u32 $0xF00, s22;
	v0 =	vadd.s32 $0xFFFF3C80, v0  }
0x80: {  	s26 =	sor.u32 s26, s28;
	vm0 =	vlt.u32 v0, $0xC380  }
0x81: {  	v1 =	vld [tilespmem:s26+$0x18F80];
	v0 =	vnsel vm0, $0x0, v0;
	_ =	sdelay $0x1  }
.Ltmp3:
0x82: {  	(pc) =	sbr.rel @p0 .LBB2_8-.Ltmp3, $3  }
0x83: {  	_ =	sdelay $0x1  }
0x84: {  	s23 =	sadd.s32 $0x10, s23;
	[tilespmem:v0+s16+$0x0] =	vst.idx.add.f32.msk vm0, v1  }
0x85: {  	s25 =	sadd.s32 $0x10, s25;
	v0 =	vld [tilespmem:s23+$0x0]  }
0x86: {  	_ =	sdelay $0x2  }
0x87: {  	s22 =	sadd.s32 $0x20, s22  }
0x88: {  	s23 =	sand.u32 $0x70, s24;
	s22 =	sand.u32 $0xF00, s22;
	v0 =	vadd.s32 $0xFFFF3C80, v0  }
0x89: {  	s22 =	sor.u32 s23, s22;
	vm0 =	vlt.u32 v0, $0xC380  }
0x8a: {  	v1 =	vld [tilespmem:s22+$0x18F80];
	v0 =	vnsel vm0, $0x0, v0;
	_ =	sdelay $0x4  }
0x8b: {  	s21 =	sadd.s32 $0x1, s21;
	[tilespmem:v0+s16+$0x0] =	vst.idx.add.f32.msk vm0, v1  }
0x8c: {  	[hbm4b:s8+s14] =	stream.strided.scatter [tilespmem:s16], [sflag:$0x4], $0xC380, s11, s14, $0x38;
	[tilespmem:$0x19F00] =	vst v63  }
0x8d: {  	p0 =	sne.s32 s21, s9;
	_ =	swait.ge [sflag:s18], $0xC380  }
.Ltmp4:
0x8e: {  	[sflag:s18] =	ssyncset.done $0x0;
	(pc) =	sbr.rel @p0 .LBB2_1-.Ltmp4, $4  }
0x8f: {  	[sflag:s18] =	ssyncadd.s32 $0xFFFF3C80  }
0x90: {  	_ =	swait.ge [sflag:s20], $0xC380  }
0x91: {  	[sflag:s20] =	ssyncset.done $0x0  }
0x92: {  	[sflag:s20] =	ssyncadd.s32 $0xFFFF3C80  }
0x93: {  	_ =	sfence.sel $0x180000  }
0x94: {  	[bflag:$0x0] =	sbarrier.arrive $0xFFFF  }
0x95: {  	p0 =	sne.s32 s0, $0x0;
	_ =	strace $0x90000050  }
0x96: {  	s0 =	sadd.s32 @!p0 $0x100000, s1;
	[bflag:$0x2] =	sbarrier.arrive $0xFFFF  }
0x97: {  	[sflag:s0] =	ssyncadd.tile.s32 @!p0 $0x1;
	_ =	shalt  }
.Lfunc_end2:
_tile_overlayer_lowered:
.L_overlay_start_2:
0x98: {  	(tag) =	ssettag $0x2  }
0x99: {  	s0 =	rddreg [dreg:$0x0];
	s2 =	stileid.u32  }
0x9a: {  	s1 =	rddreg [dreg:$0x1];
	p0 =	sne.s32 s2, $0x0  }
0x9b: {  	s3 =	rddreg [dreg:$0x2];
	[bflag:$0x3] =	sbarrier.arrive $0xFFFF;
	s2 =	simm.s32 @!p0 $0x1C06  }
0x9c: {  	[timem:s3], [sflag:s2] =	dma.local @!p0 [hbm:s0], s1  }
0x9d: {  	s0 =	simm.s32 @!p0 $0x6  }
0x9e: {  	_ =	swait.ge @!p0 [sflag:s0], s1  }
0x9f: {  	s1 =	ssub.s32 @!p0 $0x0, s1;
	[sflag:s0] =	ssyncset.done @!p0 $0x0  }
0xa0: {  	[sflag:s0] =	ssyncadd.s32 @!p0 s1  }
0xa1: {  	[bflag:$0x3] =	sbarrier.arrive $0xFFFF  }
0xa2: {  	_ =	shalt  }

</sc_bundles>
